<compile_context>
chip_gen: v7x
topology: tpu7x:2x2x1
jax: 0.10.2.dev20260603
libtpu: 0.0.44.dev20260713+nightly
codegen_flags: <defaults>
</compile_context>

<pallas_src>
import functools

import jax
import jax.numpy as jnp
from jax.experimental import pallas as pl
from jax.experimental.pallas import tpu as pltpu

B = 2
FEATURE_DIM = 128
NUM_ANCHORS = 2
H = 100
W = 100
SCORE_T = 0.5
NMS_T = 0.7
STRIDE = 8.0
N_GT = 20
PRE_NMS_K = 1000
M = H * W * NUM_ANCHORS


def _anchors_t():
    ys = (jnp.arange(H, dtype=jnp.float32) + 0.5) * STRIDE
    xs = (jnp.arange(W, dtype=jnp.float32) + 0.5) * STRIDE
    gy, gx = jnp.meshgrid(ys, xs, indexing='ij')
    sizes = jnp.array([[16., 16., 4.], [32., 32., 6.]], dtype=jnp.float32)[:NUM_ANCHORS]
    cx = jnp.broadcast_to(gx[:, :, None], (H, W, NUM_ANCHORS))
    cy = jnp.broadcast_to(gy[:, :, None], (H, W, NUM_ANCHORS))
    cz = jnp.full((H, W, NUM_ANCHORS), 1.0, dtype=jnp.float32)
    sx = jnp.broadcast_to(sizes[None, None, :, 0], (H, W, NUM_ANCHORS))
    sy = jnp.broadcast_to(sizes[None, None, :, 1], (H, W, NUM_ANCHORS))
    sz = jnp.broadcast_to(sizes[None, None, :, 2], (H, W, NUM_ANCHORS))
    a = jnp.stack([cx, cy, cz, sx, sy, sz], axis=-1)
    a = jnp.concatenate([a, jnp.zeros((H, W, NUM_ANCHORS, 3), dtype=jnp.float32)], axis=-1)
    return a.reshape(-1, 9).T.reshape(1, 9, M)


def _post_body(obj_ref, reg_ref, anch_ref, tgt_ref,
               prop_ref, masked_ref, lobj_ref, lreg_ref):
    o = obj_ref[0]
    rT = reg_ref[0]
    aT = anch_ref[0]
    tT = tgt_ref[0]

    xyz = rT[0:3] * aT[3:6] + aT[0:3]
    size = aT[3:6] * jnp.exp(jnp.clip(rT[3:6], -10.0, 10.0))
    rot = aT[6:9] + rT[6:9]
    prop_ref[0] = jnp.concatenate([xyz, size, rot], axis=0)

    s = jax.nn.sigmoid(o)
    masked_ref[0] = jnp.where(s >= SCORE_T, s, -1.0)

    ax1 = aT[0:1] - aT[3:4] * 0.5
    ax2 = aT[0:1] + aT[3:4] * 0.5
    ay1 = aT[1:2] - aT[4:5] * 0.5
    ay2 = aT[1:2] + aT[4:5] * 0.5
    area_b = (ax2 - ax1) * (ay2 - ay1)

    best = jnp.full((1, M), -jnp.inf, dtype=jnp.float32)
    midx = jnp.zeros((1, M), dtype=jnp.int32)
    lq = jnp.zeros((1, M), dtype=jnp.bool_)
    for g in range(N_GT):
        gx = tT[0:1, g:g + 1]
        gy = tT[1:2, g:g + 1]
        gsx = tT[3:4, g:g + 1]
        gsy = tT[4:5, g:g + 1]
        gx1 = gx - gsx * 0.5
        gx2 = gx + gsx * 0.5
        gy1 = gy - gsy * 0.5
        gy2 = gy + gsy * 0.5
        iw = jnp.clip(jnp.minimum(gx2, ax2) - jnp.maximum(gx1, ax1), 0.0)
        ih = jnp.clip(jnp.minimum(gy2, ay2) - jnp.maximum(gy1, ay1), 0.0)
        inter = iw * ih
        area_a = (gx2 - gx1) * (gy2 - gy1)
        iou = inter / (area_a + area_b - inter + 1e-8)
        bpg = jnp.max(iou)
        lq = lq | (iou >= bpg - 1e-7)
        upd = iou > best
        best = jnp.where(upd, iou, best)
        midx = jnp.where(upd, g, midx)

    idxs = jnp.where(best < 0.2, -1, jnp.where(best < 0.6, -2, midx))
    idxs = jnp.where(lq, midx, idxs)
    gidx = jnp.maximum(idxs, 0)
    mg = jnp.zeros((9, M), dtype=jnp.float32)
    for g in range(N_GT):
        mg = jnp.where(gidx == g, tT[:, g:g + 1], mg)

    t1 = (mg[0:3] - aT[0:3]) / aT[3:6]
    t2 = jnp.log(jnp.maximum(mg[3:6], 1e-4) / aT[3:6])
    t3 = mg[6:9] - aT[6:9]
    rt = jnp.concatenate([t1, t2, t3], axis=0)
    d = rT - rt
    ad = jnp.abs(d)
    lreg = jnp.sum(jnp.where(ad < 1.0, 0.5 * d * d, ad - 0.5))

    lab = (idxs >= 0).astype(jnp.float32)
    lab = jnp.where(idxs == -1, 0.0, lab)
    lab = jnp.where(idxs == -2, -1.0, lab)
    lobj = jnp.sum(jnp.maximum(o, 0.0) - o * lab + jnp.log1p(jnp.exp(-jnp.abs(o))))

    lobj_ref[0] = jnp.full((1, 128), lobj, dtype=jnp.float32)
    lreg_ref[0] = jnp.full((1, 128), lreg, dtype=jnp.float32)


def _nms_body(tb_ref, tbT_ref, ts_ref, keep_ref, dscore_ref, dboxT_ref, iou_ref):
    tb = tb_ref[0]
    tbT = tbT_ref[0]
    ts = ts_ref[0]

    x1c = tb[:, 0:1] - tb[:, 3:4] * 0.5
    x2c = tb[:, 0:1] + tb[:, 3:4] * 0.5
    y1c = tb[:, 1:2] - tb[:, 4:5] * 0.5
    y2c = tb[:, 1:2] + tb[:, 4:5] * 0.5
    x1r = tbT[0:1] - tbT[3:4] * 0.5
    x2r = tbT[0:1] + tbT[3:4] * 0.5
    y1r = tbT[1:2] - tbT[4:5] * 0.5
    y2r = tbT[1:2] + tbT[4:5] * 0.5
    iw = jnp.clip(jnp.minimum(x2c, x2r) - jnp.maximum(x1c, x1r), 0.0)
    ih = jnp.clip(jnp.minimum(y2c, y2r) - jnp.maximum(y1c, y1r), 0.0)
    inter = iw * ih
    area_c = (x2c - x1c) * (y2c - y1c)
    area_r = (x2r - x1r) * (y2r - y1r)
    iou_ref[...] = inter / (area_c + area_r - inter + 1e-8)

    lanes = jax.lax.broadcasted_iota(jnp.int32, (1, PRE_NMS_K), 1)
    valid_f = jnp.where(ts >= SCORE_T, 1.0, 0.0)

    S = 8
    lanes8 = jax.lax.broadcasted_iota(jnp.int32, (S, PRE_NMS_K), 1)
    rowi8 = jax.lax.broadcasted_iota(jnp.int32, (S, 1), 0)

    def blk_body(blk, keep_f):
        base = blk * S
        rows = iou_ref[pl.ds(base, S), :]
        sel = lanes8 == (base + rowi8)
        kcol = jnp.max(jnp.where(sel, keep_f, 0.0), axis=1, keepdims=True)
        bblk = tb_ref[0, pl.ds(base, S), :]
        bT = jnp.transpose(bblk)
        bx1c = bblk[:, 0:1] - bblk[:, 3:4] * 0.5
        bx2c = bblk[:, 0:1] + bblk[:, 3:4] * 0.5
        by1c = bblk[:, 1:2] - bblk[:, 4:5] * 0.5
        by2c = bblk[:, 1:2] + bblk[:, 4:5] * 0.5
        bx1r = bT[0:1] - bT[3:4] * 0.5
        bx2r = bT[0:1] + bT[3:4] * 0.5
        by1r = bT[1:2] - bT[4:5] * 0.5
        by2r = bT[1:2] + bT[4:5] * 0.5
        biw = jnp.clip(jnp.minimum(bx2c, bx2r) - jnp.maximum(bx1c, bx1r), 0.0)
        bih = jnp.clip(jnp.minimum(by2c, by2r) - jnp.maximum(by1c, by1r), 0.0)
        binter = biw * bih
        bac = (bx2c - bx1c) * (by2c - by1c)
        bar = (bx2r - bx1r) * (by2r - by1r)
        dblk = binter / (bac + bar - binter + 1e-8)
        for j in range(S):
            kj = kcol[j:j + 1, 0:1]
            dj = dblk[:, j:j + 1]
            supj = (kj > 0.0) & (dj > NMS_T) & (rowi8 > j)
            kcol = jnp.where(supj, 0.0, kcol)
        sup = (kcol > 0.0) & (rows > NMS_T) & (lanes8 > base + rowi8)
        sup_any = jnp.max(jnp.where(sup, 1.0, 0.0), axis=0, keepdims=True)
        return jnp.where(sup_any > 0.0, 0.0, keep_f)

    keep_f = jax.lax.fori_loop(0, PRE_NMS_K // S, blk_body, valid_f)
    keep = keep_f > 0.0
    keep_ref[0] = keep_f
    dscore_ref[0] = jnp.where(keep, ts, 0.0)
    dboxT_ref[0] = jnp.where(keep, tbT, 0.0)


@functools.partial(jax.jit, static_argnums=())
def kernel(x, targets, rpn_w, rpn_b, cls_w, cls_b, reg_w, reg_b):
    f = jax.nn.relu(jax.lax.conv_general_dilated(
        x, rpn_w, window_strides=(1, 1), padding='SAME',
        dimension_numbers=('NCHW', 'OIHW', 'NCHW')) + rpn_b[None, :, None, None])
    obj = jax.lax.conv_general_dilated(
        f, cls_w, window_strides=(1, 1), padding='VALID',
        dimension_numbers=('NCHW', 'OIHW', 'NCHW')) + cls_b[None, :, None, None]
    reg = jax.lax.conv_general_dilated(
        f, reg_w, window_strides=(1, 1), padding='VALID',
        dimension_numbers=('NCHW', 'OIHW', 'NCHW')) + reg_b[None, :, None, None]

    obj3 = jnp.transpose(obj, (0, 2, 3, 1)).reshape(B, 1, M)
    regT = jnp.transpose(reg.reshape(B, NUM_ANCHORS, 9, H, W),
                         (0, 2, 3, 4, 1)).reshape(B, 9, M)
    anchT = _anchors_t()
    tgtT = jnp.transpose(targets, (0, 2, 1))

    propT, masked, lobj, lreg = pl.pallas_call(
        _post_body,
        grid=(B,),
        in_specs=[
            pl.BlockSpec((1, 1, M), lambda b: (b, 0, 0)),
            pl.BlockSpec((1, 9, M), lambda b: (b, 0, 0)),
            pl.BlockSpec((1, 9, M), lambda b: (0, 0, 0)),
            pl.BlockSpec((1, 9, N_GT), lambda b: (b, 0, 0)),
        ],
        out_specs=[
            pl.BlockSpec((1, 9, M), lambda b: (b, 0, 0)),
            pl.BlockSpec((1, 1, M), lambda b: (b, 0, 0)),
            pl.BlockSpec((1, 1, 128), lambda b: (b, 0, 0)),
            pl.BlockSpec((1, 1, 128), lambda b: (b, 0, 0)),
        ],
        out_shape=[
            jax.ShapeDtypeStruct((B, 9, M), jnp.float32),
            jax.ShapeDtypeStruct((B, 1, M), jnp.float32),
            jax.ShapeDtypeStruct((B, 1, 128), jnp.float32),
            jax.ShapeDtypeStruct((B, 1, 128), jnp.float32),
        ],
    )(obj3, regT, anchT, tgtT)

    loss_obj = lobj[0, 0, 0] + lobj[1, 0, 0]
    loss_reg = lreg[0, 0, 0] + lreg[1, 0, 0]

    top_s, top_i = jax.lax.top_k(masked.reshape(B, M), PRE_NMS_K)
    tbT = jnp.take_along_axis(propT, top_i[:, None, :], axis=2)
    tb = jnp.transpose(tbT, (0, 2, 1))
    ts3 = top_s.reshape(B, 1, PRE_NMS_K)

    keep_f, dscore, dboxT = pl.pallas_call(
        _nms_body,
        grid=(B,),
        in_specs=[
            pl.BlockSpec((1, PRE_NMS_K, 9), lambda b: (b, 0, 0)),
            pl.BlockSpec((1, 9, PRE_NMS_K), lambda b: (b, 0, 0)),
            pl.BlockSpec((1, 1, PRE_NMS_K), lambda b: (b, 0, 0)),
        ],
        out_specs=[
            pl.BlockSpec((1, 1, PRE_NMS_K), lambda b: (b, 0, 0)),
            pl.BlockSpec((1, 1, PRE_NMS_K), lambda b: (b, 0, 0)),
            pl.BlockSpec((1, 9, PRE_NMS_K), lambda b: (b, 0, 0)),
        ],
        out_shape=[
            jax.ShapeDtypeStruct((B, 1, PRE_NMS_K), jnp.float32),
            jax.ShapeDtypeStruct((B, 1, PRE_NMS_K), jnp.float32),
            jax.ShapeDtypeStruct((B, 9, PRE_NMS_K), jnp.float32),
        ],
        scratch_shapes=[pltpu.VMEM((PRE_NMS_K, PRE_NMS_K), jnp.float32)],
    )(tb, tbT, ts3)

    det_boxes = jnp.transpose(dboxT, (0, 2, 1))
    det_scores = dscore.reshape(B, PRE_NMS_K)
    det_keep = keep_f.reshape(B, PRE_NMS_K) > 0.5
    return (det_boxes, det_scores, det_keep, loss_obj, loss_reg)

# --- scband reference (transcript-rebuilt; emitter-appended) ---
"""Pipeline reference for scband-region-proposal-network-26731876450582 (READ-ONLY COPY).

The authoritative reference and input builder live on the scoring server;
editing this copy changes nothing except your own understanding.
"""

import jax, jax.numpy as jnp
import numpy as np

B = 2
FEATURE_DIM = 128
NUM_ANCHORS = 2
H = 100
W = 100
SCORE_T = 0.5
NMS_T = 0.7
STRIDE = 8.0
N_GT = 20
PRE_NMS_K = 1000
M = H * W * NUM_ANCHORS


def make_anchors():
    ys = (jnp.arange(H, dtype=jnp.float32) + 0.5) * STRIDE
    xs = (jnp.arange(W, dtype=jnp.float32) + 0.5) * STRIDE
    gy, gx = jnp.meshgrid(ys, xs, indexing='ij')
    sizes = jnp.array([[16., 16., 4.], [32., 32., 6.]], dtype=jnp.float32)[:NUM_ANCHORS]
    cx = jnp.broadcast_to(gx[:, :, None], (H, W, NUM_ANCHORS))
    cy = jnp.broadcast_to(gy[:, :, None], (H, W, NUM_ANCHORS))
    cz = jnp.full((H, W, NUM_ANCHORS), 1.0, dtype=jnp.float32)
    sx = jnp.broadcast_to(sizes[None, None, :, 0], (H, W, NUM_ANCHORS))
    sy = jnp.broadcast_to(sizes[None, None, :, 1], (H, W, NUM_ANCHORS))
    sz = jnp.broadcast_to(sizes[None, None, :, 2], (H, W, NUM_ANCHORS))
    a = jnp.stack([cx, cy, cz, sx, sy, sz], axis=-1)
    a = jnp.concatenate([a, jnp.zeros((H, W, NUM_ANCHORS, 3), dtype=jnp.float32)], axis=-1)
    return a.reshape(-1, 9)


def conv2d(x, w, b, pad):
    y = jax.lax.conv_general_dilated(x, w, window_strides=(1, 1), padding=pad,
                                     dimension_numbers=('NCHW', 'OIHW', 'NCHW'))
    return y + b[None, :, None, None]


def decode(deltas, anchors):
    xyz = deltas[..., :3] * anchors[..., 3:6] + anchors[..., :3]
    size = anchors[..., 3:6] * jnp.exp(jnp.clip(deltas[..., 3:6], -10.0, 10.0))
    rot = anchors[..., 6:9] + deltas[..., 6:9]
    return jnp.concatenate([xyz, size, rot], axis=-1)


def encode(gt, anchors):
    t1 = (gt[..., :3] - anchors[..., :3]) / anchors[..., 3:6]
    t2 = jnp.log(jnp.maximum(gt[..., 3:6], 1e-4) / anchors[..., 3:6])
    t3 = gt[..., 6:9] - anchors[..., 6:9]
    return jnp.concatenate([t1, t2, t3], axis=-1)


def bev_iou(a, b):
    ax1 = a[:, 0] - a[:, 3] * 0.5
    ax2 = a[:, 0] + a[:, 3] * 0.5
    ay1 = a[:, 1] - a[:, 4] * 0.5
    ay2 = a[:, 1] + a[:, 4] * 0.5
    bx1 = b[:, 0] - b[:, 3] * 0.5
    bx2 = b[:, 0] + b[:, 3] * 0.5
    by1 = b[:, 1] - b[:, 4] * 0.5
    by2 = b[:, 1] + b[:, 4] * 0.5
    iw = jnp.clip(jnp.minimum(ax2[:, None], bx2[None, :]) - jnp.maximum(ax1[:, None], bx1[None, :]), 0.0)
    ih = jnp.clip(jnp.minimum(ay2[:, None], by2[None, :]) - jnp.maximum(ay1[:, None], by1[None, :]), 0.0)
    inter = iw * ih
    area_a = (ax2 - ax1) * (ay2 - ay1)
    area_b = (bx2 - bx1) * (by2 - by1)
    return inter / (area_a[:, None] + area_b[None, :] - inter + 1e-8)


def nms_keep(boxes, valid):
    iou = bev_iou(boxes, boxes)
    rng = jnp.arange(PRE_NMS_K)
    def body(i, keep):
        sup = keep[i] & (iou[i] > NMS_T) & (rng > i)
        return keep & (~sup)
    return jax.lax.fori_loop(0, PRE_NMS_K, body, valid)


def setup_inputs(seed: int = 0):
    key = jax.random.key(seed)
    ks = jax.random.split(key, 8)
    x = jax.random.normal(ks[0], (B, FEATURE_DIM, H, W), dtype=jnp.float32)
    ctr = jax.random.uniform(ks[1], (B, N_GT, 3), dtype=jnp.float32) * jnp.array([W * STRIDE, H * STRIDE, 4.0], dtype=jnp.float32)
    sz = jax.random.uniform(ks[2], (B, N_GT, 3), dtype=jnp.float32) * 24.0 + 8.0
    rot = jax.random.normal(ks[3], (B, N_GT, 3), dtype=jnp.float32) * 0.1
    targets = jnp.concatenate([ctr, sz, rot], axis=-1)
    rpn_w = jax.random.normal(ks[4], (FEATURE_DIM, FEATURE_DIM, 3, 3), dtype=jnp.float32) / np.float32(np.sqrt(FEATURE_DIM * 9))
    rpn_b = jnp.zeros((FEATURE_DIM,), jnp.float32)
    cls_w = jax.random.normal(ks[5], (NUM_ANCHORS, FEATURE_DIM, 1, 1), dtype=jnp.float32) / np.float32(np.sqrt(FEATURE_DIM))
    cls_b = jnp.zeros((NUM_ANCHORS,), jnp.float32)
    reg_w = jax.random.normal(ks[6], (NUM_ANCHORS * 9, FEATURE_DIM, 1, 1), dtype=jnp.float32) * 0.01
    reg_b = jnp.zeros((NUM_ANCHORS * 9,), jnp.float32)
    return {"x": x, "targets": targets, "rpn_w": rpn_w, "rpn_b": rpn_b,
            "cls_w": cls_w, "cls_b": cls_b, "reg_w": reg_w, "reg_b": reg_b}


def reference(x, targets, rpn_w, rpn_b, cls_w, cls_b, reg_w, reg_b):
    anchors = make_anchors()
    f = jax.nn.relu(conv2d(x, rpn_w, rpn_b, 'SAME'))
    obj = conv2d(f, cls_w, cls_b, 'VALID')
    reg = conv2d(f, reg_w, reg_b, 'VALID')
    obj_flat = jnp.transpose(obj, (0, 2, 3, 1)).reshape(B, M)
    reg_flat = jnp.transpose(reg.reshape(B, NUM_ANCHORS, 9, H, W), (0, 3, 4, 1, 2)).reshape(B, M, 9)
    proposals = decode(jax.lax.stop_gradient(reg_flat), anchors[None])
    scores = jax.nn.sigmoid(jax.lax.stop_gradient(obj_flat))
    det_boxes, det_scores, det_keep = [], [], []
    for b in range(B):
        s = scores[b]
        valid = s >= SCORE_T
        masked = jnp.where(valid, s, -1.0)
        top_s, top_i = jax.lax.top_k(masked, PRE_NMS_K)
        top_b = proposals[b][top_i]
        top_valid = top_s >= SCORE_T
        keep = nms_keep(top_b, top_valid)
        det_boxes.append(jnp.where(keep[:, None], top_b, 0.0))
        det_scores.append(jnp.where(keep, top_s, 0.0))
        det_keep.append(keep)
    det_boxes = jnp.stack(det_boxes)
    det_scores = jnp.stack(det_scores)
    det_keep = jnp.stack(det_keep)
    # training branch (module defaults to training mode): assign targets + losses
    labels_all, mgt_all = [], []
    for b in range(B):
        mqm = bev_iou(targets[b], anchors)
        mvals = mqm.max(axis=0)
        midx = jnp.argmax(mqm, axis=0)
        idxs = jnp.where(mvals < 0.2, -1, jnp.where(mvals < 0.6, -2, midx))
        best_per_gt = mqm.max(axis=1)
        lq = jnp.any(mqm >= best_per_gt[:, None] - 1e-7, axis=0)
        idxs = jnp.where(lq, midx, idxs)
        mg = targets[b][jnp.maximum(idxs, 0)]
        lab = (idxs >= 0).astype(jnp.float32)
        lab = jnp.where(idxs == -1, 0.0, lab)
        lab = jnp.where(idxs == -2, -1.0, lab)
        labels_all.append(lab)
        mgt_all.append(mg)
    labels = jnp.stack(labels_all)
    mgt = jnp.stack(mgt_all)
    reg_targets = encode(mgt, anchors[None])
    o = obj_flat
    loss_obj = jnp.sum(jnp.maximum(o, 0.0) - o * labels + jnp.log1p(jnp.exp(-jnp.abs(o))))
    d = reg_flat - reg_targets
    ad = jnp.abs(d)
    loss_reg = jnp.sum(jnp.where(ad < 1.0, 0.5 * d * d, ad - 0.5))
    return (det_boxes, det_scores, det_keep, loss_obj, loss_reg)

if __name__ == "__main__":
    import jax
    _d = setup_inputs()
    print(jax.jit(kernel)(*tuple(_d.values())))

</pallas_src>

<mosaic_0001>
module attributes {stable_mosaic.version = 14 : i64} {
  func.func @_post_body(%arg0: i32, %arg1: memref<1x1x20000xf32, #tpu.memory_space<vmem>>, %arg2: memref<1x9x20000xf32, #tpu.memory_space<vmem>>, %arg3: memref<1x9x20000xf32, #tpu.memory_space<vmem>>, %arg4: memref<1x9x20xf32, #tpu.memory_space<vmem>>, %arg5: memref<1x9x20000xf32, #tpu.memory_space<vmem>>, %arg6: memref<1x1x20000xf32, #tpu.memory_space<vmem>>, %arg7: memref<1x1x128xf32, #tpu.memory_space<vmem>>, %arg8: memref<1x1x128xf32, #tpu.memory_space<vmem>>) attributes {dimension_semantics = [#tpu.dimension_semantics<arbitrary>], iteration_bounds = array<i64: 2>, scalar_prefetch = 0 : i64, scratch_operands = 0 : i64, tpu.core_type = #tpu.core_type<tc>, window_params = [{transform_indices = @transform_0, window_bounds = array<i64: 1, 1, 20000>}, {transform_indices = @transform_1, window_bounds = array<i64: 1, 9, 20000>}, {pipeline_mode = #tpu.pipeline_mode<synchronous>, transform_indices = @transform_2, window_bounds = array<i64: 1, 9, 20000>}, {transform_indices = @transform_3, window_bounds = array<i64: 1, 9, 20>}, {transform_indices = @transform_4, window_bounds = array<i64: 1, 9, 20000>}, {transform_indices = @transform_5, window_bounds = array<i64: 1, 1, 20000>}, {transform_indices = @transform_6, window_bounds = array<i64: 1, 1, 128>}, {transform_indices = @transform_7, window_bounds = array<i64: 1, 1, 128>}]} {
    %get3A = arith.constant 0 : index
    %get3A_0 = arith.constant 0 : index
    %get3A_1 = arith.constant 0 : index
    %get3A_2 = vector.load %arg1[%get3A, %get3A_0, %get3A_1] : memref<1x1x20000xf32, #tpu.memory_space<vmem>>, vector<1x1x20000xf32>
    %get3A_3 = vector.shape_cast %get3A_2 : vector<1x1x20000xf32> to vector<1x20000xf32>
    %get3A_4 = arith.constant 0 : index
    %get3A_5 = arith.constant 0 : index
    %get3A_6 = arith.constant 0 : index
    %get3A_7 = vector.load %arg2[%get3A_4, %get3A_5, %get3A_6] : memref<1x9x20000xf32, #tpu.memory_space<vmem>>, vector<1x9x20000xf32>
    %get3A_8 = vector.shape_cast %get3A_7 : vector<1x9x20000xf32> to vector<9x20000xf32>
    %get3A_9 = arith.constant 0 : index
    %get3A_10 = arith.constant 0 : index
    %get3A_11 = arith.constant 0 : index
    %get3A_12 = vector.load %arg3[%get3A_9, %get3A_10, %get3A_11] : memref<1x9x20000xf32, #tpu.memory_space<vmem>>, vector<1x9x20000xf32>
    %get3A_13 = vector.shape_cast %get3A_12 : vector<1x9x20000xf32> to vector<9x20000xf32>
    %get3A_14 = arith.constant 0 : index
    %get3A_15 = arith.constant 0 : index
    %get3A_16 = arith.constant 0 : index
    %get3A_17 = vector.load %arg4[%get3A_14, %get3A_15, %get3A_16] : memref<1x9x20xf32, #tpu.memory_space<vmem>>, vector<1x9x20xf32>
    %get3A_18 = vector.shape_cast %get3A_17 : vector<1x9x20xf32> to vector<9x20xf32>
    %slice3A = vector.extract_strided_slice %get3A_8 {offsets = [0, 0], sizes = [3, 20000], strides = [1, 1]} : vector<9x20000xf32> to vector<3x20000xf32>
    %slice3A_19 = vector.extract_strided_slice %get3A_13 {offsets = [3, 0], sizes = [3, 20000], strides = [1, 1]} : vector<9x20000xf32> to vector<3x20000xf32>
    %mul3A = arith.mulf %slice3A, %slice3A_19 : vector<3x20000xf32>
    %slice3A_20 = vector.extract_strided_slice %get3A_13 {offsets = [0, 0], sizes = [3, 20000], strides = [1, 1]} : vector<9x20000xf32> to vector<3x20000xf32>
    %add3A = arith.addf %mul3A, %slice3A_20 : vector<3x20000xf32>
    %slice3A_21 = vector.extract_strided_slice %get3A_13 {offsets = [3, 0], sizes = [3, 20000], strides = [1, 1]} : vector<9x20000xf32> to vector<3x20000xf32>
    %slice3A_22 = vector.extract_strided_slice %get3A_8 {offsets = [3, 0], sizes = [3, 20000], strides = [1, 1]} : vector<9x20000xf32> to vector<3x20000xf32>
    %jit3A = arith.constant -1.000000e+01 : f32
    %jit3A_23 = arith.constant 1.000000e+01 : f32
    %max3A = vector.broadcast %jit3A : f32 to vector<3x20000xf32>
    %max3A_24 = arith.maximumf %max3A, %slice3A_22 : vector<3x20000xf32>
    %min3A = vector.broadcast %jit3A_23 : f32 to vector<3x20000xf32>
    %min3A_25 = arith.minimumf %min3A, %max3A_24 : vector<3x20000xf32>
    %exp3A = math.exp %min3A_25 : vector<3x20000xf32>
    %mul3A_26 = arith.mulf %slice3A_21, %exp3A : vector<3x20000xf32>
    %slice3A_27 = vector.extract_strided_slice %get3A_13 {offsets = [6, 0], sizes = [3, 20000], strides = [1, 1]} : vector<9x20000xf32> to vector<3x20000xf32>
    %slice3A_28 = vector.extract_strided_slice %get3A_8 {offsets = [6, 0], sizes = [3, 20000], strides = [1, 1]} : vector<9x20000xf32> to vector<3x20000xf32>
    %add3A_29 = arith.addf %slice3A_27, %slice3A_28 : vector<3x20000xf32>
    %concatenate3A = tpu.concatenate %add3A, %mul3A_26, %add3A_29 in 0 : vector<3x20000xf32>, vector<3x20000xf32>, vector<3x20000xf32> -> vector<9x20000xf32>
    %swap3A = arith.constant 0 : index
    %swap3A_30 = arith.constant 0 : index
    %swap3A_31 = arith.constant 0 : index
    %swap3A_32 = vector.load %arg5[%swap3A, %swap3A_30, %swap3A_31] : memref<1x9x20000xf32, #tpu.memory_space<vmem>>, vector<1x9x20000xf32>
    %swap3A_33 = vector.shape_cast %swap3A_32 : vector<1x9x20000xf32> to vector<9x20000xf32>
    %swap3A_34 = vector.shape_cast %concatenate3A : vector<9x20000xf32> to vector<1x9x20000xf32>
    tpu.vector_store %arg5[%swap3A, %swap3A_30, %swap3A_31], %swap3A_34 {strides = array<i32>} : memref<1x9x20000xf32, #tpu.memory_space<vmem>>, vector<1x9x20000xf32>,
    %logistic3A = arith.negf %get3A_3 : vector<1x20000xf32>
    %logistic3A_35 = math.exp %logistic3A : vector<1x20000xf32>
    %logistic3A_36 = arith.constant 1.000000e+00 : f32
    %logistic3A_37 = vector.broadcast %logistic3A_36 : f32 to vector<1x20000xf32>
    %logistic3A_38 = arith.addf %logistic3A_37, %logistic3A_35 : vector<1x20000xf32>
    %logistic3A_39 = arith.divf %logistic3A_37, %logistic3A_38 : vector<1x20000xf32>
    %ge3A = arith.constant 5.000000e-01 : f32
    %ge3A_40 = vector.broadcast %ge3A : f32 to vector<1x20000xf32>
    %ge3A_41 = arith.cmpf oge, %logistic3A_39, %ge3A_40 : vector<1x20000xf32>
    %jit3A_42 = arith.constant -1.000000e+00 : f32
    %broadcast_in_dim3A = vector.broadcast %jit3A_42 : f32 to vector<1x20000xf32>
    %select_n3A = arith.select %ge3A_41, %logistic3A_39, %broadcast_in_dim3A : vector<1x20000xi1>, vector<1x20000xf32>
    %swap3A_43 = arith.constant 0 : index
    %swap3A_44 = arith.constant 0 : index
    %swap3A_45 = arith.constant 0 : index
    %swap3A_46 = vector.load %arg6[%swap3A_43, %swap3A_44, %swap3A_45] : memref<1x1x20000xf32, #tpu.memory_space<vmem>>, vector<1x1x20000xf32>
    %swap3A_47 = vector.shape_cast %swap3A_46 : vector<1x1x20000xf32> to vector<1x20000xf32>
    %swap3A_48 = vector.shape_cast %select_n3A : vector<1x20000xf32> to vector<1x1x20000xf32>
    tpu.vector_store %arg6[%swap3A_43, %swap3A_44, %swap3A_45], %swap3A_48 {strides = array<i32>} : memref<1x1x20000xf32, #tpu.memory_space<vmem>>, vector<1x1x20000xf32>,
    %slice3A_49 = vector.extract_strided_slice %get3A_13 {offsets = [0, 0], sizes = [1, 20000], strides = [1, 1]} : vector<9x20000xf32> to vector<1x20000xf32>
    %slice3A_50 = vector.extract_strided_slice %get3A_13 {offsets = [3, 0], sizes = [1, 20000], strides = [1, 1]} : vector<9x20000xf32> to vector<1x20000xf32>
    %mul3A_51 = arith.constant 5.000000e-01 : f32
    %mul3A_52 = vector.broadcast %mul3A_51 : f32 to vector<1x20000xf32>
    %mul3A_53 = arith.mulf %slice3A_50, %mul3A_52 : vector<1x20000xf32>
    %sub3A = arith.subf %slice3A_49, %mul3A_53 : vector<1x20000xf32>
    %slice3A_54 = vector.extract_strided_slice %get3A_13 {offsets = [0, 0], sizes = [1, 20000], strides = [1, 1]} : vector<9x20000xf32> to vector<1x20000xf32>
    %slice3A_55 = vector.extract_strided_slice %get3A_13 {offsets = [3, 0], sizes = [1, 20000], strides = [1, 1]} : vector<9x20000xf32> to vector<1x20000xf32>
    %mul3A_56 = arith.constant 5.000000e-01 : f32
    %mul3A_57 = vector.broadcast %mul3A_56 : f32 to vector<1x20000xf32>
    %mul3A_58 = arith.mulf %slice3A_55, %mul3A_57 : vector<1x20000xf32>
    %add3A_59 = arith.addf %slice3A_54, %mul3A_58 : vector<1x20000xf32>
    %slice3A_60 = vector.extract_strided_slice %get3A_13 {offsets = [1, 0], sizes = [1, 20000], strides = [1, 1]} : vector<9x20000xf32> to vector<1x20000xf32>
    %slice3A_61 = vector.extract_strided_slice %get3A_13 {offsets = [4, 0], sizes = [1, 20000], strides = [1, 1]} : vector<9x20000xf32> to vector<1x20000xf32>
    %mul3A_62 = arith.constant 5.000000e-01 : f32
    %mul3A_63 = vector.broadcast %mul3A_62 : f32 to vector<1x20000xf32>
    %mul3A_64 = arith.mulf %slice3A_61, %mul3A_63 : vector<1x20000xf32>
    %sub3A_65 = arith.subf %slice3A_60, %mul3A_64 : vector<1x20000xf32>
    %slice3A_66 = vector.extract_strided_slice %get3A_13 {offsets = [1, 0], sizes = [1, 20000], strides = [1, 1]} : vector<9x20000xf32> to vector<1x20000xf32>
    %slice3A_67 = vector.extract_strided_slice %get3A_13 {offsets = [4, 0], sizes = [1, 20000], strides = [1, 1]} : vector<9x20000xf32> to vector<1x20000xf32>
    %mul3A_68 = arith.constant 5.000000e-01 : f32
    %mul3A_69 = vector.broadcast %mul3A_68 : f32 to vector<1x20000xf32>
    %mul3A_70 = arith.mulf %slice3A_67, %mul3A_69 : vector<1x20000xf32>
    %add3A_71 = arith.addf %slice3A_66, %mul3A_70 : vector<1x20000xf32>
    %sub3A_72 = arith.subf %add3A_59, %sub3A : vector<1x20000xf32>
    %sub3A_73 = arith.subf %add3A_71, %sub3A_65 : vector<1x20000xf32>
    %mul3A_74 = arith.mulf %sub3A_72, %sub3A_73 : vector<1x20000xf32>
    %broadcast_in_dim3A_75 = arith.constant 0xFF800000 : f32
    %broadcast_in_dim3A_76 = vector.broadcast %broadcast_in_dim3A_75 : f32 to vector<1x20000xf32>
    %broadcast_in_dim3A_77 = arith.constant 0 : i32
    %broadcast_in_dim3A_78 = vector.broadcast %broadcast_in_dim3A_77 : i32 to vector<1x20000xi32>
    %broadcast_in_dim3A_79 = arith.constant false
    %broadcast_in_dim3A_80 = vector.broadcast %broadcast_in_dim3A_79 : i1 to vector<1x20000xi1>
    %slice3A_81 = vector.extract_strided_slice %get3A_18 {offsets = [0, 0], sizes = [1, 1], strides = [1, 1]} : vector<9x20xf32> to vector<1x1xf32>
    %slice3A_82 = vector.extract_strided_slice %get3A_18 {offsets = [1, 0], sizes = [1, 1], strides = [1, 1]} : vector<9x20xf32> to vector<1x1xf32>
    %slice3A_83 = vector.extract_strided_slice %get3A_18 {offsets = [3, 0], sizes = [1, 1], strides = [1, 1]} : vector<9x20xf32> to vector<1x1xf32>
    %slice3A_84 = vector.extract_strided_slice %get3A_18 {offsets = [4, 0], sizes = [1, 1], strides = [1, 1]} : vector<9x20xf32> to vector<1x1xf32>
    %mul3A_85 = arith.constant 5.000000e-01 : f32
    %mul3A_86 = vector.broadcast %mul3A_85 : f32 to vector<1x1xf32>
    %mul3A_87 = arith.mulf %slice3A_83, %mul3A_86 : vector<1x1xf32>
    %sub3A_88 = arith.subf %slice3A_81, %mul3A_87 : vector<1x1xf32>
    %mul3A_89 = arith.constant 5.000000e-01 : f32
    %mul3A_90 = vector.broadcast %mul3A_89 : f32 to vector<1x1xf32>
    %mul3A_91 = arith.mulf %slice3A_83, %mul3A_90 : vector<1x1xf32>
    %add3A_92 = arith.addf %slice3A_81, %mul3A_91 : vector<1x1xf32>
    %mul3A_93 = arith.constant 5.000000e-01 : f32
    %mul3A_94 = vector.broadcast %mul3A_93 : f32 to vector<1x1xf32>
    %mul3A_95 = arith.mulf %slice3A_84, %mul3A_94 : vector<1x1xf32>
    %sub3A_96 = arith.subf %slice3A_82, %mul3A_95 : vector<1x1xf32>
    %mul3A_97 = arith.constant 5.000000e-01 : f32
    %mul3A_98 = vector.broadcast %mul3A_97 : f32 to vector<1x1xf32>
    %mul3A_99 = arith.mulf %slice3A_84, %mul3A_98 : vector<1x1xf32>
    %add3A_100 = arith.addf %slice3A_82, %mul3A_99 : vector<1x1xf32>
    %min3A_101 = vector.broadcast %add3A_92 : vector<1x1xf32> to vector<1x20000xf32>
    %min3A_102 = arith.minimumf %min3A_101, %add3A_59 : vector<1x20000xf32>
    %max3A_103 = vector.broadcast %sub3A_88 : vector<1x1xf32> to vector<1x20000xf32>
    %max3A_104 = arith.maximumf %max3A_103, %sub3A : vector<1x20000xf32>
    %sub3A_105 = arith.subf %min3A_102, %max3A_104 : vector<1x20000xf32>
    %jit3A_106 = arith.constant 0.000000e+00 : f32
    %max3A_107 = vector.broadcast %jit3A_106 : f32 to vector<1x20000xf32>
    %max3A_108 = arith.maximumf %max3A_107, %sub3A_105 : vector<1x20000xf32>
    %min3A_109 = vector.broadcast %add3A_100 : vector<1x1xf32> to vector<1x20000xf32>
    %min3A_110 = arith.minimumf %min3A_109, %add3A_71 : vector<1x20000xf32>
    %max3A_111 = vector.broadcast %sub3A_96 : vector<1x1xf32> to vector<1x20000xf32>
    %max3A_112 = arith.maximumf %max3A_111, %sub3A_65 : vector<1x20000xf32>
    %sub3A_113 = arith.subf %min3A_110, %max3A_112 : vector<1x20000xf32>
    %jit3A_114 = arith.constant 0.000000e+00 : f32
    %max3A_115 = vector.broadcast %jit3A_114 : f32 to vector<1x20000xf32>
    %max3A_116 = arith.maximumf %max3A_115, %sub3A_113 : vector<1x20000xf32>
    %mul3A_117 = arith.mulf %max3A_108, %max3A_116 : vector<1x20000xf32>
    %sub3A_118 = arith.subf %add3A_92, %sub3A_88 : vector<1x1xf32>
    %sub3A_119 = arith.subf %add3A_100, %sub3A_96 : vector<1x1xf32>
    %mul3A_120 = arith.mulf %sub3A_118, %sub3A_119 : vector<1x1xf32>
    %add3A_121 = vector.broadcast %mul3A_120 : vector<1x1xf32> to vector<1x20000xf32>
    %add3A_122 = arith.addf %add3A_121, %mul3A_74 : vector<1x20000xf32>
    %sub3A_123 = arith.subf %add3A_122, %mul3A_117 : vector<1x20000xf32>
    %add3A_124 = arith.constant 9.99999993E-9 : f32
    %add3A_125 = vector.broadcast %add3A_124 : f32 to vector<1x20000xf32>
    %add3A_126 = arith.addf %sub3A_123, %add3A_125 : vector<1x20000xf32>
    %div3A = arith.divf %mul3A_117, %add3A_126 : vector<1x20000xf32>
    %reduce_max3A = vector.shape_cast %div3A : vector<1x20000xf32> to vector<1x1x20000xf32>
    %reduce_max3A_127 = arith.constant dense<0xFF800000> : vector<1xf32>
    %reduce_max3A_128 = vector.multi_reduction <maximumf>, %reduce_max3A, %reduce_max3A_127 [1, 2] : vector<1x1x20000xf32> to vector<1xf32>
    %reduce_max3A_129 = vector.shape_cast %reduce_max3A_128 : vector<1xf32> to vector<1x1x1xf32>
    %reduce_max3A_130 = vector.extract %reduce_max3A_129[0, 0, 0] : f32 from vector<1x1x1xf32>
    %sub3A_131 = arith.constant 1.000000e-07 : f32
    %sub3A_132 = arith.subf %reduce_max3A_130, %sub3A_131 : f32
    %ge3A_133 = vector.broadcast %sub3A_132 : f32 to vector<1x20000xf32>
    %ge3A_134 = arith.cmpf oge, %div3A, %ge3A_133 : vector<1x20000xf32>
    %or3A = arith.ori %broadcast_in_dim3A_80, %ge3A_134 : vector<1x20000xi1>
    %gt3A = arith.cmpf ogt, %div3A, %broadcast_in_dim3A_76 : vector<1x20000xf32>
    %select_n3A_135 = arith.select %gt3A, %div3A, %broadcast_in_dim3A_76 : vector<1x20000xi1>, vector<1x20000xf32>
    %jit3A_136 = arith.constant 0 : i32
    %broadcast_in_dim3A_137 = vector.broadcast %jit3A_136 : i32 to vector<1x20000xi32>
    %select_n3A_138 = arith.select %gt3A, %broadcast_in_dim3A_137, %broadcast_in_dim3A_78 : vector<1x20000xi1>, vector<1x20000xi32>
    %slice3A_139 = vector.extract_strided_slice %get3A_18 {offsets = [0, 1], sizes = [1, 1], strides = [1, 1]} : vector<9x20xf32> to vector<1x1xf32>
    %slice3A_140 = vector.extract_strided_slice %get3A_18 {offsets = [1, 1], sizes = [1, 1], strides = [1, 1]} : vector<9x20xf32> to vector<1x1xf32>
    %slice3A_141 = vector.extract_strided_slice %get3A_18 {offsets = [3, 1], sizes = [1, 1], strides = [1, 1]} : vector<9x20xf32> to vector<1x1xf32>
    %slice3A_142 = vector.extract_strided_slice %get3A_18 {offsets = [4, 1], sizes = [1, 1], strides = [1, 1]} : vector<9x20xf32> to vector<1x1xf32>
    %mul3A_143 = arith.constant 5.000000e-01 : f32
    %mul3A_144 = vector.broadcast %mul3A_143 : f32 to vector<1x1xf32>
    %mul3A_145 = arith.mulf %slice3A_141, %mul3A_144 : vector<1x1xf32>
    %sub3A_146 = arith.subf %slice3A_139, %mul3A_145 : vector<1x1xf32>
    %mul3A_147 = arith.constant 5.000000e-01 : f32
    %mul3A_148 = vector.broadcast %mul3A_147 : f32 to vector<1x1xf32>
    %mul3A_149 = arith.mulf %slice3A_141, %mul3A_148 : vector<1x1xf32>
    %add3A_150 = arith.addf %slice3A_139, %mul3A_149 : vector<1x1xf32>
    %mul3A_151 = arith.constant 5.000000e-01 : f32
    %mul3A_152 = vector.broadcast %mul3A_151 : f32 to vector<1x1xf32>
    %mul3A_153 = arith.mulf %slice3A_142, %mul3A_152 : vector<1x1xf32>
    %sub3A_154 = arith.subf %slice3A_140, %mul3A_153 : vector<1x1xf32>
    %mul3A_155 = arith.constant 5.000000e-01 : f32
    %mul3A_156 = vector.broadcast %mul3A_155 : f32 to vector<1x1xf32>
    %mul3A_157 = arith.mulf %slice3A_142, %mul3A_156 : vector<1x1xf32>
    %add3A_158 = arith.addf %slice3A_140, %mul3A_157 : vector<1x1xf32>
    %min3A_159 = vector.broadcast %add3A_150 : vector<1x1xf32> to vector<1x20000xf32>
    %min3A_160 = arith.minimumf %min3A_159, %add3A_59 : vector<1x20000xf32>
    %max3A_161 = vector.broadcast %sub3A_146 : vector<1x1xf32> to vector<1x20000xf32>
    %max3A_162 = arith.maximumf %max3A_161, %sub3A : vector<1x20000xf32>
    %sub3A_163 = arith.subf %min3A_160, %max3A_162 : vector<1x20000xf32>
    %jit3A_164 = arith.constant 0.000000e+00 : f32
    %max3A_165 = vector.broadcast %jit3A_164 : f32 to vector<1x20000xf32>
    %max3A_166 = arith.maximumf %max3A_165, %sub3A_163 : vector<1x20000xf32>
    %min3A_167 = vector.broadcast %add3A_158 : vector<1x1xf32> to vector<1x20000xf32>
    %min3A_168 = arith.minimumf %min3A_167, %add3A_71 : vector<1x20000xf32>
    %max3A_169 = vector.broadcast %sub3A_154 : vector<1x1xf32> to vector<1x20000xf32>
    %max3A_170 = arith.maximumf %max3A_169, %sub3A_65 : vector<1x20000xf32>
    %sub3A_171 = arith.subf %min3A_168, %max3A_170 : vector<1x20000xf32>
    %jit3A_172 = arith.constant 0.000000e+00 : f32
    %max3A_173 = vector.broadcast %jit3A_172 : f32 to vector<1x20000xf32>
    %max3A_174 = arith.maximumf %max3A_173, %sub3A_171 : vector<1x20000xf32>
    %mul3A_175 = arith.mulf %max3A_166, %max3A_174 : vector<1x20000xf32>
    %sub3A_176 = arith.subf %add3A_150, %sub3A_146 : vector<1x1xf32>
    %sub3A_177 = arith.subf %add3A_158, %sub3A_154 : vector<1x1xf32>
    %mul3A_178 = arith.mulf %sub3A_176, %sub3A_177 : vector<1x1xf32>
    %add3A_179 = vector.broadcast %mul3A_178 : vector<1x1xf32> to vector<1x20000xf32>
    %add3A_180 = arith.addf %add3A_179, %mul3A_74 : vector<1x20000xf32>
    %sub3A_181 = arith.subf %add3A_180, %mul3A_175 : vector<1x20000xf32>
    %add3A_182 = arith.constant 9.99999993E-9 : f32
    %add3A_183 = vector.broadcast %add3A_182 : f32 to vector<1x20000xf32>
    %add3A_184 = arith.addf %sub3A_181, %add3A_183 : vector<1x20000xf32>
    %div3A_185 = arith.divf %mul3A_175, %add3A_184 : vector<1x20000xf32>
    %reduce_max3A_186 = vector.shape_cast %div3A_185 : vector<1x20000xf32> to vector<1x1x20000xf32>
    %reduce_max3A_187 = arith.constant dense<0xFF800000> : vector<1xf32>
    %reduce_max3A_188 = vector.multi_reduction <maximumf>, %reduce_max3A_186, %reduce_max3A_187 [1, 2] : vector<1x1x20000xf32> to vector<1xf32>
    %reduce_max3A_189 = vector.shape_cast %reduce_max3A_188 : vector<1xf32> to vector<1x1x1xf32>
    %reduce_max3A_190 = vector.extract %reduce_max3A_189[0, 0, 0] : f32 from vector<1x1x1xf32>
    %sub3A_191 = arith.constant 1.000000e-07 : f32
    %sub3A_192 = arith.subf %reduce_max3A_190, %sub3A_191 : f32
    %ge3A_193 = vector.broadcast %sub3A_192 : f32 to vector<1x20000xf32>
    %ge3A_194 = arith.cmpf oge, %div3A_185, %ge3A_193 : vector<1x20000xf32>
    %or3A_195 = arith.ori %or3A, %ge3A_194 : vector<1x20000xi1>
    %gt3A_196 = arith.cmpf ogt, %div3A_185, %select_n3A_135 : vector<1x20000xf32>
    %select_n3A_197 = arith.select %gt3A_196, %div3A_185, %select_n3A_135 : vector<1x20000xi1>, vector<1x20000xf32>
    %jit3A_198 = arith.constant 1 : i32
    %broadcast_in_dim3A_199 = vector.broadcast %jit3A_198 : i32 to vector<1x20000xi32>
    %select_n3A_200 = arith.select %gt3A_196, %broadcast_in_dim3A_199, %select_n3A_138 : vector<1x20000xi1>, vector<1x20000xi32>
    %slice3A_201 = vector.extract_strided_slice %get3A_18 {offsets = [0, 2], sizes = [1, 1], strides = [1, 1]} : vector<9x20xf32> to vector<1x1xf32>
    %slice3A_202 = vector.extract_strided_slice %get3A_18 {offsets = [1, 2], sizes = [1, 1], strides = [1, 1]} : vector<9x20xf32> to vector<1x1xf32>
    %slice3A_203 = vector.extract_strided_slice %get3A_18 {offsets = [3, 2], sizes = [1, 1], strides = [1, 1]} : vector<9x20xf32> to vector<1x1xf32>
    %slice3A_204 = vector.extract_strided_slice %get3A_18 {offsets = [4, 2], sizes = [1, 1], strides = [1, 1]} : vector<9x20xf32> to vector<1x1xf32>
    %mul3A_205 = arith.constant 5.000000e-01 : f32
    %mul3A_206 = vector.broadcast %mul3A_205 : f32 to vector<1x1xf32>
    %mul3A_207 = arith.mulf %slice3A_203, %mul3A_206 : vector<1x1xf32>
    %sub3A_208 = arith.subf %slice3A_201, %mul3A_207 : vector<1x1xf32>
    %mul3A_209 = arith.constant 5.000000e-01 : f32
    %mul3A_210 = vector.broadcast %mul3A_209 : f32 to vector<1x1xf32>
    %mul3A_211 = arith.mulf %slice3A_203, %mul3A_210 : vector<1x1xf32>
    %add3A_212 = arith.addf %slice3A_201, %mul3A_211 : vector<1x1xf32>
    %mul3A_213 = arith.constant 5.000000e-01 : f32
    %mul3A_214 = vector.broadcast %mul3A_213 : f32 to vector<1x1xf32>
    %mul3A_215 = arith.mulf %slice3A_204, %mul3A_214 : vector<1x1xf32>
    %sub3A_216 = arith.subf %slice3A_202, %mul3A_215 : vector<1x1xf32>
    %mul3A_217 = arith.constant 5.000000e-01 : f32
    %mul3A_218 = vector.broadcast %mul3A_217 : f32 to vector<1x1xf32>
    %mul3A_219 = arith.mulf %slice3A_204, %mul3A_218 : vector<1x1xf32>
    %add3A_220 = arith.addf %slice3A_202, %mul3A_219 : vector<1x1xf32>
    %min3A_221 = vector.broadcast %add3A_212 : vector<1x1xf32> to vector<1x20000xf32>
    %min3A_222 = arith.minimumf %min3A_221, %add3A_59 : vector<1x20000xf32>
    %max3A_223 = vector.broadcast %sub3A_208 : vector<1x1xf32> to vector<1x20000xf32>
    %max3A_224 = arith.maximumf %max3A_223, %sub3A : vector<1x20000xf32>
    %sub3A_225 = arith.subf %min3A_222, %max3A_224 : vector<1x20000xf32>
    %jit3A_226 = arith.constant 0.000000e+00 : f32
    %max3A_227 = vector.broadcast %jit3A_226 : f32 to vector<1x20000xf32>
    %max3A_228 = arith.maximumf %max3A_227, %sub3A_225 : vector<1x20000xf32>
    %min3A_229 = vector.broadcast %add3A_220 : vector<1x1xf32> to vector<1x20000xf32>
    %min3A_230 = arith.minimumf %min3A_229, %add3A_71 : vector<1x20000xf32>
    %max3A_231 = vector.broadcast %sub3A_216 : vector<1x1xf32> to vector<1x20000xf32>
    %max3A_232 = arith.maximumf %max3A_231, %sub3A_65 : vector<1x20000xf32>
    %sub3A_233 = arith.subf %min3A_230, %max3A_232 : vector<1x20000xf32>
    %jit3A_234 = arith.constant 0.000000e+00 : f32
    %max3A_235 = vector.broadcast %jit3A_234 : f32 to vector<1x20000xf32>
    %max3A_236 = arith.maximumf %max3A_235, %sub3A_233 : vector<1x20000xf32>
    %mul3A_237 = arith.mulf %max3A_228, %max3A_236 : vector<1x20000xf32>
    %sub3A_238 = arith.subf %add3A_212, %sub3A_208 : vector<1x1xf32>
    %sub3A_239 = arith.subf %add3A_220, %sub3A_216 : vector<1x1xf32>
    %mul3A_240 = arith.mulf %sub3A_238, %sub3A_239 : vector<1x1xf32>
    %add3A_241 = vector.broadcast %mul3A_240 : vector<1x1xf32> to vector<1x20000xf32>
    %add3A_242 = arith.addf %add3A_241, %mul3A_74 : vector<1x20000xf32>
    %sub3A_243 = arith.subf %add3A_242, %mul3A_237 : vector<1x20000xf32>
    %add3A_244 = arith.constant 9.99999993E-9 : f32
    %add3A_245 = vector.broadcast %add3A_244 : f32 to vector<1x20000xf32>
    %add3A_246 = arith.addf %sub3A_243, %add3A_245 : vector<1x20000xf32>
    %div3A_247 = arith.divf %mul3A_237, %add3A_246 : vector<1x20000xf32>
    %reduce_max3A_248 = vector.shape_cast %div3A_247 : vector<1x20000xf32> to vector<1x1x20000xf32>
    %reduce_max3A_249 = arith.constant dense<0xFF800000> : vector<1xf32>
    %reduce_max3A_250 = vector.multi_reduction <maximumf>, %reduce_max3A_248, %reduce_max3A_249 [1, 2] : vector<1x1x20000xf32> to vector<1xf32>
    %reduce_max3A_251 = vector.shape_cast %reduce_max3A_250 : vector<1xf32> to vector<1x1x1xf32>
    %reduce_max3A_252 = vector.extract %reduce_max3A_251[0, 0, 0] : f32 from vector<1x1x1xf32>
    %sub3A_253 = arith.constant 1.000000e-07 : f32
    %sub3A_254 = arith.subf %reduce_max3A_252, %sub3A_253 : f32
    %ge3A_255 = vector.broadcast %sub3A_254 : f32 to vector<1x20000xf32>
    %ge3A_256 = arith.cmpf oge, %div3A_247, %ge3A_255 : vector<1x20000xf32>
    %or3A_257 = arith.ori %or3A_195, %ge3A_256 : vector<1x20000xi1>
    %gt3A_258 = arith.cmpf ogt, %div3A_247, %select_n3A_197 : vector<1x20000xf32>
    %select_n3A_259 = arith.select %gt3A_258, %div3A_247, %select_n3A_197 : vector<1x20000xi1>, vector<1x20000xf32>
    %jit3A_260 = arith.constant 2 : i32
    %broadcast_in_dim3A_261 = vector.broadcast %jit3A_260 : i32 to vector<1x20000xi32>
    %select_n3A_262 = arith.select %gt3A_258, %broadcast_in_dim3A_261, %select_n3A_200 : vector<1x20000xi1>, vector<1x20000xi32>
    %slice3A_263 = vector.extract_strided_slice %get3A_18 {offsets = [0, 3], sizes = [1, 1], strides = [1, 1]} : vector<9x20xf32> to vector<1x1xf32>
    %slice3A_264 = vector.extract_strided_slice %get3A_18 {offsets = [1, 3], sizes = [1, 1], strides = [1, 1]} : vector<9x20xf32> to vector<1x1xf32>
    %slice3A_265 = vector.extract_strided_slice %get3A_18 {offsets = [3, 3], sizes = [1, 1], strides = [1, 1]} : vector<9x20xf32> to vector<1x1xf32>
    %slice3A_266 = vector.extract_strided_slice %get3A_18 {offsets = [4, 3], sizes = [1, 1], strides = [1, 1]} : vector<9x20xf32> to vector<1x1xf32>
    %mul3A_267 = arith.constant 5.000000e-01 : f32
    %mul3A_268 = vector.broadcast %mul3A_267 : f32 to vector<1x1xf32>
    %mul3A_269 = arith.mulf %slice3A_265, %mul3A_268 : vector<1x1xf32>
    %sub3A_270 = arith.subf %slice3A_263, %mul3A_269 : vector<1x1xf32>
    %mul3A_271 = arith.constant 5.000000e-01 : f32
    %mul3A_272 = vector.broadcast %mul3A_271 : f32 to vector<1x1xf32>
    %mul3A_273 = arith.mulf %slice3A_265, %mul3A_272 : vector<1x1xf32>
    %add3A_274 = arith.addf %slice3A_263, %mul3A_273 : vector<1x1xf32>
    %mul3A_275 = arith.constant 5.000000e-01 : f32
    %mul3A_276 = vector.broadcast %mul3A_275 : f32 to vector<1x1xf32>
    %mul3A_277 = arith.mulf %slice3A_266, %mul3A_276 : vector<1x1xf32>
    %sub3A_278 = arith.subf %slice3A_264, %mul3A_277 : vector<1x1xf32>
    %mul3A_279 = arith.constant 5.000000e-01 : f32
    %mul3A_280 = vector.broadcast %mul3A_279 : f32 to vector<1x1xf32>
    %mul3A_281 = arith.mulf %slice3A_266, %mul3A_280 : vector<1x1xf32>
    %add3A_282 = arith.addf %slice3A_264, %mul3A_281 : vector<1x1xf32>
    %min3A_283 = vector.broadcast %add3A_274 : vector<1x1xf32> to vector<1x20000xf32>
    %min3A_284 = arith.minimumf %min3A_283, %add3A_59 : vector<1x20000xf32>
    %max3A_285 = vector.broadcast %sub3A_270 : vector<1x1xf32> to vector<1x20000xf32>
    %max3A_286 = arith.maximumf %max3A_285, %sub3A : vector<1x20000xf32>
    %sub3A_287 = arith.subf %min3A_284, %max3A_286 : vector<1x20000xf32>
    %jit3A_288 = arith.constant 0.000000e+00 : f32
    %max3A_289 = vector.broadcast %jit3A_288 : f32 to vector<1x20000xf32>
    %max3A_290 = arith.maximumf %max3A_289, %sub3A_287 : vector<1x20000xf32>
    %min3A_291 = vector.broadcast %add3A_282 : vector<1x1xf32> to vector<1x20000xf32>
    %min3A_292 = arith.minimumf %min3A_291, %add3A_71 : vector<1x20000xf32>
    %max3A_293 = vector.broadcast %sub3A_278 : vector<1x1xf32> to vector<1x20000xf32>
    %max3A_294 = arith.maximumf %max3A_293, %sub3A_65 : vector<1x20000xf32>
    %sub3A_295 = arith.subf %min3A_292, %max3A_294 : vector<1x20000xf32>
    %jit3A_296 = arith.constant 0.000000e+00 : f32
    %max3A_297 = vector.broadcast %jit3A_296 : f32 to vector<1x20000xf32>
    %max3A_298 = arith.maximumf %max3A_297, %sub3A_295 : vector<1x20000xf32>
    %mul3A_299 = arith.mulf %max3A_290, %max3A_298 : vector<1x20000xf32>
    %sub3A_300 = arith.subf %add3A_274, %sub3A_270 : vector<1x1xf32>
    %sub3A_301 = arith.subf %add3A_282, %sub3A_278 : vector<1x1xf32>
    %mul3A_302 = arith.mulf %sub3A_300, %sub3A_301 : vector<1x1xf32>
    %add3A_303 = vector.broadcast %mul3A_302 : vector<1x1xf32> to vector<1x20000xf32>
    %add3A_304 = arith.addf %add3A_303, %mul3A_74 : vector<1x20000xf32>
    %sub3A_305 = arith.subf %add3A_304, %mul3A_299 : vector<1x20000xf32>
    %add3A_306 = arith.constant 9.99999993E-9 : f32
    %add3A_307 = vector.broadcast %add3A_306 : f32 to vector<1x20000xf32>
    %add3A_308 = arith.addf %sub3A_305, %add3A_307 : vector<1x20000xf32>
    %div3A_309 = arith.divf %mul3A_299, %add3A_308 : vector<1x20000xf32>
    %reduce_max3A_310 = vector.shape_cast %div3A_309 : vector<1x20000xf32> to vector<1x1x20000xf32>
    %reduce_max3A_311 = arith.constant dense<0xFF800000> : vector<1xf32>
    %reduce_max3A_312 = vector.multi_reduction <maximumf>, %reduce_max3A_310, %reduce_max3A_311 [1, 2] : vector<1x1x20000xf32> to vector<1xf32>
    %reduce_max3A_313 = vector.shape_cast %reduce_max3A_312 : vector<1xf32> to vector<1x1x1xf32>
    %reduce_max3A_314 = vector.extract %reduce_max3A_313[0, 0, 0] : f32 from vector<1x1x1xf32>
    %sub3A_315 = arith.constant 1.000000e-07 : f32
    %sub3A_316 = arith.subf %reduce_max3A_314, %sub3A_315 : f32
    %ge3A_317 = vector.broadcast %sub3A_316 : f32 to vector<1x20000xf32>
    %ge3A_318 = arith.cmpf oge, %div3A_309, %ge3A_317 : vector<1x20000xf32>
    %or3A_319 = arith.ori %or3A_257, %ge3A_318 : vector<1x20000xi1>
    %gt3A_320 = arith.cmpf ogt, %div3A_309, %select_n3A_259 : vector<1x20000xf32>
    %select_n3A_321 = arith.select %gt3A_320, %div3A_309, %select_n3A_259 : vector<1x20000xi1>, vector<1x20000xf32>
    %jit3A_322 = arith.constant 3 : i32
    %broadcast_in_dim3A_323 = vector.broadcast %jit3A_322 : i32 to vector<1x20000xi32>
    %select_n3A_324 = arith.select %gt3A_320, %broadcast_in_dim3A_323, %select_n3A_262 : vector<1x20000xi1>, vector<1x20000xi32>
    %slice3A_325 = vector.extract_strided_slice %get3A_18 {offsets = [0, 4], sizes = [1, 1], strides = [1, 1]} : vector<9x20xf32> to vector<1x1xf32>
    %slice3A_326 = vector.extract_strided_slice %get3A_18 {offsets = [1, 4], sizes = [1, 1], strides = [1, 1]} : vector<9x20xf32> to vector<1x1xf32>
    %slice3A_327 = vector.extract_strided_slice %get3A_18 {offsets = [3, 4], sizes = [1, 1], strides = [1, 1]} : vector<9x20xf32> to vector<1x1xf32>
    %slice3A_328 = vector.extract_strided_slice %get3A_18 {offsets = [4, 4], sizes = [1, 1], strides = [1, 1]} : vector<9x20xf32> to vector<1x1xf32>
    %mul3A_329 = arith.constant 5.000000e-01 : f32
    %mul3A_330 = vector.broadcast %mul3A_329 : f32 to vector<1x1xf32>
    %mul3A_331 = arith.mulf %slice3A_327, %mul3A_330 : vector<1x1xf32>
    %sub3A_332 = arith.subf %slice3A_325, %mul3A_331 : vector<1x1xf32>
    %mul3A_333 = arith.constant 5.000000e-01 : f32
    %mul3A_334 = vector.broadcast %mul3A_333 : f32 to vector<1x1xf32>
    %mul3A_335 = arith.mulf %slice3A_327, %mul3A_334 : vector<1x1xf32>
    %add3A_336 = arith.addf %slice3A_325, %mul3A_335 : vector<1x1xf32>
    %mul3A_337 = arith.constant 5.000000e-01 : f32
    %mul3A_338 = vector.broadcast %mul3A_337 : f32 to vector<1x1xf32>
    %mul3A_339 = arith.mulf %slice3A_328, %mul3A_338 : vector<1x1xf32>
    %sub3A_340 = arith.subf %slice3A_326, %mul3A_339 : vector<1x1xf32>
    %mul3A_341 = arith.constant 5.000000e-01 : f32
    %mul3A_342 = vector.broadcast %mul3A_341 : f32 to vector<1x1xf32>
    %mul3A_343 = arith.mulf %slice3A_328, %mul3A_342 : vector<1x1xf32>
    %add3A_344 = arith.addf %slice3A_326, %mul3A_343 : vector<1x1xf32>
    %min3A_345 = vector.broadcast %add3A_336 : vector<1x1xf32> to vector<1x20000xf32>
    %min3A_346 = arith.minimumf %min3A_345, %add3A_59 : vector<1x20000xf32>
    %max3A_347 = vector.broadcast %sub3A_332 : vector<1x1xf32> to vector<1x20000xf32>
    %max3A_348 = arith.maximumf %max3A_347, %sub3A : vector<1x20000xf32>
    %sub3A_349 = arith.subf %min3A_346, %max3A_348 : vector<1x20000xf32>
    %jit3A_350 = arith.constant 0.000000e+00 : f32
    %max3A_351 = vector.broadcast %jit3A_350 : f32 to vector<1x20000xf32>
    %max3A_352 = arith.maximumf %max3A_351, %sub3A_349 : vector<1x20000xf32>
    %min3A_353 = vector.broadcast %add3A_344 : vector<1x1xf32> to vector<1x20000xf32>
    %min3A_354 = arith.minimumf %min3A_353, %add3A_71 : vector<1x20000xf32>
    %max3A_355 = vector.broadcast %sub3A_340 : vector<1x1xf32> to vector<1x20000xf32>
    %max3A_356 = arith.maximumf %max3A_355, %sub3A_65 : vector<1x20000xf32>
    %sub3A_357 = arith.subf %min3A_354, %max3A_356 : vector<1x20000xf32>
    %jit3A_358 = arith.constant 0.000000e+00 : f32
    %max3A_359 = vector.broadcast %jit3A_358 : f32 to vector<1x20000xf32>
    %max3A_360 = arith.maximumf %max3A_359, %sub3A_357 : vector<1x20000xf32>
    %mul3A_361 = arith.mulf %max3A_352, %max3A_360 : vector<1x20000xf32>
    %sub3A_362 = arith.subf %add3A_336, %sub3A_332 : vector<1x1xf32>
    %sub3A_363 = arith.subf %add3A_344, %sub3A_340 : vector<1x1xf32>
    %mul3A_364 = arith.mulf %sub3A_362, %sub3A_363 : vector<1x1xf32>
    %add3A_365 = vector.broadcast %mul3A_364 : vector<1x1xf32> to vector<1x20000xf32>
    %add3A_366 = arith.addf %add3A_365, %mul3A_74 : vector<1x20000xf32>
    %sub3A_367 = arith.subf %add3A_366, %mul3A_361 : vector<1x20000xf32>
    %add3A_368 = arith.constant 9.99999993E-9 : f32
    %add3A_369 = vector.broadcast %add3A_368 : f32 to vector<1x20000xf32>
    %add3A_370 = arith.addf %sub3A_367, %add3A_369 : vector<1x20000xf32>
    %div3A_371 = arith.divf %mul3A_361, %add3A_370 : vector<1x20000xf32>
    %reduce_max3A_372 = vector.shape_cast %div3A_371 : vector<1x20000xf32> to vector<1x1x20000xf32>
    %reduce_max3A_373 = arith.constant dense<0xFF800000> : vector<1xf32>
    %reduce_max3A_374 = vector.multi_reduction <maximumf>, %reduce_max3A_372, %reduce_max3A_373 [1, 2] : vector<1x1x20000xf32> to vector<1xf32>
    %reduce_max3A_375 = vector.shape_cast %reduce_max3A_374 : vector<1xf32> to vector<1x1x1xf32>
    %reduce_max3A_376 = vector.extract %reduce_max3A_375[0, 0, 0] : f32 from vector<1x1x1xf32>
    %sub3A_377 = arith.constant 1.000000e-07 : f32
    %sub3A_378 = arith.subf %reduce_max3A_376, %sub3A_377 : f32
    %ge3A_379 = vector.broadcast %sub3A_378 : f32 to vector<1x20000xf32>
    %ge3A_380 = arith.cmpf oge, %div3A_371, %ge3A_379 : vector<1x20000xf32>
    %or3A_381 = arith.ori %or3A_319, %ge3A_380 : vector<1x20000xi1>
    %gt3A_382 = arith.cmpf ogt, %div3A_371, %select_n3A_321 : vector<1x20000xf32>
    %select_n3A_383 = arith.select %gt3A_382, %div3A_371, %select_n3A_321 : vector<1x20000xi1>, vector<1x20000xf32>
    %jit3A_384 = arith.constant 4 : i32
    %broadcast_in_dim3A_385 = vector.broadcast %jit3A_384 : i32 to vector<1x20000xi32>
    %select_n3A_386 = arith.select %gt3A_382, %broadcast_in_dim3A_385, %select_n3A_324 : vector<1x20000xi1>, vector<1x20000xi32>
    %slice3A_387 = vector.extract_strided_slice %get3A_18 {offsets = [0, 5], sizes = [1, 1], strides = [1, 1]} : vector<9x20xf32> to vector<1x1xf32>
    %slice3A_388 = vector.extract_strided_slice %get3A_18 {offsets = [1, 5], sizes = [1, 1], strides = [1, 1]} : vector<9x20xf32> to vector<1x1xf32>
    %slice3A_389 = vector.extract_strided_slice %get3A_18 {offsets = [3, 5], sizes = [1, 1], strides = [1, 1]} : vector<9x20xf32> to vector<1x1xf32>
    %slice3A_390 = vector.extract_strided_slice %get3A_18 {offsets = [4, 5], sizes = [1, 1], strides = [1, 1]} : vector<9x20xf32> to vector<1x1xf32>
    %mul3A_391 = arith.constant 5.000000e-01 : f32
    %mul3A_392 = vector.broadcast %mul3A_391 : f32 to vector<1x1xf32>
    %mul3A_393 = arith.mulf %slice3A_389, %mul3A_392 : vector<1x1xf32>
    %sub3A_394 = arith.subf %slice3A_387, %mul3A_393 : vector<1x1xf32>
    %mul3A_395 = arith.constant 5.000000e-01 : f32
    %mul3A_396 = vector.broadcast %mul3A_395 : f32 to vector<1x1xf32>
    %mul3A_397 = arith.mulf %slice3A_389, %mul3A_396 : vector<1x1xf32>
    %add3A_398 = arith.addf %slice3A_387, %mul3A_397 : vector<1x1xf32>
    %mul3A_399 = arith.constant 5.000000e-01 : f32
    %mul3A_400 = vector.broadcast %mul3A_399 : f32 to vector<1x1xf32>
    %mul3A_401 = arith.mulf %slice3A_390, %mul3A_400 : vector<1x1xf32>
    %sub3A_402 = arith.subf %slice3A_388, %mul3A_401 : vector<1x1xf32>
    %mul3A_403 = arith.constant 5.000000e-01 : f32
    %mul3A_404 = vector.broadcast %mul3A_403 : f32 to vector<1x1xf32>
    %mul3A_405 = arith.mulf %slice3A_390, %mul3A_404 : vector<1x1xf32>
    %add3A_406 = arith.addf %slice3A_388, %mul3A_405 : vector<1x1xf32>
    %min3A_407 = vector.broadcast %add3A_398 : vector<1x1xf32> to vector<1x20000xf32>
    %min3A_408 = arith.minimumf %min3A_407, %add3A_59 : vector<1x20000xf32>
    %max3A_409 = vector.broadcast %sub3A_394 : vector<1x1xf32> to vector<1x20000xf32>
    %max3A_410 = arith.maximumf %max3A_409, %sub3A : vector<1x20000xf32>
    %sub3A_411 = arith.subf %min3A_408, %max3A_410 : vector<1x20000xf32>
    %jit3A_412 = arith.constant 0.000000e+00 : f32
    %max3A_413 = vector.broadcast %jit3A_412 : f32 to vector<1x20000xf32>
    %max3A_414 = arith.maximumf %max3A_413, %sub3A_411 : vector<1x20000xf32>
    %min3A_415 = vector.broadcast %add3A_406 : vector<1x1xf32> to vector<1x20000xf32>
    %min3A_416 = arith.minimumf %min3A_415, %add3A_71 : vector<1x20000xf32>
    %max3A_417 = vector.broadcast %sub3A_402 : vector<1x1xf32> to vector<1x20000xf32>
    %max3A_418 = arith.maximumf %max3A_417, %sub3A_65 : vector<1x20000xf32>
    %sub3A_419 = arith.subf %min3A_416, %max3A_418 : vector<1x20000xf32>
    %jit3A_420 = arith.constant 0.000000e+00 : f32
    %max3A_421 = vector.broadcast %jit3A_420 : f32 to vector<1x20000xf32>
    %max3A_422 = arith.maximumf %max3A_421, %sub3A_419 : vector<1x20000xf32>
    %mul3A_423 = arith.mulf %max3A_414, %max3A_422 : vector<1x20000xf32>
    %sub3A_424 = arith.subf %add3A_398, %sub3A_394 : vector<1x1xf32>
    %sub3A_425 = arith.subf %add3A_406, %sub3A_402 : vector<1x1xf32>
    %mul3A_426 = arith.mulf %sub3A_424, %sub3A_425 : vector<1x1xf32>
    %add3A_427 = vector.broadcast %mul3A_426 : vector<1x1xf32> to vector<1x20000xf32>
    %add3A_428 = arith.addf %add3A_427, %mul3A_74 : vector<1x20000xf32>
    %sub3A_429 = arith.subf %add3A_428, %mul3A_423 : vector<1x20000xf32>
    %add3A_430 = arith.constant 9.99999993E-9 : f32
    %add3A_431 = vector.broadcast %add3A_430 : f32 to vector<1x20000xf32>
    %add3A_432 = arith.addf %sub3A_429, %add3A_431 : vector<1x20000xf32>
    %div3A_433 = arith.divf %mul3A_423, %add3A_432 : vector<1x20000xf32>
    %reduce_max3A_434 = vector.shape_cast %div3A_433 : vector<1x20000xf32> to vector<1x1x20000xf32>
    %reduce_max3A_435 = arith.constant dense<0xFF800000> : vector<1xf32>
    %reduce_max3A_436 = vector.multi_reduction <maximumf>, %reduce_max3A_434, %reduce_max3A_435 [1, 2] : vector<1x1x20000xf32> to vector<1xf32>
    %reduce_max3A_437 = vector.shape_cast %reduce_max3A_436 : vector<1xf32> to vector<1x1x1xf32>
    %reduce_max3A_438 = vector.extract %reduce_max3A_437[0, 0, 0] : f32 from vector<1x1x1xf32>
    %sub3A_439 = arith.constant 1.000000e-07 : f32
    %sub3A_440 = arith.subf %reduce_max3A_438, %sub3A_439 : f32
    %ge3A_441 = vector.broadcast %sub3A_440 : f32 to vector<1x20000xf32>
    %ge3A_442 = arith.cmpf oge, %div3A_433, %ge3A_441 : vector<1x20000xf32>
    %or3A_443 = arith.ori %or3A_381, %ge3A_442 : vector<1x20000xi1>
    %gt3A_444 = arith.cmpf ogt, %div3A_433, %select_n3A_383 : vector<1x20000xf32>
    %select_n3A_445 = arith.select %gt3A_444, %div3A_433, %select_n3A_383 : vector<1x20000xi1>, vector<1x20000xf32>
    %jit3A_446 = arith.constant 5 : i32
    %broadcast_in_dim3A_447 = vector.broadcast %jit3A_446 : i32 to vector<1x20000xi32>
    %select_n3A_448 = arith.select %gt3A_444, %broadcast_in_dim3A_447, %select_n3A_386 : vector<1x20000xi1>, vector<1x20000xi32>
    %slice3A_449 = vector.extract_strided_slice %get3A_18 {offsets = [0, 6], sizes = [1, 1], strides = [1, 1]} : vector<9x20xf32> to vector<1x1xf32>
    %slice3A_450 = vector.extract_strided_slice %get3A_18 {offsets = [1, 6], sizes = [1, 1], strides = [1, 1]} : vector<9x20xf32> to vector<1x1xf32>
    %slice3A_451 = vector.extract_strided_slice %get3A_18 {offsets = [3, 6], sizes = [1, 1], strides = [1, 1]} : vector<9x20xf32> to vector<1x1xf32>
    %slice3A_452 = vector.extract_strided_slice %get3A_18 {offsets = [4, 6], sizes = [1, 1], strides = [1, 1]} : vector<9x20xf32> to vector<1x1xf32>
    %mul3A_453 = arith.constant 5.000000e-01 : f32
    %mul3A_454 = vector.broadcast %mul3A_453 : f32 to vector<1x1xf32>
    %mul3A_455 = arith.mulf %slice3A_451, %mul3A_454 : vector<1x1xf32>
    %sub3A_456 = arith.subf %slice3A_449, %mul3A_455 : vector<1x1xf32>
    %mul3A_457 = arith.constant 5.000000e-01 : f32
    %mul3A_458 = vector.broadcast %mul3A_457 : f32 to vector<1x1xf32>
    %mul3A_459 = arith.mulf %slice3A_451, %mul3A_458 : vector<1x1xf32>
    %add3A_460 = arith.addf %slice3A_449, %mul3A_459 : vector<1x1xf32>
    %mul3A_461 = arith.constant 5.000000e-01 : f32
    %mul3A_462 = vector.broadcast %mul3A_461 : f32 to vector<1x1xf32>
    %mul3A_463 = arith.mulf %slice3A_452, %mul3A_462 : vector<1x1xf32>
    %sub3A_464 = arith.subf %slice3A_450, %mul3A_463 : vector<1x1xf32>
    %mul3A_465 = arith.constant 5.000000e-01 : f32
    %mul3A_466 = vector.broadcast %mul3A_465 : f32 to vector<1x1xf32>
    %mul3A_467 = arith.mulf %slice3A_452, %mul3A_466 : vector<1x1xf32>
    %add3A_468 = arith.addf %slice3A_450, %mul3A_467 : vector<1x1xf32>
    %min3A_469 = vector.broadcast %add3A_460 : vector<1x1xf32> to vector<1x20000xf32>
    %min3A_470 = arith.minimumf %min3A_469, %add3A_59 : vector<1x20000xf32>
    %max3A_471 = vector.broadcast %sub3A_456 : vector<1x1xf32> to vector<1x20000xf32>
    %max3A_472 = arith.maximumf %max3A_471, %sub3A : vector<1x20000xf32>
    %sub3A_473 = arith.subf %min3A_470, %max3A_472 : vector<1x20000xf32>
    %jit3A_474 = arith.constant 0.000000e+00 : f32
    %max3A_475 = vector.broadcast %jit3A_474 : f32 to vector<1x20000xf32>
    %max3A_476 = arith.maximumf %max3A_475, %sub3A_473 : vector<1x20000xf32>
    %min3A_477 = vector.broadcast %add3A_468 : vector<1x1xf32> to vector<1x20000xf32>
    %min3A_478 = arith.minimumf %min3A_477, %add3A_71 : vector<1x20000xf32>
    %max3A_479 = vector.broadcast %sub3A_464 : vector<1x1xf32> to vector<1x20000xf32>
    %max3A_480 = arith.maximumf %max3A_479, %sub3A_65 : vector<1x20000xf32>
    %sub3A_481 = arith.subf %min3A_478, %max3A_480 : vector<1x20000xf32>
    %jit3A_482 = arith.constant 0.000000e+00 : f32
    %max3A_483 = vector.broadcast %jit3A_482 : f32 to vector<1x20000xf32>
    %max3A_484 = arith.maximumf %max3A_483, %sub3A_481 : vector<1x20000xf32>
    %mul3A_485 = arith.mulf %max3A_476, %max3A_484 : vector<1x20000xf32>
    %sub3A_486 = arith.subf %add3A_460, %sub3A_456 : vector<1x1xf32>
    %sub3A_487 = arith.subf %add3A_468, %sub3A_464 : vector<1x1xf32>
    %mul3A_488 = arith.mulf %sub3A_486, %sub3A_487 : vector<1x1xf32>
    %add3A_489 = vector.broadcast %mul3A_488 : vector<1x1xf32> to vector<1x20000xf32>
    %add3A_490 = arith.addf %add3A_489, %mul3A_74 : vector<1x20000xf32>
    %sub3A_491 = arith.subf %add3A_490, %mul3A_485 : vector<1x20000xf32>
    %add3A_492 = arith.constant 9.99999993E-9 : f32
    %add3A_493 = vector.broadcast %add3A_492 : f32 to vector<1x20000xf32>
    %add3A_494 = arith.addf %sub3A_491, %add3A_493 : vector<1x20000xf32>
    %div3A_495 = arith.divf %mul3A_485, %add3A_494 : vector<1x20000xf32>
    %reduce_max3A_496 = vector.shape_cast %div3A_495 : vector<1x20000xf32> to vector<1x1x20000xf32>
    %reduce_max3A_497 = arith.constant dense<0xFF800000> : vector<1xf32>
    %reduce_max3A_498 = vector.multi_reduction <maximumf>, %reduce_max3A_496, %reduce_max3A_497 [1, 2] : vector<1x1x20000xf32> to vector<1xf32>
    %reduce_max3A_499 = vector.shape_cast %reduce_max3A_498 : vector<1xf32> to vector<1x1x1xf32>
    %reduce_max3A_500 = vector.extract %reduce_max3A_499[0, 0, 0] : f32 from vector<1x1x1xf32>
    %sub3A_501 = arith.constant 1.000000e-07 : f32
    %sub3A_502 = arith.subf %reduce_max3A_500, %sub3A_501 : f32
    %ge3A_503 = vector.broadcast %sub3A_502 : f32 to vector<1x20000xf32>
    %ge3A_504 = arith.cmpf oge, %div3A_495, %ge3A_503 : vector<1x20000xf32>
    %or3A_505 = arith.ori %or3A_443, %ge3A_504 : vector<1x20000xi1>
    %gt3A_506 = arith.cmpf ogt, %div3A_495, %select_n3A_445 : vector<1x20000xf32>
    %select_n3A_507 = arith.select %gt3A_506, %div3A_495, %select_n3A_445 : vector<1x20000xi1>, vector<1x20000xf32>
    %jit3A_508 = arith.constant 6 : i32
    %broadcast_in_dim3A_509 = vector.broadcast %jit3A_508 : i32 to vector<1x20000xi32>
    %select_n3A_510 = arith.select %gt3A_506, %broadcast_in_dim3A_509, %select_n3A_448 : vector<1x20000xi1>, vector<1x20000xi32>
    %slice3A_511 = vector.extract_strided_slice %get3A_18 {offsets = [0, 7], sizes = [1, 1], strides = [1, 1]} : vector<9x20xf32> to vector<1x1xf32>
    %slice3A_512 = vector.extract_strided_slice %get3A_18 {offsets = [1, 7], sizes = [1, 1], strides = [1, 1]} : vector<9x20xf32> to vector<1x1xf32>
    %slice3A_513 = vector.extract_strided_slice %get3A_18 {offsets = [3, 7], sizes = [1, 1], strides = [1, 1]} : vector<9x20xf32> to vector<1x1xf32>
    %slice3A_514 = vector.extract_strided_slice %get3A_18 {offsets = [4, 7], sizes = [1, 1], strides = [1, 1]} : vector<9x20xf32> to vector<1x1xf32>
    %mul3A_515 = arith.constant 5.000000e-01 : f32
    %mul3A_516 = vector.broadcast %mul3A_515 : f32 to vector<1x1xf32>
    %mul3A_517 = arith.mulf %slice3A_513, %mul3A_516 : vector<1x1xf32>
    %sub3A_518 = arith.subf %slice3A_511, %mul3A_517 : vector<1x1xf32>
    %mul3A_519 = arith.constant 5.000000e-01 : f32
    %mul3A_520 = vector.broadcast %mul3A_519 : f32 to vector<1x1xf32>
    %mul3A_521 = arith.mulf %slice3A_513, %mul3A_520 : vector<1x1xf32>
    %add3A_522 = arith.addf %slice3A_511, %mul3A_521 : vector<1x1xf32>
    %mul3A_523 = arith.constant 5.000000e-01 : f32
    %mul3A_524 = vector.broadcast %mul3A_523 : f32 to vector<1x1xf32>
    %mul3A_525 = arith.mulf %slice3A_514, %mul3A_524 : vector<1x1xf32>
    %sub3A_526 = arith.subf %slice3A_512, %mul3A_525 : vector<1x1xf32>
    %mul3A_527 = arith.constant 5.000000e-01 : f32
    %mul3A_528 = vector.broadcast %mul3A_527 : f32 to vector<1x1xf32>
    %mul3A_529 = arith.mulf %slice3A_514, %mul3A_528 : vector<1x1xf32>
    %add3A_530 = arith.addf %slice3A_512, %mul3A_529 : vector<1x1xf32>
    %min3A_531 = vector.broadcast %add3A_522 : vector<1x1xf32> to vector<1x20000xf32>
    %min3A_532 = arith.minimumf %min3A_531, %add3A_59 : vector<1x20000xf32>
    %max3A_533 = vector.broadcast %sub3A_518 : vector<1x1xf32> to vector<1x20000xf32>
    %max3A_534 = arith.maximumf %max3A_533, %sub3A : vector<1x20000xf32>
    %sub3A_535 = arith.subf %min3A_532, %max3A_534 : vector<1x20000xf32>
    %jit3A_536 = arith.constant 0.000000e+00 : f32
    %max3A_537 = vector.broadcast %jit3A_536 : f32 to vector<1x20000xf32>
    %max3A_538 = arith.maximumf %max3A_537, %sub3A_535 : vector<1x20000xf32>
    %min3A_539 = vector.broadcast %add3A_530 : vector<1x1xf32> to vector<1x20000xf32>
    %min3A_540 = arith.minimumf %min3A_539, %add3A_71 : vector<1x20000xf32>
    %max3A_541 = vector.broadcast %sub3A_526 : vector<1x1xf32> to vector<1x20000xf32>
    %max3A_542 = arith.maximumf %max3A_541, %sub3A_65 : vector<1x20000xf32>
    %sub3A_543 = arith.subf %min3A_540, %max3A_542 : vector<1x20000xf32>
    %jit3A_544 = arith.constant 0.000000e+00 : f32
    %max3A_545 = vector.broadcast %jit3A_544 : f32 to vector<1x20000xf32>
    %max3A_546 = arith.maximumf %max3A_545, %sub3A_543 : vector<1x20000xf32>
    %mul3A_547 = arith.mulf %max3A_538, %max3A_546 : vector<1x20000xf32>
    %sub3A_548 = arith.subf %add3A_522, %sub3A_518 : vector<1x1xf32>
    %sub3A_549 = arith.subf %add3A_530, %sub3A_526 : vector<1x1xf32>
    %mul3A_550 = arith.mulf %sub3A_548, %sub3A_549 : vector<1x1xf32>
    %add3A_551 = vector.broadcast %mul3A_550 : vector<1x1xf32> to vector<1x20000xf32>
    %add3A_552 = arith.addf %add3A_551, %mul3A_74 : vector<1x20000xf32>
    %sub3A_553 = arith.subf %add3A_552, %mul3A_547 : vector<1x20000xf32>
    %add3A_554 = arith.constant 9.99999993E-9 : f32
    %add3A_555 = vector.broadcast %add3A_554 : f32 to vector<1x20000xf32>
    %add3A_556 = arith.addf %sub3A_553, %add3A_555 : vector<1x20000xf32>
    %div3A_557 = arith.divf %mul3A_547, %add3A_556 : vector<1x20000xf32>
    %reduce_max3A_558 = vector.shape_cast %div3A_557 : vector<1x20000xf32> to vector<1x1x20000xf32>
    %reduce_max3A_559 = arith.constant dense<0xFF800000> : vector<1xf32>
    %reduce_max3A_560 = vector.multi_reduction <maximumf>, %reduce_max3A_558, %reduce_max3A_559 [1, 2] : vector<1x1x20000xf32> to vector<1xf32>
    %reduce_max3A_561 = vector.shape_cast %reduce_max3A_560 : vector<1xf32> to vector<1x1x1xf32>
    %reduce_max3A_562 = vector.extract %reduce_max3A_561[0, 0, 0] : f32 from vector<1x1x1xf32>
    %sub3A_563 = arith.constant 1.000000e-07 : f32
    %sub3A_564 = arith.subf %reduce_max3A_562, %sub3A_563 : f32
    %ge3A_565 = vector.broadcast %sub3A_564 : f32 to vector<1x20000xf32>
    %ge3A_566 = arith.cmpf oge, %div3A_557, %ge3A_565 : vector<1x20000xf32>
    %or3A_567 = arith.ori %or3A_505, %ge3A_566 : vector<1x20000xi1>
    %gt3A_568 = arith.cmpf ogt, %div3A_557, %select_n3A_507 : vector<1x20000xf32>
    %select_n3A_569 = arith.select %gt3A_568, %div3A_557, %select_n3A_507 : vector<1x20000xi1>, vector<1x20000xf32>
    %jit3A_570 = arith.constant 7 : i32
    %broadcast_in_dim3A_571 = vector.broadcast %jit3A_570 : i32 to vector<1x20000xi32>
    %select_n3A_572 = arith.select %gt3A_568, %broadcast_in_dim3A_571, %select_n3A_510 : vector<1x20000xi1>, vector<1x20000xi32>
    %slice3A_573 = vector.extract_strided_slice %get3A_18 {offsets = [0, 8], sizes = [1, 1], strides = [1, 1]} : vector<9x20xf32> to vector<1x1xf32>
    %slice3A_574 = vector.extract_strided_slice %get3A_18 {offsets = [1, 8], sizes = [1, 1], strides = [1, 1]} : vector<9x20xf32> to vector<1x1xf32>
    %slice3A_575 = vector.extract_strided_slice %get3A_18 {offsets = [3, 8], sizes = [1, 1], strides = [1, 1]} : vector<9x20xf32> to vector<1x1xf32>
    %slice3A_576 = vector.extract_strided_slice %get3A_18 {offsets = [4, 8], sizes = [1, 1], strides = [1, 1]} : vector<9x20xf32> to vector<1x1xf32>
    %mul3A_577 = arith.constant 5.000000e-01 : f32
    %mul3A_578 = vector.broadcast %mul3A_577 : f32 to vector<1x1xf32>
    %mul3A_579 = arith.mulf %slice3A_575, %mul3A_578 : vector<1x1xf32>
    %sub3A_580 = arith.subf %slice3A_573, %mul3A_579 : vector<1x1xf32>
    %mul3A_581 = arith.constant 5.000000e-01 : f32
    %mul3A_582 = vector.broadcast %mul3A_581 : f32 to vector<1x1xf32>
    %mul3A_583 = arith.mulf %slice3A_575, %mul3A_582 : vector<1x1xf32>
    %add3A_584 = arith.addf %slice3A_573, %mul3A_583 : vector<1x1xf32>
    %mul3A_585 = arith.constant 5.000000e-01 : f32
    %mul3A_586 = vector.broadcast %mul3A_585 : f32 to vector<1x1xf32>
    %mul3A_587 = arith.mulf %slice3A_576, %mul3A_586 : vector<1x1xf32>
    %sub3A_588 = arith.subf %slice3A_574, %mul3A_587 : vector<1x1xf32>
    %mul3A_589 = arith.constant 5.000000e-01 : f32
    %mul3A_590 = vector.broadcast %mul3A_589 : f32 to vector<1x1xf32>
    %mul3A_591 = arith.mulf %slice3A_576, %mul3A_590 : vector<1x1xf32>
    %add3A_592 = arith.addf %slice3A_574, %mul3A_591 : vector<1x1xf32>
    %min3A_593 = vector.broadcast %add3A_584 : vector<1x1xf32> to vector<1x20000xf32>
    %min3A_594 = arith.minimumf %min3A_593, %add3A_59 : vector<1x20000xf32>
    %max3A_595 = vector.broadcast %sub3A_580 : vector<1x1xf32> to vector<1x20000xf32>
    %max3A_596 = arith.maximumf %max3A_595, %sub3A : vector<1x20000xf32>
    %sub3A_597 = arith.subf %min3A_594, %max3A_596 : vector<1x20000xf32>
    %jit3A_598 = arith.constant 0.000000e+00 : f32
    %max3A_599 = vector.broadcast %jit3A_598 : f32 to vector<1x20000xf32>
    %max3A_600 = arith.maximumf %max3A_599, %sub3A_597 : vector<1x20000xf32>
    %min3A_601 = vector.broadcast %add3A_592 : vector<1x1xf32> to vector<1x20000xf32>
    %min3A_602 = arith.minimumf %min3A_601, %add3A_71 : vector<1x20000xf32>
    %max3A_603 = vector.broadcast %sub3A_588 : vector<1x1xf32> to vector<1x20000xf32>
    %max3A_604 = arith.maximumf %max3A_603, %sub3A_65 : vector<1x20000xf32>
    %sub3A_605 = arith.subf %min3A_602, %max3A_604 : vector<1x20000xf32>
    %jit3A_606 = arith.constant 0.000000e+00 : f32
    %max3A_607 = vector.broadcast %jit3A_606 : f32 to vector<1x20000xf32>
    %max3A_608 = arith.maximumf %max3A_607, %sub3A_605 : vector<1x20000xf32>
    %mul3A_609 = arith.mulf %max3A_600, %max3A_608 : vector<1x20000xf32>
    %sub3A_610 = arith.subf %add3A_584, %sub3A_580 : vector<1x1xf32>
    %sub3A_611 = arith.subf %add3A_592, %sub3A_588 : vector<1x1xf32>
    %mul3A_612 = arith.mulf %sub3A_610, %sub3A_611 : vector<1x1xf32>
    %add3A_613 = vector.broadcast %mul3A_612 : vector<1x1xf32> to vector<1x20000xf32>
    %add3A_614 = arith.addf %add3A_613, %mul3A_74 : vector<1x20000xf32>
    %sub3A_615 = arith.subf %add3A_614, %mul3A_609 : vector<1x20000xf32>
    %add3A_616 = arith.constant 9.99999993E-9 : f32
    %add3A_617 = vector.broadcast %add3A_616 : f32 to vector<1x20000xf32>
    %add3A_618 = arith.addf %sub3A_615, %add3A_617 : vector<1x20000xf32>
    %div3A_619 = arith.divf %mul3A_609, %add3A_618 : vector<1x20000xf32>
    %reduce_max3A_620 = vector.shape_cast %div3A_619 : vector<1x20000xf32> to vector<1x1x20000xf32>
    %reduce_max3A_621 = arith.constant dense<0xFF800000> : vector<1xf32>
    %reduce_max3A_622 = vector.multi_reduction <maximumf>, %reduce_max3A_620, %reduce_max3A_621 [1, 2] : vector<1x1x20000xf32> to vector<1xf32>
    %reduce_max3A_623 = vector.shape_cast %reduce_max3A_622 : vector<1xf32> to vector<1x1x1xf32>
    %reduce_max3A_624 = vector.extract %reduce_max3A_623[0, 0, 0] : f32 from vector<1x1x1xf32>
    %sub3A_625 = arith.constant 1.000000e-07 : f32
    %sub3A_626 = arith.subf %reduce_max3A_624, %sub3A_625 : f32
    %ge3A_627 = vector.broadcast %sub3A_626 : f32 to vector<1x20000xf32>
    %ge3A_628 = arith.cmpf oge, %div3A_619, %ge3A_627 : vector<1x20000xf32>
    %or3A_629 = arith.ori %or3A_567, %ge3A_628 : vector<1x20000xi1>
    %gt3A_630 = arith.cmpf ogt, %div3A_619, %select_n3A_569 : vector<1x20000xf32>
    %select_n3A_631 = arith.select %gt3A_630, %div3A_619, %select_n3A_569 : vector<1x20000xi1>, vector<1x20000xf32>
    %jit3A_632 = arith.constant 8 : i32
    %broadcast_in_dim3A_633 = vector.broadcast %jit3A_632 : i32 to vector<1x20000xi32>
    %select_n3A_634 = arith.select %gt3A_630, %broadcast_in_dim3A_633, %select_n3A_572 : vector<1x20000xi1>, vector<1x20000xi32>
    %slice3A_635 = vector.extract_strided_slice %get3A_18 {offsets = [0, 9], sizes = [1, 1], strides = [1, 1]} : vector<9x20xf32> to vector<1x1xf32>
    %slice3A_636 = vector.extract_strided_slice %get3A_18 {offsets = [1, 9], sizes = [1, 1], strides = [1, 1]} : vector<9x20xf32> to vector<1x1xf32>
    %slice3A_637 = vector.extract_strided_slice %get3A_18 {offsets = [3, 9], sizes = [1, 1], strides = [1, 1]} : vector<9x20xf32> to vector<1x1xf32>
    %slice3A_638 = vector.extract_strided_slice %get3A_18 {offsets = [4, 9], sizes = [1, 1], strides = [1, 1]} : vector<9x20xf32> to vector<1x1xf32>
    %mul3A_639 = arith.constant 5.000000e-01 : f32
    %mul3A_640 = vector.broadcast %mul3A_639 : f32 to vector<1x1xf32>
    %mul3A_641 = arith.mulf %slice3A_637, %mul3A_640 : vector<1x1xf32>
    %sub3A_642 = arith.subf %slice3A_635, %mul3A_641 : vector<1x1xf32>
    %mul3A_643 = arith.constant 5.000000e-01 : f32
    %mul3A_644 = vector.broadcast %mul3A_643 : f32 to vector<1x1xf32>
    %mul3A_645 = arith.mulf %slice3A_637, %mul3A_644 : vector<1x1xf32>
    %add3A_646 = arith.addf %slice3A_635, %mul3A_645 : vector<1x1xf32>
    %mul3A_647 = arith.constant 5.000000e-01 : f32
    %mul3A_648 = vector.broadcast %mul3A_647 : f32 to vector<1x1xf32>
    %mul3A_649 = arith.mulf %slice3A_638, %mul3A_648 : vector<1x1xf32>
    %sub3A_650 = arith.subf %slice3A_636, %mul3A_649 : vector<1x1xf32>
    %mul3A_651 = arith.constant 5.000000e-01 : f32
    %mul3A_652 = vector.broadcast %mul3A_651 : f32 to vector<1x1xf32>
    %mul3A_653 = arith.mulf %slice3A_638, %mul3A_652 : vector<1x1xf32>
    %add3A_654 = arith.addf %slice3A_636, %mul3A_653 : vector<1x1xf32>
    %min3A_655 = vector.broadcast %add3A_646 : vector<1x1xf32> to vector<1x20000xf32>
    %min3A_656 = arith.minimumf %min3A_655, %add3A_59 : vector<1x20000xf32>
    %max3A_657 = vector.broadcast %sub3A_642 : vector<1x1xf32> to vector<1x20000xf32>
    %max3A_658 = arith.maximumf %max3A_657, %sub3A : vector<1x20000xf32>
    %sub3A_659 = arith.subf %min3A_656, %max3A_658 : vector<1x20000xf32>
    %jit3A_660 = arith.constant 0.000000e+00 : f32
    %max3A_661 = vector.broadcast %jit3A_660 : f32 to vector<1x20000xf32>
    %max3A_662 = arith.maximumf %max3A_661, %sub3A_659 : vector<1x20000xf32>
    %min3A_663 = vector.broadcast %add3A_654 : vector<1x1xf32> to vector<1x20000xf32>
    %min3A_664 = arith.minimumf %min3A_663, %add3A_71 : vector<1x20000xf32>
    %max3A_665 = vector.broadcast %sub3A_650 : vector<1x1xf32> to vector<1x20000xf32>
    %max3A_666 = arith.maximumf %max3A_665, %sub3A_65 : vector<1x20000xf32>
    %sub3A_667 = arith.subf %min3A_664, %max3A_666 : vector<1x20000xf32>
    %jit3A_668 = arith.constant 0.000000e+00 : f32
    %max3A_669 = vector.broadcast %jit3A_668 : f32 to vector<1x20000xf32>
    %max3A_670 = arith.maximumf %max3A_669, %sub3A_667 : vector<1x20000xf32>
    %mul3A_671 = arith.mulf %max3A_662, %max3A_670 : vector<1x20000xf32>
    %sub3A_672 = arith.subf %add3A_646, %sub3A_642 : vector<1x1xf32>
    %sub3A_673 = arith.subf %add3A_654, %sub3A_650 : vector<1x1xf32>
    %mul3A_674 = arith.mulf %sub3A_672, %sub3A_673 : vector<1x1xf32>
    %add3A_675 = vector.broadcast %mul3A_674 : vector<1x1xf32> to vector<1x20000xf32>
    %add3A_676 = arith.addf %add3A_675, %mul3A_74 : vector<1x20000xf32>
    %sub3A_677 = arith.subf %add3A_676, %mul3A_671 : vector<1x20000xf32>
    %add3A_678 = arith.constant 9.99999993E-9 : f32
    %add3A_679 = vector.broadcast %add3A_678 : f32 to vector<1x20000xf32>
    %add3A_680 = arith.addf %sub3A_677, %add3A_679 : vector<1x20000xf32>
    %div3A_681 = arith.divf %mul3A_671, %add3A_680 : vector<1x20000xf32>
    %reduce_max3A_682 = vector.shape_cast %div3A_681 : vector<1x20000xf32> to vector<1x1x20000xf32>
    %reduce_max3A_683 = arith.constant dense<0xFF800000> : vector<1xf32>
    %reduce_max3A_684 = vector.multi_reduction <maximumf>, %reduce_max3A_682, %reduce_max3A_683 [1, 2] : vector<1x1x20000xf32> to vector<1xf32>
    %reduce_max3A_685 = vector.shape_cast %reduce_max3A_684 : vector<1xf32> to vector<1x1x1xf32>
    %reduce_max3A_686 = vector.extract %reduce_max3A_685[0, 0, 0] : f32 from vector<1x1x1xf32>
    %sub3A_687 = arith.constant 1.000000e-07 : f32
    %sub3A_688 = arith.subf %reduce_max3A_686, %sub3A_687 : f32
    %ge3A_689 = vector.broadcast %sub3A_688 : f32 to vector<1x20000xf32>
    %ge3A_690 = arith.cmpf oge, %div3A_681, %ge3A_689 : vector<1x20000xf32>
    %or3A_691 = arith.ori %or3A_629, %ge3A_690 : vector<1x20000xi1>
    %gt3A_692 = arith.cmpf ogt, %div3A_681, %select_n3A_631 : vector<1x20000xf32>
    %select_n3A_693 = arith.select %gt3A_692, %div3A_681, %select_n3A_631 : vector<1x20000xi1>, vector<1x20000xf32>
    %jit3A_694 = arith.constant 9 : i32
    %broadcast_in_dim3A_695 = vector.broadcast %jit3A_694 : i32 to vector<1x20000xi32>
    %select_n3A_696 = arith.select %gt3A_692, %broadcast_in_dim3A_695, %select_n3A_634 : vector<1x20000xi1>, vector<1x20000xi32>
    %slice3A_697 = vector.extract_strided_slice %get3A_18 {offsets = [0, 10], sizes = [1, 1], strides = [1, 1]} : vector<9x20xf32> to vector<1x1xf32>
    %slice3A_698 = vector.extract_strided_slice %get3A_18 {offsets = [1, 10], sizes = [1, 1], strides = [1, 1]} : vector<9x20xf32> to vector<1x1xf32>
    %slice3A_699 = vector.extract_strided_slice %get3A_18 {offsets = [3, 10], sizes = [1, 1], strides = [1, 1]} : vector<9x20xf32> to vector<1x1xf32>
    %slice3A_700 = vector.extract_strided_slice %get3A_18 {offsets = [4, 10], sizes = [1, 1], strides = [1, 1]} : vector<9x20xf32> to vector<1x1xf32>
    %mul3A_701 = arith.constant 5.000000e-01 : f32
    %mul3A_702 = vector.broadcast %mul3A_701 : f32 to vector<1x1xf32>
    %mul3A_703 = arith.mulf %slice3A_699, %mul3A_702 : vector<1x1xf32>
    %sub3A_704 = arith.subf %slice3A_697, %mul3A_703 : vector<1x1xf32>
    %mul3A_705 = arith.constant 5.000000e-01 : f32
    %mul3A_706 = vector.broadcast %mul3A_705 : f32 to vector<1x1xf32>
    %mul3A_707 = arith.mulf %slice3A_699, %mul3A_706 : vector<1x1xf32>
    %add3A_708 = arith.addf %slice3A_697, %mul3A_707 : vector<1x1xf32>
    %mul3A_709 = arith.constant 5.000000e-01 : f32
    %mul3A_710 = vector.broadcast %mul3A_709 : f32 to vector<1x1xf32>
    %mul3A_711 = arith.mulf %slice3A_700, %mul3A_710 : vector<1x1xf32>
    %sub3A_712 = arith.subf %slice3A_698, %mul3A_711 : vector<1x1xf32>
    %mul3A_713 = arith.constant 5.000000e-01 : f32
    %mul3A_714 = vector.broadcast %mul3A_713 : f32 to vector<1x1xf32>
    %mul3A_715 = arith.mulf %slice3A_700, %mul3A_714 : vector<1x1xf32>
    %add3A_716 = arith.addf %slice3A_698, %mul3A_715 : vector<1x1xf32>
    %min3A_717 = vector.broadcast %add3A_708 : vector<1x1xf32> to vector<1x20000xf32>
    %min3A_718 = arith.minimumf %min3A_717, %add3A_59 : vector<1x20000xf32>
    %max3A_719 = vector.broadcast %sub3A_704 : vector<1x1xf32> to vector<1x20000xf32>
    %max3A_720 = arith.maximumf %max3A_719, %sub3A : vector<1x20000xf32>
    %sub3A_721 = arith.subf %min3A_718, %max3A_720 : vector<1x20000xf32>
    %jit3A_722 = arith.constant 0.000000e+00 : f32
    %max3A_723 = vector.broadcast %jit3A_722 : f32 to vector<1x20000xf32>
    %max3A_724 = arith.maximumf %max3A_723, %sub3A_721 : vector<1x20000xf32>
    %min3A_725 = vector.broadcast %add3A_716 : vector<1x1xf32> to vector<1x20000xf32>
    %min3A_726 = arith.minimumf %min3A_725, %add3A_71 : vector<1x20000xf32>
    %max3A_727 = vector.broadcast %sub3A_712 : vector<1x1xf32> to vector<1x20000xf32>
    %max3A_728 = arith.maximumf %max3A_727, %sub3A_65 : vector<1x20000xf32>
    %sub3A_729 = arith.subf %min3A_726, %max3A_728 : vector<1x20000xf32>
    %jit3A_730 = arith.constant 0.000000e+00 : f32
    %max3A_731 = vector.broadcast %jit3A_730 : f32 to vector<1x20000xf32>
    %max3A_732 = arith.maximumf %max3A_731, %sub3A_729 : vector<1x20000xf32>
    %mul3A_733 = arith.mulf %max3A_724, %max3A_732 : vector<1x20000xf32>
    %sub3A_734 = arith.subf %add3A_708, %sub3A_704 : vector<1x1xf32>
    %sub3A_735 = arith.subf %add3A_716, %sub3A_712 : vector<1x1xf32>
    %mul3A_736 = arith.mulf %sub3A_734, %sub3A_735 : vector<1x1xf32>
    %add3A_737 = vector.broadcast %mul3A_736 : vector<1x1xf32> to vector<1x20000xf32>
    %add3A_738 = arith.addf %add3A_737, %mul3A_74 : vector<1x20000xf32>
    %sub3A_739 = arith.subf %add3A_738, %mul3A_733 : vector<1x20000xf32>
    %add3A_740 = arith.constant 9.99999993E-9 : f32
    %add3A_741 = vector.broadcast %add3A_740 : f32 to vector<1x20000xf32>
    %add3A_742 = arith.addf %sub3A_739, %add3A_741 : vector<1x20000xf32>
    %div3A_743 = arith.divf %mul3A_733, %add3A_742 : vector<1x20000xf32>
    %reduce_max3A_744 = vector.shape_cast %div3A_743 : vector<1x20000xf32> to vector<1x1x20000xf32>
    %reduce_max3A_745 = arith.constant dense<0xFF800000> : vector<1xf32>
    %reduce_max3A_746 = vector.multi_reduction <maximumf>, %reduce_max3A_744, %reduce_max3A_745 [1, 2] : vector<1x1x20000xf32> to vector<1xf32>
    %reduce_max3A_747 = vector.shape_cast %reduce_max3A_746 : vector<1xf32> to vector<1x1x1xf32>
    %reduce_max3A_748 = vector.extract %reduce_max3A_747[0, 0, 0] : f32 from vector<1x1x1xf32>
    %sub3A_749 = arith.constant 1.000000e-07 : f32
    %sub3A_750 = arith.subf %reduce_max3A_748, %sub3A_749 : f32
    %ge3A_751 = vector.broadcast %sub3A_750 : f32 to vector<1x20000xf32>
    %ge3A_752 = arith.cmpf oge, %div3A_743, %ge3A_751 : vector<1x20000xf32>
    %or3A_753 = arith.ori %or3A_691, %ge3A_752 : vector<1x20000xi1>
    %gt3A_754 = arith.cmpf ogt, %div3A_743, %select_n3A_693 : vector<1x20000xf32>
    %select_n3A_755 = arith.select %gt3A_754, %div3A_743, %select_n3A_693 : vector<1x20000xi1>, vector<1x20000xf32>
    %jit3A_756 = arith.constant 10 : i32
    %broadcast_in_dim3A_757 = vector.broadcast %jit3A_756 : i32 to vector<1x20000xi32>
    %select_n3A_758 = arith.select %gt3A_754, %broadcast_in_dim3A_757, %select_n3A_696 : vector<1x20000xi1>, vector<1x20000xi32>
    %slice3A_759 = vector.extract_strided_slice %get3A_18 {offsets = [0, 11], sizes = [1, 1], strides = [1, 1]} : vector<9x20xf32> to vector<1x1xf32>
    %slice3A_760 = vector.extract_strided_slice %get3A_18 {offsets = [1, 11], sizes = [1, 1], strides = [1, 1]} : vector<9x20xf32> to vector<1x1xf32>
    %slice3A_761 = vector.extract_strided_slice %get3A_18 {offsets = [3, 11], sizes = [1, 1], strides = [1, 1]} : vector<9x20xf32> to vector<1x1xf32>
    %slice3A_762 = vector.extract_strided_slice %get3A_18 {offsets = [4, 11], sizes = [1, 1], strides = [1, 1]} : vector<9x20xf32> to vector<1x1xf32>
    %mul3A_763 = arith.constant 5.000000e-01 : f32
    %mul3A_764 = vector.broadcast %mul3A_763 : f32 to vector<1x1xf32>
    %mul3A_765 = arith.mulf %slice3A_761, %mul3A_764 : vector<1x1xf32>
    %sub3A_766 = arith.subf %slice3A_759, %mul3A_765 : vector<1x1xf32>
    %mul3A_767 = arith.constant 5.000000e-01 : f32
    %mul3A_768 = vector.broadcast %mul3A_767 : f32 to vector<1x1xf32>
    %mul3A_769 = arith.mulf %slice3A_761, %mul3A_768 : vector<1x1xf32>
    %add3A_770 = arith.addf %slice3A_759, %mul3A_769 : vector<1x1xf32>
    %mul3A_771 = arith.constant 5.000000e-01 : f32
    %mul3A_772 = vector.broadcast %mul3A_771 : f32 to vector<1x1xf32>
    %mul3A_773 = arith.mulf %slice3A_762, %mul3A_772 : vector<1x1xf32>
    %sub3A_774 = arith.subf %slice3A_760, %mul3A_773 : vector<1x1xf32>
    %mul3A_775 = arith.constant 5.000000e-01 : f32
    %mul3A_776 = vector.broadcast %mul3A_775 : f32 to vector<1x1xf32>
    %mul3A_777 = arith.mulf %slice3A_762, %mul3A_776 : vector<1x1xf32>
    %add3A_778 = arith.addf %slice3A_760, %mul3A_777 : vector<1x1xf32>
    %min3A_779 = vector.broadcast %add3A_770 : vector<1x1xf32> to vector<1x20000xf32>
    %min3A_780 = arith.minimumf %min3A_779, %add3A_59 : vector<1x20000xf32>
    %max3A_781 = vector.broadcast %sub3A_766 : vector<1x1xf32> to vector<1x20000xf32>
    %max3A_782 = arith.maximumf %max3A_781, %sub3A : vector<1x20000xf32>
    %sub3A_783 = arith.subf %min3A_780, %max3A_782 : vector<1x20000xf32>
    %jit3A_784 = arith.constant 0.000000e+00 : f32
    %max3A_785 = vector.broadcast %jit3A_784 : f32 to vector<1x20000xf32>
    %max3A_786 = arith.maximumf %max3A_785, %sub3A_783 : vector<1x20000xf32>
    %min3A_787 = vector.broadcast %add3A_778 : vector<1x1xf32> to vector<1x20000xf32>
    %min3A_788 = arith.minimumf %min3A_787, %add3A_71 : vector<1x20000xf32>
    %max3A_789 = vector.broadcast %sub3A_774 : vector<1x1xf32> to vector<1x20000xf32>
    %max3A_790 = arith.maximumf %max3A_789, %sub3A_65 : vector<1x20000xf32>
    %sub3A_791 = arith.subf %min3A_788, %max3A_790 : vector<1x20000xf32>
    %jit3A_792 = arith.constant 0.000000e+00 : f32
    %max3A_793 = vector.broadcast %jit3A_792 : f32 to vector<1x20000xf32>
    %max3A_794 = arith.maximumf %max3A_793, %sub3A_791 : vector<1x20000xf32>
    %mul3A_795 = arith.mulf %max3A_786, %max3A_794 : vector<1x20000xf32>
    %sub3A_796 = arith.subf %add3A_770, %sub3A_766 : vector<1x1xf32>
    %sub3A_797 = arith.subf %add3A_778, %sub3A_774 : vector<1x1xf32>
    %mul3A_798 = arith.mulf %sub3A_796, %sub3A_797 : vector<1x1xf32>
    %add3A_799 = vector.broadcast %mul3A_798 : vector<1x1xf32> to vector<1x20000xf32>
    %add3A_800 = arith.addf %add3A_799, %mul3A_74 : vector<1x20000xf32>
    %sub3A_801 = arith.subf %add3A_800, %mul3A_795 : vector<1x20000xf32>
    %add3A_802 = arith.constant 9.99999993E-9 : f32
    %add3A_803 = vector.broadcast %add3A_802 : f32 to vector<1x20000xf32>
    %add3A_804 = arith.addf %sub3A_801, %add3A_803 : vector<1x20000xf32>
    %div3A_805 = arith.divf %mul3A_795, %add3A_804 : vector<1x20000xf32>
    %reduce_max3A_806 = vector.shape_cast %div3A_805 : vector<1x20000xf32> to vector<1x1x20000xf32>
    %reduce_max3A_807 = arith.constant dense<0xFF800000> : vector<1xf32>
    %reduce_max3A_808 = vector.multi_reduction <maximumf>, %reduce_max3A_806, %reduce_max3A_807 [1, 2] : vector<1x1x20000xf32> to vector<1xf32>
    %reduce_max3A_809 = vector.shape_cast %reduce_max3A_808 : vector<1xf32> to vector<1x1x1xf32>
    %reduce_max3A_810 = vector.extract %reduce_max3A_809[0, 0, 0] : f32 from vector<1x1x1xf32>
    %sub3A_811 = arith.constant 1.000000e-07 : f32
    %sub3A_812 = arith.subf %reduce_max3A_810, %sub3A_811 : f32
    %ge3A_813 = vector.broadcast %sub3A_812 : f32 to vector<1x20000xf32>
    %ge3A_814 = arith.cmpf oge, %div3A_805, %ge3A_813 : vector<1x20000xf32>
    %or3A_815 = arith.ori %or3A_753, %ge3A_814 : vector<1x20000xi1>
    %gt3A_816 = arith.cmpf ogt, %div3A_805, %select_n3A_755 : vector<1x20000xf32>
    %select_n3A_817 = arith.select %gt3A_816, %div3A_805, %select_n3A_755 : vector<1x20000xi1>, vector<1x20000xf32>
    %jit3A_818 = arith.constant 11 : i32
    %broadcast_in_dim3A_819 = vector.broadcast %jit3A_818 : i32 to vector<1x20000xi32>
    %select_n3A_820 = arith.select %gt3A_816, %broadcast_in_dim3A_819, %select_n3A_758 : vector<1x20000xi1>, vector<1x20000xi32>
    %slice3A_821 = vector.extract_strided_slice %get3A_18 {offsets = [0, 12], sizes = [1, 1], strides = [1, 1]} : vector<9x20xf32> to vector<1x1xf32>
    %slice3A_822 = vector.extract_strided_slice %get3A_18 {offsets = [1, 12], sizes = [1, 1], strides = [1, 1]} : vector<9x20xf32> to vector<1x1xf32>
    %slice3A_823 = vector.extract_strided_slice %get3A_18 {offsets = [3, 12], sizes = [1, 1], strides = [1, 1]} : vector<9x20xf32> to vector<1x1xf32>
    %slice3A_824 = vector.extract_strided_slice %get3A_18 {offsets = [4, 12], sizes = [1, 1], strides = [1, 1]} : vector<9x20xf32> to vector<1x1xf32>
    %mul3A_825 = arith.constant 5.000000e-01 : f32
    %mul3A_826 = vector.broadcast %mul3A_825 : f32 to vector<1x1xf32>
    %mul3A_827 = arith.mulf %slice3A_823, %mul3A_826 : vector<1x1xf32>
    %sub3A_828 = arith.subf %slice3A_821, %mul3A_827 : vector<1x1xf32>
    %mul3A_829 = arith.constant 5.000000e-01 : f32
    %mul3A_830 = vector.broadcast %mul3A_829 : f32 to vector<1x1xf32>
    %mul3A_831 = arith.mulf %slice3A_823, %mul3A_830 : vector<1x1xf32>
    %add3A_832 = arith.addf %slice3A_821, %mul3A_831 : vector<1x1xf32>
    %mul3A_833 = arith.constant 5.000000e-01 : f32
    %mul3A_834 = vector.broadcast %mul3A_833 : f32 to vector<1x1xf32>
    %mul3A_835 = arith.mulf %slice3A_824, %mul3A_834 : vector<1x1xf32>
    %sub3A_836 = arith.subf %slice3A_822, %mul3A_835 : vector<1x1xf32>
    %mul3A_837 = arith.constant 5.000000e-01 : f32
    %mul3A_838 = vector.broadcast %mul3A_837 : f32 to vector<1x1xf32>
    %mul3A_839 = arith.mulf %slice3A_824, %mul3A_838 : vector<1x1xf32>
    %add3A_840 = arith.addf %slice3A_822, %mul3A_839 : vector<1x1xf32>
    %min3A_841 = vector.broadcast %add3A_832 : vector<1x1xf32> to vector<1x20000xf32>
    %min3A_842 = arith.minimumf %min3A_841, %add3A_59 : vector<1x20000xf32>
    %max3A_843 = vector.broadcast %sub3A_828 : vector<1x1xf32> to vector<1x20000xf32>
    %max3A_844 = arith.maximumf %max3A_843, %sub3A : vector<1x20000xf32>
    %sub3A_845 = arith.subf %min3A_842, %max3A_844 : vector<1x20000xf32>
    %jit3A_846 = arith.constant 0.000000e+00 : f32
    %max3A_847 = vector.broadcast %jit3A_846 : f32 to vector<1x20000xf32>
    %max3A_848 = arith.maximumf %max3A_847, %sub3A_845 : vector<1x20000xf32>
    %min3A_849 = vector.broadcast %add3A_840 : vector<1x1xf32> to vector<1x20000xf32>
    %min3A_850 = arith.minimumf %min3A_849, %add3A_71 : vector<1x20000xf32>
    %max3A_851 = vector.broadcast %sub3A_836 : vector<1x1xf32> to vector<1x20000xf32>
    %max3A_852 = arith.maximumf %max3A_851, %sub3A_65 : vector<1x20000xf32>
    %sub3A_853 = arith.subf %min3A_850, %max3A_852 : vector<1x20000xf32>
    %jit3A_854 = arith.constant 0.000000e+00 : f32
    %max3A_855 = vector.broadcast %jit3A_854 : f32 to vector<1x20000xf32>
    %max3A_856 = arith.maximumf %max3A_855, %sub3A_853 : vector<1x20000xf32>
    %mul3A_857 = arith.mulf %max3A_848, %max3A_856 : vector<1x20000xf32>
    %sub3A_858 = arith.subf %add3A_832, %sub3A_828 : vector<1x1xf32>
    %sub3A_859 = arith.subf %add3A_840, %sub3A_836 : vector<1x1xf32>
    %mul3A_860 = arith.mulf %sub3A_858, %sub3A_859 : vector<1x1xf32>
    %add3A_861 = vector.broadcast %mul3A_860 : vector<1x1xf32> to vector<1x20000xf32>
    %add3A_862 = arith.addf %add3A_861, %mul3A_74 : vector<1x20000xf32>
    %sub3A_863 = arith.subf %add3A_862, %mul3A_857 : vector<1x20000xf32>
    %add3A_864 = arith.constant 9.99999993E-9 : f32
    %add3A_865 = vector.broadcast %add3A_864 : f32 to vector<1x20000xf32>
    %add3A_866 = arith.addf %sub3A_863, %add3A_865 : vector<1x20000xf32>
    %div3A_867 = arith.divf %mul3A_857, %add3A_866 : vector<1x20000xf32>
    %reduce_max3A_868 = vector.shape_cast %div3A_867 : vector<1x20000xf32> to vector<1x1x20000xf32>
    %reduce_max3A_869 = arith.constant dense<0xFF800000> : vector<1xf32>
    %reduce_max3A_870 = vector.multi_reduction <maximumf>, %reduce_max3A_868, %reduce_max3A_869 [1, 2] : vector<1x1x20000xf32> to vector<1xf32>
    %reduce_max3A_871 = vector.shape_cast %reduce_max3A_870 : vector<1xf32> to vector<1x1x1xf32>
    %reduce_max3A_872 = vector.extract %reduce_max3A_871[0, 0, 0] : f32 from vector<1x1x1xf32>
    %sub3A_873 = arith.constant 1.000000e-07 : f32
    %sub3A_874 = arith.subf %reduce_max3A_872, %sub3A_873 : f32
    %ge3A_875 = vector.broadcast %sub3A_874 : f32 to vector<1x20000xf32>
    %ge3A_876 = arith.cmpf oge, %div3A_867, %ge3A_875 : vector<1x20000xf32>
    %or3A_877 = arith.ori %or3A_815, %ge3A_876 : vector<1x20000xi1>
    %gt3A_878 = arith.cmpf ogt, %div3A_867, %select_n3A_817 : vector<1x20000xf32>
    %select_n3A_879 = arith.select %gt3A_878, %div3A_867, %select_n3A_817 : vector<1x20000xi1>, vector<1x20000xf32>
    %jit3A_880 = arith.constant 12 : i32
    %broadcast_in_dim3A_881 = vector.broadcast %jit3A_880 : i32 to vector<1x20000xi32>
    %select_n3A_882 = arith.select %gt3A_878, %broadcast_in_dim3A_881, %select_n3A_820 : vector<1x20000xi1>, vector<1x20000xi32>
    %slice3A_883 = vector.extract_strided_slice %get3A_18 {offsets = [0, 13], sizes = [1, 1], strides = [1, 1]} : vector<9x20xf32> to vector<1x1xf32>
    %slice3A_884 = vector.extract_strided_slice %get3A_18 {offsets = [1, 13], sizes = [1, 1], strides = [1, 1]} : vector<9x20xf32> to vector<1x1xf32>
    %slice3A_885 = vector.extract_strided_slice %get3A_18 {offsets = [3, 13], sizes = [1, 1], strides = [1, 1]} : vector<9x20xf32> to vector<1x1xf32>
    %slice3A_886 = vector.extract_strided_slice %get3A_18 {offsets = [4, 13], sizes = [1, 1], strides = [1, 1]} : vector<9x20xf32> to vector<1x1xf32>
    %mul3A_887 = arith.constant 5.000000e-01 : f32
    %mul3A_888 = vector.broadcast %mul3A_887 : f32 to vector<1x1xf32>
    %mul3A_889 = arith.mulf %slice3A_885, %mul3A_888 : vector<1x1xf32>
    %sub3A_890 = arith.subf %slice3A_883, %mul3A_889 : vector<1x1xf32>
    %mul3A_891 = arith.constant 5.000000e-01 : f32
    %mul3A_892 = vector.broadcast %mul3A_891 : f32 to vector<1x1xf32>
    %mul3A_893 = arith.mulf %slice3A_885, %mul3A_892 : vector<1x1xf32>
    %add3A_894 = arith.addf %slice3A_883, %mul3A_893 : vector<1x1xf32>
    %mul3A_895 = arith.constant 5.000000e-01 : f32
    %mul3A_896 = vector.broadcast %mul3A_895 : f32 to vector<1x1xf32>
    %mul3A_897 = arith.mulf %slice3A_886, %mul3A_896 : vector<1x1xf32>
    %sub3A_898 = arith.subf %slice3A_884, %mul3A_897 : vector<1x1xf32>
    %mul3A_899 = arith.constant 5.000000e-01 : f32
    %mul3A_900 = vector.broadcast %mul3A_899 : f32 to vector<1x1xf32>
    %mul3A_901 = arith.mulf %slice3A_886, %mul3A_900 : vector<1x1xf32>
    %add3A_902 = arith.addf %slice3A_884, %mul3A_901 : vector<1x1xf32>
    %min3A_903 = vector.broadcast %add3A_894 : vector<1x1xf32> to vector<1x20000xf32>
    %min3A_904 = arith.minimumf %min3A_903, %add3A_59 : vector<1x20000xf32>
    %max3A_905 = vector.broadcast %sub3A_890 : vector<1x1xf32> to vector<1x20000xf32>
    %max3A_906 = arith.maximumf %max3A_905, %sub3A : vector<1x20000xf32>
    %sub3A_907 = arith.subf %min3A_904, %max3A_906 : vector<1x20000xf32>
    %jit3A_908 = arith.constant 0.000000e+00 : f32
    %max3A_909 = vector.broadcast %jit3A_908 : f32 to vector<1x20000xf32>
    %max3A_910 = arith.maximumf %max3A_909, %sub3A_907 : vector<1x20000xf32>
    %min3A_911 = vector.broadcast %add3A_902 : vector<1x1xf32> to vector<1x20000xf32>
    %min3A_912 = arith.minimumf %min3A_911, %add3A_71 : vector<1x20000xf32>
    %max3A_913 = vector.broadcast %sub3A_898 : vector<1x1xf32> to vector<1x20000xf32>
    %max3A_914 = arith.maximumf %max3A_913, %sub3A_65 : vector<1x20000xf32>
    %sub3A_915 = arith.subf %min3A_912, %max3A_914 : vector<1x20000xf32>
    %jit3A_916 = arith.constant 0.000000e+00 : f32
    %max3A_917 = vector.broadcast %jit3A_916 : f32 to vector<1x20000xf32>
    %max3A_918 = arith.maximumf %max3A_917, %sub3A_915 : vector<1x20000xf32>
    %mul3A_919 = arith.mulf %max3A_910, %max3A_918 : vector<1x20000xf32>
    %sub3A_920 = arith.subf %add3A_894, %sub3A_890 : vector<1x1xf32>
    %sub3A_921 = arith.subf %add3A_902, %sub3A_898 : vector<1x1xf32>
    %mul3A_922 = arith.mulf %sub3A_920, %sub3A_921 : vector<1x1xf32>
    %add3A_923 = vector.broadcast %mul3A_922 : vector<1x1xf32> to vector<1x20000xf32>
    %add3A_924 = arith.addf %add3A_923, %mul3A_74 : vector<1x20000xf32>
    %sub3A_925 = arith.subf %add3A_924, %mul3A_919 : vector<1x20000xf32>
    %add3A_926 = arith.constant 9.99999993E-9 : f32
    %add3A_927 = vector.broadcast %add3A_926 : f32 to vector<1x20000xf32>
    %add3A_928 = arith.addf %sub3A_925, %add3A_927 : vector<1x20000xf32>
    %div3A_929 = arith.divf %mul3A_919, %add3A_928 : vector<1x20000xf32>
    %reduce_max3A_930 = vector.shape_cast %div3A_929 : vector<1x20000xf32> to vector<1x1x20000xf32>
    %reduce_max3A_931 = arith.constant dense<0xFF800000> : vector<1xf32>
    %reduce_max3A_932 = vector.multi_reduction <maximumf>, %reduce_max3A_930, %reduce_max3A_931 [1, 2] : vector<1x1x20000xf32> to vector<1xf32>
    %reduce_max3A_933 = vector.shape_cast %reduce_max3A_932 : vector<1xf32> to vector<1x1x1xf32>
    %reduce_max3A_934 = vector.extract %reduce_max3A_933[0, 0, 0] : f32 from vector<1x1x1xf32>
    %sub3A_935 = arith.constant 1.000000e-07 : f32
    %sub3A_936 = arith.subf %reduce_max3A_934, %sub3A_935 : f32
    %ge3A_937 = vector.broadcast %sub3A_936 : f32 to vector<1x20000xf32>
    %ge3A_938 = arith.cmpf oge, %div3A_929, %ge3A_937 : vector<1x20000xf32>
    %or3A_939 = arith.ori %or3A_877, %ge3A_938 : vector<1x20000xi1>
    %gt3A_940 = arith.cmpf ogt, %div3A_929, %select_n3A_879 : vector<1x20000xf32>
    %select_n3A_941 = arith.select %gt3A_940, %div3A_929, %select_n3A_879 : vector<1x20000xi1>, vector<1x20000xf32>
    %jit3A_942 = arith.constant 13 : i32
    %broadcast_in_dim3A_943 = vector.broadcast %jit3A_942 : i32 to vector<1x20000xi32>
    %select_n3A_944 = arith.select %gt3A_940, %broadcast_in_dim3A_943, %select_n3A_882 : vector<1x20000xi1>, vector<1x20000xi32>
    %slice3A_945 = vector.extract_strided_slice %get3A_18 {offsets = [0, 14], sizes = [1, 1], strides = [1, 1]} : vector<9x20xf32> to vector<1x1xf32>
    %slice3A_946 = vector.extract_strided_slice %get3A_18 {offsets = [1, 14], sizes = [1, 1], strides = [1, 1]} : vector<9x20xf32> to vector<1x1xf32>
    %slice3A_947 = vector.extract_strided_slice %get3A_18 {offsets = [3, 14], sizes = [1, 1], strides = [1, 1]} : vector<9x20xf32> to vector<1x1xf32>
    %slice3A_948 = vector.extract_strided_slice %get3A_18 {offsets = [4, 14], sizes = [1, 1], strides = [1, 1]} : vector<9x20xf32> to vector<1x1xf32>
    %mul3A_949 = arith.constant 5.000000e-01 : f32
    %mul3A_950 = vector.broadcast %mul3A_949 : f32 to vector<1x1xf32>
    %mul3A_951 = arith.mulf %slice3A_947, %mul3A_950 : vector<1x1xf32>
    %sub3A_952 = arith.subf %slice3A_945, %mul3A_951 : vector<1x1xf32>
    %mul3A_953 = arith.constant 5.000000e-01 : f32
    %mul3A_954 = vector.broadcast %mul3A_953 : f32 to vector<1x1xf32>
    %mul3A_955 = arith.mulf %slice3A_947, %mul3A_954 : vector<1x1xf32>
    %add3A_956 = arith.addf %slice3A_945, %mul3A_955 : vector<1x1xf32>
    %mul3A_957 = arith.constant 5.000000e-01 : f32
    %mul3A_958 = vector.broadcast %mul3A_957 : f32 to vector<1x1xf32>
    %mul3A_959 = arith.mulf %slice3A_948, %mul3A_958 : vector<1x1xf32>
    %sub3A_960 = arith.subf %slice3A_946, %mul3A_959 : vector<1x1xf32>
    %mul3A_961 = arith.constant 5.000000e-01 : f32
    %mul3A_962 = vector.broadcast %mul3A_961 : f32 to vector<1x1xf32>
    %mul3A_963 = arith.mulf %slice3A_948, %mul3A_962 : vector<1x1xf32>
    %add3A_964 = arith.addf %slice3A_946, %mul3A_963 : vector<1x1xf32>
    %min3A_965 = vector.broadcast %add3A_956 : vector<1x1xf32> to vector<1x20000xf32>
    %min3A_966 = arith.minimumf %min3A_965, %add3A_59 : vector<1x20000xf32>
    %max3A_967 = vector.broadcast %sub3A_952 : vector<1x1xf32> to vector<1x20000xf32>
    %max3A_968 = arith.maximumf %max3A_967, %sub3A : vector<1x20000xf32>
    %sub3A_969 = arith.subf %min3A_966, %max3A_968 : vector<1x20000xf32>
    %jit3A_970 = arith.constant 0.000000e+00 : f32
    %max3A_971 = vector.broadcast %jit3A_970 : f32 to vector<1x20000xf32>
    %max3A_972 = arith.maximumf %max3A_971, %sub3A_969 : vector<1x20000xf32>
    %min3A_973 = vector.broadcast %add3A_964 : vector<1x1xf32> to vector<1x20000xf32>
    %min3A_974 = arith.minimumf %min3A_973, %add3A_71 : vector<1x20000xf32>
    %max3A_975 = vector.broadcast %sub3A_960 : vector<1x1xf32> to vector<1x20000xf32>
    %max3A_976 = arith.maximumf %max3A_975, %sub3A_65 : vector<1x20000xf32>
    %sub3A_977 = arith.subf %min3A_974, %max3A_976 : vector<1x20000xf32>
    %jit3A_978 = arith.constant 0.000000e+00 : f32
    %max3A_979 = vector.broadcast %jit3A_978 : f32 to vector<1x20000xf32>
    %max3A_980 = arith.maximumf %max3A_979, %sub3A_977 : vector<1x20000xf32>
    %mul3A_981 = arith.mulf %max3A_972, %max3A_980 : vector<1x20000xf32>
    %sub3A_982 = arith.subf %add3A_956, %sub3A_952 : vector<1x1xf32>
    %sub3A_983 = arith.subf %add3A_964, %sub3A_960 : vector<1x1xf32>
    %mul3A_984 = arith.mulf %sub3A_982, %sub3A_983 : vector<1x1xf32>
    %add3A_985 = vector.broadcast %mul3A_984 : vector<1x1xf32> to vector<1x20000xf32>
    %add3A_986 = arith.addf %add3A_985, %mul3A_74 : vector<1x20000xf32>
    %sub3A_987 = arith.subf %add3A_986, %mul3A_981 : vector<1x20000xf32>
    %add3A_988 = arith.constant 9.99999993E-9 : f32
    %add3A_989 = vector.broadcast %add3A_988 : f32 to vector<1x20000xf32>
    %add3A_990 = arith.addf %sub3A_987, %add3A_989 : vector<1x20000xf32>
    %div3A_991 = arith.divf %mul3A_981, %add3A_990 : vector<1x20000xf32>
    %reduce_max3A_992 = vector.shape_cast %div3A_991 : vector<1x20000xf32> to vector<1x1x20000xf32>
    %reduce_max3A_993 = arith.constant dense<0xFF800000> : vector<1xf32>
    %reduce_max3A_994 = vector.multi_reduction <maximumf>, %reduce_max3A_992, %reduce_max3A_993 [1, 2] : vector<1x1x20000xf32> to vector<1xf32>
    %reduce_max3A_995 = vector.shape_cast %reduce_max3A_994 : vector<1xf32> to vector<1x1x1xf32>
    %reduce_max3A_996 = vector.extract %reduce_max3A_995[0, 0, 0] : f32 from vector<1x1x1xf32>
    %sub3A_997 = arith.constant 1.000000e-07 : f32
    %sub3A_998 = arith.subf %reduce_max3A_996, %sub3A_997 : f32
    %ge3A_999 = vector.broadcast %sub3A_998 : f32 to vector<1x20000xf32>
    %ge3A_1000 = arith.cmpf oge, %div3A_991, %ge3A_999 : vector<1x20000xf32>
    %or3A_1001 = arith.ori %or3A_939, %ge3A_1000 : vector<1x20000xi1>
    %gt3A_1002 = arith.cmpf ogt, %div3A_991, %select_n3A_941 : vector<1x20000xf32>
    %select_n3A_1003 = arith.select %gt3A_1002, %div3A_991, %select_n3A_941 : vector<1x20000xi1>, vector<1x20000xf32>
    %jit3A_1004 = arith.constant 14 : i32
    %broadcast_in_dim3A_1005 = vector.broadcast %jit3A_1004 : i32 to vector<1x20000xi32>
    %select_n3A_1006 = arith.select %gt3A_1002, %broadcast_in_dim3A_1005, %select_n3A_944 : vector<1x20000xi1>, vector<1x20000xi32>
    %slice3A_1007 = vector.extract_strided_slice %get3A_18 {offsets = [0, 15], sizes = [1, 1], strides = [1, 1]} : vector<9x20xf32> to vector<1x1xf32>
    %slice3A_1008 = vector.extract_strided_slice %get3A_18 {offsets = [1, 15], sizes = [1, 1], strides = [1, 1]} : vector<9x20xf32> to vector<1x1xf32>
    %slice3A_1009 = vector.extract_strided_slice %get3A_18 {offsets = [3, 15], sizes = [1, 1], strides = [1, 1]} : vector<9x20xf32> to vector<1x1xf32>
    %slice3A_1010 = vector.extract_strided_slice %get3A_18 {offsets = [4, 15], sizes = [1, 1], strides = [1, 1]} : vector<9x20xf32> to vector<1x1xf32>
    %mul3A_1011 = arith.constant 5.000000e-01 : f32
    %mul3A_1012 = vector.broadcast %mul3A_1011 : f32 to vector<1x1xf32>
    %mul3A_1013 = arith.mulf %slice3A_1009, %mul3A_1012 : vector<1x1xf32>
    %sub3A_1014 = arith.subf %slice3A_1007, %mul3A_1013 : vector<1x1xf32>
    %mul3A_1015 = arith.constant 5.000000e-01 : f32
    %mul3A_1016 = vector.broadcast %mul3A_1015 : f32 to vector<1x1xf32>
    %mul3A_1017 = arith.mulf %slice3A_1009, %mul3A_1016 : vector<1x1xf32>
    %add3A_1018 = arith.addf %slice3A_1007, %mul3A_1017 : vector<1x1xf32>
    %mul3A_1019 = arith.constant 5.000000e-01 : f32
    %mul3A_1020 = vector.broadcast %mul3A_1019 : f32 to vector<1x1xf32>
    %mul3A_1021 = arith.mulf %slice3A_1010, %mul3A_1020 : vector<1x1xf32>
    %sub3A_1022 = arith.subf %slice3A_1008, %mul3A_1021 : vector<1x1xf32>
    %mul3A_1023 = arith.constant 5.000000e-01 : f32
    %mul3A_1024 = vector.broadcast %mul3A_1023 : f32 to vector<1x1xf32>
    %mul3A_1025 = arith.mulf %slice3A_1010, %mul3A_1024 : vector<1x1xf32>
    %add3A_1026 = arith.addf %slice3A_1008, %mul3A_1025 : vector<1x1xf32>
    %min3A_1027 = vector.broadcast %add3A_1018 : vector<1x1xf32> to vector<1x20000xf32>
    %min3A_1028 = arith.minimumf %min3A_1027, %add3A_59 : vector<1x20000xf32>
    %max3A_1029 = vector.broadcast %sub3A_1014 : vector<1x1xf32> to vector<1x20000xf32>
    %max3A_1030 = arith.maximumf %max3A_1029, %sub3A : vector<1x20000xf32>
    %sub3A_1031 = arith.subf %min3A_1028, %max3A_1030 : vector<1x20000xf32>
    %jit3A_1032 = arith.constant 0.000000e+00 : f32
    %max3A_1033 = vector.broadcast %jit3A_1032 : f32 to vector<1x20000xf32>
    %max3A_1034 = arith.maximumf %max3A_1033, %sub3A_1031 : vector<1x20000xf32>
    %min3A_1035 = vector.broadcast %add3A_1026 : vector<1x1xf32> to vector<1x20000xf32>
    %min3A_1036 = arith.minimumf %min3A_1035, %add3A_71 : vector<1x20000xf32>
    %max3A_1037 = vector.broadcast %sub3A_1022 : vector<1x1xf32> to vector<1x20000xf32>
    %max3A_1038 = arith.maximumf %max3A_1037, %sub3A_65 : vector<1x20000xf32>
    %sub3A_1039 = arith.subf %min3A_1036, %max3A_1038 : vector<1x20000xf32>
    %jit3A_1040 = arith.constant 0.000000e+00 : f32
    %max3A_1041 = vector.broadcast %jit3A_1040 : f32 to vector<1x20000xf32>
    %max3A_1042 = arith.maximumf %max3A_1041, %sub3A_1039 : vector<1x20000xf32>
    %mul3A_1043 = arith.mulf %max3A_1034, %max3A_1042 : vector<1x20000xf32>
    %sub3A_1044 = arith.subf %add3A_1018, %sub3A_1014 : vector<1x1xf32>
    %sub3A_1045 = arith.subf %add3A_1026, %sub3A_1022 : vector<1x1xf32>
    %mul3A_1046 = arith.mulf %sub3A_1044, %sub3A_1045 : vector<1x1xf32>
    %add3A_1047 = vector.broadcast %mul3A_1046 : vector<1x1xf32> to vector<1x20000xf32>
    %add3A_1048 = arith.addf %add3A_1047, %mul3A_74 : vector<1x20000xf32>
    %sub3A_1049 = arith.subf %add3A_1048, %mul3A_1043 : vector<1x20000xf32>
    %add3A_1050 = arith.constant 9.99999993E-9 : f32
    %add3A_1051 = vector.broadcast %add3A_1050 : f32 to vector<1x20000xf32>
    %add3A_1052 = arith.addf %sub3A_1049, %add3A_1051 : vector<1x20000xf32>
    %div3A_1053 = arith.divf %mul3A_1043, %add3A_1052 : vector<1x20000xf32>
    %reduce_max3A_1054 = vector.shape_cast %div3A_1053 : vector<1x20000xf32> to vector<1x1x20000xf32>
    %reduce_max3A_1055 = arith.constant dense<0xFF800000> : vector<1xf32>
    %reduce_max3A_1056 = vector.multi_reduction <maximumf>, %reduce_max3A_1054, %reduce_max3A_1055 [1, 2] : vector<1x1x20000xf32> to vector<1xf32>
    %reduce_max3A_1057 = vector.shape_cast %reduce_max3A_1056 : vector<1xf32> to vector<1x1x1xf32>
    %reduce_max3A_1058 = vector.extract %reduce_max3A_1057[0, 0, 0] : f32 from vector<1x1x1xf32>
    %sub3A_1059 = arith.constant 1.000000e-07 : f32
    %sub3A_1060 = arith.subf %reduce_max3A_1058, %sub3A_1059 : f32
    %ge3A_1061 = vector.broadcast %sub3A_1060 : f32 to vector<1x20000xf32>
    %ge3A_1062 = arith.cmpf oge, %div3A_1053, %ge3A_1061 : vector<1x20000xf32>
    %or3A_1063 = arith.ori %or3A_1001, %ge3A_1062 : vector<1x20000xi1>
    %gt3A_1064 = arith.cmpf ogt, %div3A_1053, %select_n3A_1003 : vector<1x20000xf32>
    %select_n3A_1065 = arith.select %gt3A_1064, %div3A_1053, %select_n3A_1003 : vector<1x20000xi1>, vector<1x20000xf32>
    %jit3A_1066 = arith.constant 15 : i32
    %broadcast_in_dim3A_1067 = vector.broadcast %jit3A_1066 : i32 to vector<1x20000xi32>
    %select_n3A_1068 = arith.select %gt3A_1064, %broadcast_in_dim3A_1067, %select_n3A_1006 : vector<1x20000xi1>, vector<1x20000xi32>
    %slice3A_1069 = vector.extract_strided_slice %get3A_18 {offsets = [0, 16], sizes = [1, 1], strides = [1, 1]} : vector<9x20xf32> to vector<1x1xf32>
    %slice3A_1070 = vector.extract_strided_slice %get3A_18 {offsets = [1, 16], sizes = [1, 1], strides = [1, 1]} : vector<9x20xf32> to vector<1x1xf32>
    %slice3A_1071 = vector.extract_strided_slice %get3A_18 {offsets = [3, 16], sizes = [1, 1], strides = [1, 1]} : vector<9x20xf32> to vector<1x1xf32>
    %slice3A_1072 = vector.extract_strided_slice %get3A_18 {offsets = [4, 16], sizes = [1, 1], strides = [1, 1]} : vector<9x20xf32> to vector<1x1xf32>
    %mul3A_1073 = arith.constant 5.000000e-01 : f32
    %mul3A_1074 = vector.broadcast %mul3A_1073 : f32 to vector<1x1xf32>
    %mul3A_1075 = arith.mulf %slice3A_1071, %mul3A_1074 : vector<1x1xf32>
    %sub3A_1076 = arith.subf %slice3A_1069, %mul3A_1075 : vector<1x1xf32>
    %mul3A_1077 = arith.constant 5.000000e-01 : f32
    %mul3A_1078 = vector.broadcast %mul3A_1077 : f32 to vector<1x1xf32>
    %mul3A_1079 = arith.mulf %slice3A_1071, %mul3A_1078 : vector<1x1xf32>
    %add3A_1080 = arith.addf %slice3A_1069, %mul3A_1079 : vector<1x1xf32>
    %mul3A_1081 = arith.constant 5.000000e-01 : f32
    %mul3A_1082 = vector.broadcast %mul3A_1081 : f32 to vector<1x1xf32>
    %mul3A_1083 = arith.mulf %slice3A_1072, %mul3A_1082 : vector<1x1xf32>
    %sub3A_1084 = arith.subf %slice3A_1070, %mul3A_1083 : vector<1x1xf32>
    %mul3A_1085 = arith.constant 5.000000e-01 : f32
    %mul3A_1086 = vector.broadcast %mul3A_1085 : f32 to vector<1x1xf32>
    %mul3A_1087 = arith.mulf %slice3A_1072, %mul3A_1086 : vector<1x1xf32>
    %add3A_1088 = arith.addf %slice3A_1070, %mul3A_1087 : vector<1x1xf32>
    %min3A_1089 = vector.broadcast %add3A_1080 : vector<1x1xf32> to vector<1x20000xf32>
    %min3A_1090 = arith.minimumf %min3A_1089, %add3A_59 : vector<1x20000xf32>
    %max3A_1091 = vector.broadcast %sub3A_1076 : vector<1x1xf32> to vector<1x20000xf32>
    %max3A_1092 = arith.maximumf %max3A_1091, %sub3A : vector<1x20000xf32>
    %sub3A_1093 = arith.subf %min3A_1090, %max3A_1092 : vector<1x20000xf32>
    %jit3A_1094 = arith.constant 0.000000e+00 : f32
    %max3A_1095 = vector.broadcast %jit3A_1094 : f32 to vector<1x20000xf32>
    %max3A_1096 = arith.maximumf %max3A_1095, %sub3A_1093 : vector<1x20000xf32>
    %min3A_1097 = vector.broadcast %add3A_1088 : vector<1x1xf32> to vector<1x20000xf32>
    %min3A_1098 = arith.minimumf %min3A_1097, %add3A_71 : vector<1x20000xf32>
    %max3A_1099 = vector.broadcast %sub3A_1084 : vector<1x1xf32> to vector<1x20000xf32>
    %max3A_1100 = arith.maximumf %max3A_1099, %sub3A_65 : vector<1x20000xf32>
    %sub3A_1101 = arith.subf %min3A_1098, %max3A_1100 : vector<1x20000xf32>
    %jit3A_1102 = arith.constant 0.000000e+00 : f32
    %max3A_1103 = vector.broadcast %jit3A_1102 : f32 to vector<1x20000xf32>
    %max3A_1104 = arith.maximumf %max3A_1103, %sub3A_1101 : vector<1x20000xf32>
    %mul3A_1105 = arith.mulf %max3A_1096, %max3A_1104 : vector<1x20000xf32>
    %sub3A_1106 = arith.subf %add3A_1080, %sub3A_1076 : vector<1x1xf32>
    %sub3A_1107 = arith.subf %add3A_1088, %sub3A_1084 : vector<1x1xf32>
    %mul3A_1108 = arith.mulf %sub3A_1106, %sub3A_1107 : vector<1x1xf32>
    %add3A_1109 = vector.broadcast %mul3A_1108 : vector<1x1xf32> to vector<1x20000xf32>
    %add3A_1110 = arith.addf %add3A_1109, %mul3A_74 : vector<1x20000xf32>
    %sub3A_1111 = arith.subf %add3A_1110, %mul3A_1105 : vector<1x20000xf32>
    %add3A_1112 = arith.constant 9.99999993E-9 : f32
    %add3A_1113 = vector.broadcast %add3A_1112 : f32 to vector<1x20000xf32>
    %add3A_1114 = arith.addf %sub3A_1111, %add3A_1113 : vector<1x20000xf32>
    %div3A_1115 = arith.divf %mul3A_1105, %add3A_1114 : vector<1x20000xf32>
    %reduce_max3A_1116 = vector.shape_cast %div3A_1115 : vector<1x20000xf32> to vector<1x1x20000xf32>
    %reduce_max3A_1117 = arith.constant dense<0xFF800000> : vector<1xf32>
    %reduce_max3A_1118 = vector.multi_reduction <maximumf>, %reduce_max3A_1116, %reduce_max3A_1117 [1, 2] : vector<1x1x20000xf32> to vector<1xf32>
    %reduce_max3A_1119 = vector.shape_cast %reduce_max3A_1118 : vector<1xf32> to vector<1x1x1xf32>
    %reduce_max3A_1120 = vector.extract %reduce_max3A_1119[0, 0, 0] : f32 from vector<1x1x1xf32>
    %sub3A_1121 = arith.constant 1.000000e-07 : f32
    %sub3A_1122 = arith.subf %reduce_max3A_1120, %sub3A_1121 : f32
    %ge3A_1123 = vector.broadcast %sub3A_1122 : f32 to vector<1x20000xf32>
    %ge3A_1124 = arith.cmpf oge, %div3A_1115, %ge3A_1123 : vector<1x20000xf32>
    %or3A_1125 = arith.ori %or3A_1063, %ge3A_1124 : vector<1x20000xi1>
    %gt3A_1126 = arith.cmpf ogt, %div3A_1115, %select_n3A_1065 : vector<1x20000xf32>
    %select_n3A_1127 = arith.select %gt3A_1126, %div3A_1115, %select_n3A_1065 : vector<1x20000xi1>, vector<1x20000xf32>
    %jit3A_1128 = arith.constant 16 : i32
    %broadcast_in_dim3A_1129 = vector.broadcast %jit3A_1128 : i32 to vector<1x20000xi32>
    %select_n3A_1130 = arith.select %gt3A_1126, %broadcast_in_dim3A_1129, %select_n3A_1068 : vector<1x20000xi1>, vector<1x20000xi32>
    %slice3A_1131 = vector.extract_strided_slice %get3A_18 {offsets = [0, 17], sizes = [1, 1], strides = [1, 1]} : vector<9x20xf32> to vector<1x1xf32>
    %slice3A_1132 = vector.extract_strided_slice %get3A_18 {offsets = [1, 17], sizes = [1, 1], strides = [1, 1]} : vector<9x20xf32> to vector<1x1xf32>
    %slice3A_1133 = vector.extract_strided_slice %get3A_18 {offsets = [3, 17], sizes = [1, 1], strides = [1, 1]} : vector<9x20xf32> to vector<1x1xf32>
    %slice3A_1134 = vector.extract_strided_slice %get3A_18 {offsets = [4, 17], sizes = [1, 1], strides = [1, 1]} : vector<9x20xf32> to vector<1x1xf32>
    %mul3A_1135 = arith.constant 5.000000e-01 : f32
    %mul3A_1136 = vector.broadcast %mul3A_1135 : f32 to vector<1x1xf32>
    %mul3A_1137 = arith.mulf %slice3A_1133, %mul3A_1136 : vector<1x1xf32>
    %sub3A_1138 = arith.subf %slice3A_1131, %mul3A_1137 : vector<1x1xf32>
    %mul3A_1139 = arith.constant 5.000000e-01 : f32
    %mul3A_1140 = vector.broadcast %mul3A_1139 : f32 to vector<1x1xf32>
    %mul3A_1141 = arith.mulf %slice3A_1133, %mul3A_1140 : vector<1x1xf32>
    %add3A_1142 = arith.addf %slice3A_1131, %mul3A_1141 : vector<1x1xf32>
    %mul3A_1143 = arith.constant 5.000000e-01 : f32
    %mul3A_1144 = vector.broadcast %mul3A_1143 : f32 to vector<1x1xf32>
    %mul3A_1145 = arith.mulf %slice3A_1134, %mul3A_1144 : vector<1x1xf32>
    %sub3A_1146 = arith.subf %slice3A_1132, %mul3A_1145 : vector<1x1xf32>
    %mul3A_1147 = arith.constant 5.000000e-01 : f32
    %mul3A_1148 = vector.broadcast %mul3A_1147 : f32 to vector<1x1xf32>
    %mul3A_1149 = arith.mulf %slice3A_1134, %mul3A_1148 : vector<1x1xf32>
    %add3A_1150 = arith.addf %slice3A_1132, %mul3A_1149 : vector<1x1xf32>
    %min3A_1151 = vector.broadcast %add3A_1142 : vector<1x1xf32> to vector<1x20000xf32>
    %min3A_1152 = arith.minimumf %min3A_1151, %add3A_59 : vector<1x20000xf32>
    %max3A_1153 = vector.broadcast %sub3A_1138 : vector<1x1xf32> to vector<1x20000xf32>
    %max3A_1154 = arith.maximumf %max3A_1153, %sub3A : vector<1x20000xf32>
    %sub3A_1155 = arith.subf %min3A_1152, %max3A_1154 : vector<1x20000xf32>
    %jit3A_1156 = arith.constant 0.000000e+00 : f32
    %max3A_1157 = vector.broadcast %jit3A_1156 : f32 to vector<1x20000xf32>
    %max3A_1158 = arith.maximumf %max3A_1157, %sub3A_1155 : vector<1x20000xf32>
    %min3A_1159 = vector.broadcast %add3A_1150 : vector<1x1xf32> to vector<1x20000xf32>
    %min3A_1160 = arith.minimumf %min3A_1159, %add3A_71 : vector<1x20000xf32>
    %max3A_1161 = vector.broadcast %sub3A_1146 : vector<1x1xf32> to vector<1x20000xf32>
    %max3A_1162 = arith.maximumf %max3A_1161, %sub3A_65 : vector<1x20000xf32>
    %sub3A_1163 = arith.subf %min3A_1160, %max3A_1162 : vector<1x20000xf32>
    %jit3A_1164 = arith.constant 0.000000e+00 : f32
    %max3A_1165 = vector.broadcast %jit3A_1164 : f32 to vector<1x20000xf32>
    %max3A_1166 = arith.maximumf %max3A_1165, %sub3A_1163 : vector<1x20000xf32>
    %mul3A_1167 = arith.mulf %max3A_1158, %max3A_1166 : vector<1x20000xf32>
    %sub3A_1168 = arith.subf %add3A_1142, %sub3A_1138 : vector<1x1xf32>
    %sub3A_1169 = arith.subf %add3A_1150, %sub3A_1146 : vector<1x1xf32>
    %mul3A_1170 = arith.mulf %sub3A_1168, %sub3A_1169 : vector<1x1xf32>
    %add3A_1171 = vector.broadcast %mul3A_1170 : vector<1x1xf32> to vector<1x20000xf32>
    %add3A_1172 = arith.addf %add3A_1171, %mul3A_74 : vector<1x20000xf32>
    %sub3A_1173 = arith.subf %add3A_1172, %mul3A_1167 : vector<1x20000xf32>
    %add3A_1174 = arith.constant 9.99999993E-9 : f32
    %add3A_1175 = vector.broadcast %add3A_1174 : f32 to vector<1x20000xf32>
    %add3A_1176 = arith.addf %sub3A_1173, %add3A_1175 : vector<1x20000xf32>
    %div3A_1177 = arith.divf %mul3A_1167, %add3A_1176 : vector<1x20000xf32>
    %reduce_max3A_1178 = vector.shape_cast %div3A_1177 : vector<1x20000xf32> to vector<1x1x20000xf32>
    %reduce_max3A_1179 = arith.constant dense<0xFF800000> : vector<1xf32>
    %reduce_max3A_1180 = vector.multi_reduction <maximumf>, %reduce_max3A_1178, %reduce_max3A_1179 [1, 2] : vector<1x1x20000xf32> to vector<1xf32>
    %reduce_max3A_1181 = vector.shape_cast %reduce_max3A_1180 : vector<1xf32> to vector<1x1x1xf32>
    %reduce_max3A_1182 = vector.extract %reduce_max3A_1181[0, 0, 0] : f32 from vector<1x1x1xf32>
    %sub3A_1183 = arith.constant 1.000000e-07 : f32
    %sub3A_1184 = arith.subf %reduce_max3A_1182, %sub3A_1183 : f32
    %ge3A_1185 = vector.broadcast %sub3A_1184 : f32 to vector<1x20000xf32>
    %ge3A_1186 = arith.cmpf oge, %div3A_1177, %ge3A_1185 : vector<1x20000xf32>
    %or3A_1187 = arith.ori %or3A_1125, %ge3A_1186 : vector<1x20000xi1>
    %gt3A_1188 = arith.cmpf ogt, %div3A_1177, %select_n3A_1127 : vector<1x20000xf32>
    %select_n3A_1189 = arith.select %gt3A_1188, %div3A_1177, %select_n3A_1127 : vector<1x20000xi1>, vector<1x20000xf32>
    %jit3A_1190 = arith.constant 17 : i32
    %broadcast_in_dim3A_1191 = vector.broadcast %jit3A_1190 : i32 to vector<1x20000xi32>
    %select_n3A_1192 = arith.select %gt3A_1188, %broadcast_in_dim3A_1191, %select_n3A_1130 : vector<1x20000xi1>, vector<1x20000xi32>
    %slice3A_1193 = vector.extract_strided_slice %get3A_18 {offsets = [0, 18], sizes = [1, 1], strides = [1, 1]} : vector<9x20xf32> to vector<1x1xf32>
    %slice3A_1194 = vector.extract_strided_slice %get3A_18 {offsets = [1, 18], sizes = [1, 1], strides = [1, 1]} : vector<9x20xf32> to vector<1x1xf32>
    %slice3A_1195 = vector.extract_strided_slice %get3A_18 {offsets = [3, 18], sizes = [1, 1], strides = [1, 1]} : vector<9x20xf32> to vector<1x1xf32>
    %slice3A_1196 = vector.extract_strided_slice %get3A_18 {offsets = [4, 18], sizes = [1, 1], strides = [1, 1]} : vector<9x20xf32> to vector<1x1xf32>
    %mul3A_1197 = arith.constant 5.000000e-01 : f32
    %mul3A_1198 = vector.broadcast %mul3A_1197 : f32 to vector<1x1xf32>
    %mul3A_1199 = arith.mulf %slice3A_1195, %mul3A_1198 : vector<1x1xf32>
    %sub3A_1200 = arith.subf %slice3A_1193, %mul3A_1199 : vector<1x1xf32>
    %mul3A_1201 = arith.constant 5.000000e-01 : f32
    %mul3A_1202 = vector.broadcast %mul3A_1201 : f32 to vector<1x1xf32>
    %mul3A_1203 = arith.mulf %slice3A_1195, %mul3A_1202 : vector<1x1xf32>
    %add3A_1204 = arith.addf %slice3A_1193, %mul3A_1203 : vector<1x1xf32>
    %mul3A_1205 = arith.constant 5.000000e-01 : f32
    %mul3A_1206 = vector.broadcast %mul3A_1205 : f32 to vector<1x1xf32>
    %mul3A_1207 = arith.mulf %slice3A_1196, %mul3A_1206 : vector<1x1xf32>
    %sub3A_1208 = arith.subf %slice3A_1194, %mul3A_1207 : vector<1x1xf32>
    %mul3A_1209 = arith.constant 5.000000e-01 : f32
    %mul3A_1210 = vector.broadcast %mul3A_1209 : f32 to vector<1x1xf32>
    %mul3A_1211 = arith.mulf %slice3A_1196, %mul3A_1210 : vector<1x1xf32>
    %add3A_1212 = arith.addf %slice3A_1194, %mul3A_1211 : vector<1x1xf32>
    %min3A_1213 = vector.broadcast %add3A_1204 : vector<1x1xf32> to vector<1x20000xf32>
    %min3A_1214 = arith.minimumf %min3A_1213, %add3A_59 : vector<1x20000xf32>
    %max3A_1215 = vector.broadcast %sub3A_1200 : vector<1x1xf32> to vector<1x20000xf32>
    %max3A_1216 = arith.maximumf %max3A_1215, %sub3A : vector<1x20000xf32>
    %sub3A_1217 = arith.subf %min3A_1214, %max3A_1216 : vector<1x20000xf32>
    %jit3A_1218 = arith.constant 0.000000e+00 : f32
    %max3A_1219 = vector.broadcast %jit3A_1218 : f32 to vector<1x20000xf32>
    %max3A_1220 = arith.maximumf %max3A_1219, %sub3A_1217 : vector<1x20000xf32>
    %min3A_1221 = vector.broadcast %add3A_1212 : vector<1x1xf32> to vector<1x20000xf32>
    %min3A_1222 = arith.minimumf %min3A_1221, %add3A_71 : vector<1x20000xf32>
    %max3A_1223 = vector.broadcast %sub3A_1208 : vector<1x1xf32> to vector<1x20000xf32>
    %max3A_1224 = arith.maximumf %max3A_1223, %sub3A_65 : vector<1x20000xf32>
    %sub3A_1225 = arith.subf %min3A_1222, %max3A_1224 : vector<1x20000xf32>
    %jit3A_1226 = arith.constant 0.000000e+00 : f32
    %max3A_1227 = vector.broadcast %jit3A_1226 : f32 to vector<1x20000xf32>
    %max3A_1228 = arith.maximumf %max3A_1227, %sub3A_1225 : vector<1x20000xf32>
    %mul3A_1229 = arith.mulf %max3A_1220, %max3A_1228 : vector<1x20000xf32>
    %sub3A_1230 = arith.subf %add3A_1204, %sub3A_1200 : vector<1x1xf32>
    %sub3A_1231 = arith.subf %add3A_1212, %sub3A_1208 : vector<1x1xf32>
    %mul3A_1232 = arith.mulf %sub3A_1230, %sub3A_1231 : vector<1x1xf32>
    %add3A_1233 = vector.broadcast %mul3A_1232 : vector<1x1xf32> to vector<1x20000xf32>
    %add3A_1234 = arith.addf %add3A_1233, %mul3A_74 : vector<1x20000xf32>
    %sub3A_1235 = arith.subf %add3A_1234, %mul3A_1229 : vector<1x20000xf32>
    %add3A_1236 = arith.constant 9.99999993E-9 : f32
    %add3A_1237 = vector.broadcast %add3A_1236 : f32 to vector<1x20000xf32>
    %add3A_1238 = arith.addf %sub3A_1235, %add3A_1237 : vector<1x20000xf32>
    %div3A_1239 = arith.divf %mul3A_1229, %add3A_1238 : vector<1x20000xf32>
    %reduce_max3A_1240 = vector.shape_cast %div3A_1239 : vector<1x20000xf32> to vector<1x1x20000xf32>
    %reduce_max3A_1241 = arith.constant dense<0xFF800000> : vector<1xf32>
    %reduce_max3A_1242 = vector.multi_reduction <maximumf>, %reduce_max3A_1240, %reduce_max3A_1241 [1, 2] : vector<1x1x20000xf32> to vector<1xf32>
    %reduce_max3A_1243 = vector.shape_cast %reduce_max3A_1242 : vector<1xf32> to vector<1x1x1xf32>
    %reduce_max3A_1244 = vector.extract %reduce_max3A_1243[0, 0, 0] : f32 from vector<1x1x1xf32>
    %sub3A_1245 = arith.constant 1.000000e-07 : f32
    %sub3A_1246 = arith.subf %reduce_max3A_1244, %sub3A_1245 : f32
    %ge3A_1247 = vector.broadcast %sub3A_1246 : f32 to vector<1x20000xf32>
    %ge3A_1248 = arith.cmpf oge, %div3A_1239, %ge3A_1247 : vector<1x20000xf32>
    %or3A_1249 = arith.ori %or3A_1187, %ge3A_1248 : vector<1x20000xi1>
    %gt3A_1250 = arith.cmpf ogt, %div3A_1239, %select_n3A_1189 : vector<1x20000xf32>
    %select_n3A_1251 = arith.select %gt3A_1250, %div3A_1239, %select_n3A_1189 : vector<1x20000xi1>, vector<1x20000xf32>
    %jit3A_1252 = arith.constant 18 : i32
    %broadcast_in_dim3A_1253 = vector.broadcast %jit3A_1252 : i32 to vector<1x20000xi32>
    %select_n3A_1254 = arith.select %gt3A_1250, %broadcast_in_dim3A_1253, %select_n3A_1192 : vector<1x20000xi1>, vector<1x20000xi32>
    %slice3A_1255 = vector.extract_strided_slice %get3A_18 {offsets = [0, 19], sizes = [1, 1], strides = [1, 1]} : vector<9x20xf32> to vector<1x1xf32>
    %slice3A_1256 = vector.extract_strided_slice %get3A_18 {offsets = [1, 19], sizes = [1, 1], strides = [1, 1]} : vector<9x20xf32> to vector<1x1xf32>
    %slice3A_1257 = vector.extract_strided_slice %get3A_18 {offsets = [3, 19], sizes = [1, 1], strides = [1, 1]} : vector<9x20xf32> to vector<1x1xf32>
    %slice3A_1258 = vector.extract_strided_slice %get3A_18 {offsets = [4, 19], sizes = [1, 1], strides = [1, 1]} : vector<9x20xf32> to vector<1x1xf32>
    %mul3A_1259 = arith.constant 5.000000e-01 : f32
    %mul3A_1260 = vector.broadcast %mul3A_1259 : f32 to vector<1x1xf32>
    %mul3A_1261 = arith.mulf %slice3A_1257, %mul3A_1260 : vector<1x1xf32>
    %sub3A_1262 = arith.subf %slice3A_1255, %mul3A_1261 : vector<1x1xf32>
    %mul3A_1263 = arith.constant 5.000000e-01 : f32
    %mul3A_1264 = vector.broadcast %mul3A_1263 : f32 to vector<1x1xf32>
    %mul3A_1265 = arith.mulf %slice3A_1257, %mul3A_1264 : vector<1x1xf32>
    %add3A_1266 = arith.addf %slice3A_1255, %mul3A_1265 : vector<1x1xf32>
    %mul3A_1267 = arith.constant 5.000000e-01 : f32
    %mul3A_1268 = vector.broadcast %mul3A_1267 : f32 to vector<1x1xf32>
    %mul3A_1269 = arith.mulf %slice3A_1258, %mul3A_1268 : vector<1x1xf32>
    %sub3A_1270 = arith.subf %slice3A_1256, %mul3A_1269 : vector<1x1xf32>
    %mul3A_1271 = arith.constant 5.000000e-01 : f32
    %mul3A_1272 = vector.broadcast %mul3A_1271 : f32 to vector<1x1xf32>
    %mul3A_1273 = arith.mulf %slice3A_1258, %mul3A_1272 : vector<1x1xf32>
    %add3A_1274 = arith.addf %slice3A_1256, %mul3A_1273 : vector<1x1xf32>
    %min3A_1275 = vector.broadcast %add3A_1266 : vector<1x1xf32> to vector<1x20000xf32>
    %min3A_1276 = arith.minimumf %min3A_1275, %add3A_59 : vector<1x20000xf32>
    %max3A_1277 = vector.broadcast %sub3A_1262 : vector<1x1xf32> to vector<1x20000xf32>
    %max3A_1278 = arith.maximumf %max3A_1277, %sub3A : vector<1x20000xf32>
    %sub3A_1279 = arith.subf %min3A_1276, %max3A_1278 : vector<1x20000xf32>
    %jit3A_1280 = arith.constant 0.000000e+00 : f32
    %max3A_1281 = vector.broadcast %jit3A_1280 : f32 to vector<1x20000xf32>
    %max3A_1282 = arith.maximumf %max3A_1281, %sub3A_1279 : vector<1x20000xf32>
    %min3A_1283 = vector.broadcast %add3A_1274 : vector<1x1xf32> to vector<1x20000xf32>
    %min3A_1284 = arith.minimumf %min3A_1283, %add3A_71 : vector<1x20000xf32>
    %max3A_1285 = vector.broadcast %sub3A_1270 : vector<1x1xf32> to vector<1x20000xf32>
    %max3A_1286 = arith.maximumf %max3A_1285, %sub3A_65 : vector<1x20000xf32>
    %sub3A_1287 = arith.subf %min3A_1284, %max3A_1286 : vector<1x20000xf32>
    %jit3A_1288 = arith.constant 0.000000e+00 : f32
    %max3A_1289 = vector.broadcast %jit3A_1288 : f32 to vector<1x20000xf32>
    %max3A_1290 = arith.maximumf %max3A_1289, %sub3A_1287 : vector<1x20000xf32>
    %mul3A_1291 = arith.mulf %max3A_1282, %max3A_1290 : vector<1x20000xf32>
    %sub3A_1292 = arith.subf %add3A_1266, %sub3A_1262 : vector<1x1xf32>
    %sub3A_1293 = arith.subf %add3A_1274, %sub3A_1270 : vector<1x1xf32>
    %mul3A_1294 = arith.mulf %sub3A_1292, %sub3A_1293 : vector<1x1xf32>
    %add3A_1295 = vector.broadcast %mul3A_1294 : vector<1x1xf32> to vector<1x20000xf32>
    %add3A_1296 = arith.addf %add3A_1295, %mul3A_74 : vector<1x20000xf32>
    %sub3A_1297 = arith.subf %add3A_1296, %mul3A_1291 : vector<1x20000xf32>
    %add3A_1298 = arith.constant 9.99999993E-9 : f32
    %add3A_1299 = vector.broadcast %add3A_1298 : f32 to vector<1x20000xf32>
    %add3A_1300 = arith.addf %sub3A_1297, %add3A_1299 : vector<1x20000xf32>
    %div3A_1301 = arith.divf %mul3A_1291, %add3A_1300 : vector<1x20000xf32>
    %reduce_max3A_1302 = vector.shape_cast %div3A_1301 : vector<1x20000xf32> to vector<1x1x20000xf32>
    %reduce_max3A_1303 = arith.constant dense<0xFF800000> : vector<1xf32>
    %reduce_max3A_1304 = vector.multi_reduction <maximumf>, %reduce_max3A_1302, %reduce_max3A_1303 [1, 2] : vector<1x1x20000xf32> to vector<1xf32>
    %reduce_max3A_1305 = vector.shape_cast %reduce_max3A_1304 : vector<1xf32> to vector<1x1x1xf32>
    %reduce_max3A_1306 = vector.extract %reduce_max3A_1305[0, 0, 0] : f32 from vector<1x1x1xf32>
    %sub3A_1307 = arith.constant 1.000000e-07 : f32
    %sub3A_1308 = arith.subf %reduce_max3A_1306, %sub3A_1307 : f32
    %ge3A_1309 = vector.broadcast %sub3A_1308 : f32 to vector<1x20000xf32>
    %ge3A_1310 = arith.cmpf oge, %div3A_1301, %ge3A_1309 : vector<1x20000xf32>
    %or3A_1311 = arith.ori %or3A_1249, %ge3A_1310 : vector<1x20000xi1>
    %gt3A_1312 = arith.cmpf ogt, %div3A_1301, %select_n3A_1251 : vector<1x20000xf32>
    %select_n3A_1313 = arith.select %gt3A_1312, %div3A_1301, %select_n3A_1251 : vector<1x20000xi1>, vector<1x20000xf32>
    %jit3A_1314 = arith.constant 19 : i32
    %broadcast_in_dim3A_1315 = vector.broadcast %jit3A_1314 : i32 to vector<1x20000xi32>
    %select_n3A_1316 = arith.select %gt3A_1312, %broadcast_in_dim3A_1315, %select_n3A_1254 : vector<1x20000xi1>, vector<1x20000xi32>
    %lt3A = arith.constant 2.000000e-01 : f32
    %lt3A_1317 = vector.broadcast %lt3A : f32 to vector<1x20000xf32>
    %lt3A_1318 = arith.cmpf olt, %select_n3A_1313, %lt3A_1317 : vector<1x20000xf32>
    %lt3A_1319 = arith.constant 6.000000e-01 : f32
    %lt3A_1320 = vector.broadcast %lt3A_1319 : f32 to vector<1x20000xf32>
    %lt3A_1321 = arith.cmpf olt, %select_n3A_1313, %lt3A_1320 : vector<1x20000xf32>
    %jit3A_1322 = arith.constant -2 : i32
    %broadcast_in_dim3A_1323 = vector.broadcast %jit3A_1322 : i32 to vector<1x20000xi32>
    %select_n3A_1324 = arith.select %lt3A_1321, %broadcast_in_dim3A_1323, %select_n3A_1316 : vector<1x20000xi1>, vector<1x20000xi32>
    %jit3A_1325 = arith.constant -1 : i32
    %broadcast_in_dim3A_1326 = vector.broadcast %jit3A_1325 : i32 to vector<1x20000xi32>
    %select_n3A_1327 = arith.select %lt3A_1318, %broadcast_in_dim3A_1326, %select_n3A_1324 : vector<1x20000xi1>, vector<1x20000xi32>
    %select_n3A_1328 = arith.select %or3A_1311, %select_n3A_1316, %select_n3A_1327 : vector<1x20000xi1>, vector<1x20000xi32>
    %max3A_1329 = arith.constant 0 : i32
    %max3A_1330 = vector.broadcast %max3A_1329 : i32 to vector<1x20000xi32>
    %max3A_1331 = arith.maxsi %select_n3A_1328, %max3A_1330 : vector<1x20000xi32>
    %broadcast_in_dim3A_1332 = arith.constant 0.000000e+00 : f32
    %broadcast_in_dim3A_1333 = vector.broadcast %broadcast_in_dim3A_1332 : f32 to vector<9x20000xf32>
    %eq3A = arith.constant 0 : i32
    %eq3A_1334 = vector.broadcast %eq3A : i32 to vector<1x20000xi32>
    %eq3A_1335 = arith.cmpi eq, %max3A_1331, %eq3A_1334 : vector<1x20000xi32>
    %slice3A_1336 = vector.extract_strided_slice %get3A_18 {offsets = [0, 0], sizes = [9, 1], strides = [1, 1]} : vector<9x20xf32> to vector<9x1xf32>
    %broadcast_in_dim3A_1337 = vector.shape_cast %eq3A_1335 : vector<1x20000xi1> to vector<1x20000xi1>
    %broadcast_in_dim3A_1338 = vector.broadcast %broadcast_in_dim3A_1337 : vector<1x20000xi1> to vector<9x20000xi1>
    %broadcast_in_dim3A_1339 = vector.shape_cast %slice3A_1336 : vector<9x1xf32> to vector<9x1xf32>
    %broadcast_in_dim3A_1340 = vector.broadcast %broadcast_in_dim3A_1339 : vector<9x1xf32> to vector<9x20000xf32>
    %select_n3A_1341 = arith.select %broadcast_in_dim3A_1338, %broadcast_in_dim3A_1340, %broadcast_in_dim3A_1333 : vector<9x20000xi1>, vector<9x20000xf32>
    %eq3A_1342 = arith.constant 1 : i32
    %eq3A_1343 = vector.broadcast %eq3A_1342 : i32 to vector<1x20000xi32>
    %eq3A_1344 = arith.cmpi eq, %max3A_1331, %eq3A_1343 : vector<1x20000xi32>
    %slice3A_1345 = vector.extract_strided_slice %get3A_18 {offsets = [0, 1], sizes = [9, 1], strides = [1, 1]} : vector<9x20xf32> to vector<9x1xf32>
    %broadcast_in_dim3A_1346 = vector.shape_cast %eq3A_1344 : vector<1x20000xi1> to vector<1x20000xi1>
    %broadcast_in_dim3A_1347 = vector.broadcast %broadcast_in_dim3A_1346 : vector<1x20000xi1> to vector<9x20000xi1>
    %broadcast_in_dim3A_1348 = vector.shape_cast %slice3A_1345 : vector<9x1xf32> to vector<9x1xf32>
    %broadcast_in_dim3A_1349 = vector.broadcast %broadcast_in_dim3A_1348 : vector<9x1xf32> to vector<9x20000xf32>
    %select_n3A_1350 = arith.select %broadcast_in_dim3A_1347, %broadcast_in_dim3A_1349, %select_n3A_1341 : vector<9x20000xi1>, vector<9x20000xf32>
    %eq3A_1351 = arith.constant 2 : i32
    %eq3A_1352 = vector.broadcast %eq3A_1351 : i32 to vector<1x20000xi32>
    %eq3A_1353 = arith.cmpi eq, %max3A_1331, %eq3A_1352 : vector<1x20000xi32>
    %slice3A_1354 = vector.extract_strided_slice %get3A_18 {offsets = [0, 2], sizes = [9, 1], strides = [1, 1]} : vector<9x20xf32> to vector<9x1xf32>
    %broadcast_in_dim3A_1355 = vector.shape_cast %eq3A_1353 : vector<1x20000xi1> to vector<1x20000xi1>
    %broadcast_in_dim3A_1356 = vector.broadcast %broadcast_in_dim3A_1355 : vector<1x20000xi1> to vector<9x20000xi1>
    %broadcast_in_dim3A_1357 = vector.shape_cast %slice3A_1354 : vector<9x1xf32> to vector<9x1xf32>
    %broadcast_in_dim3A_1358 = vector.broadcast %broadcast_in_dim3A_1357 : vector<9x1xf32> to vector<9x20000xf32>
    %select_n3A_1359 = arith.select %broadcast_in_dim3A_1356, %broadcast_in_dim3A_1358, %select_n3A_1350 : vector<9x20000xi1>, vector<9x20000xf32>
    %eq3A_1360 = arith.constant 3 : i32
    %eq3A_1361 = vector.broadcast %eq3A_1360 : i32 to vector<1x20000xi32>
    %eq3A_1362 = arith.cmpi eq, %max3A_1331, %eq3A_1361 : vector<1x20000xi32>
    %slice3A_1363 = vector.extract_strided_slice %get3A_18 {offsets = [0, 3], sizes = [9, 1], strides = [1, 1]} : vector<9x20xf32> to vector<9x1xf32>
    %broadcast_in_dim3A_1364 = vector.shape_cast %eq3A_1362 : vector<1x20000xi1> to vector<1x20000xi1>
    %broadcast_in_dim3A_1365 = vector.broadcast %broadcast_in_dim3A_1364 : vector<1x20000xi1> to vector<9x20000xi1>
    %broadcast_in_dim3A_1366 = vector.shape_cast %slice3A_1363 : vector<9x1xf32> to vector<9x1xf32>
    %broadcast_in_dim3A_1367 = vector.broadcast %broadcast_in_dim3A_1366 : vector<9x1xf32> to vector<9x20000xf32>
    %select_n3A_1368 = arith.select %broadcast_in_dim3A_1365, %broadcast_in_dim3A_1367, %select_n3A_1359 : vector<9x20000xi1>, vector<9x20000xf32>
    %eq3A_1369 = arith.constant 4 : i32
    %eq3A_1370 = vector.broadcast %eq3A_1369 : i32 to vector<1x20000xi32>
    %eq3A_1371 = arith.cmpi eq, %max3A_1331, %eq3A_1370 : vector<1x20000xi32>
    %slice3A_1372 = vector.extract_strided_slice %get3A_18 {offsets = [0, 4], sizes = [9, 1], strides = [1, 1]} : vector<9x20xf32> to vector<9x1xf32>
    %broadcast_in_dim3A_1373 = vector.shape_cast %eq3A_1371 : vector<1x20000xi1> to vector<1x20000xi1>
    %broadcast_in_dim3A_1374 = vector.broadcast %broadcast_in_dim3A_1373 : vector<1x20000xi1> to vector<9x20000xi1>
    %broadcast_in_dim3A_1375 = vector.shape_cast %slice3A_1372 : vector<9x1xf32> to vector<9x1xf32>
    %broadcast_in_dim3A_1376 = vector.broadcast %broadcast_in_dim3A_1375 : vector<9x1xf32> to vector<9x20000xf32>
    %select_n3A_1377 = arith.select %broadcast_in_dim3A_1374, %broadcast_in_dim3A_1376, %select_n3A_1368 : vector<9x20000xi1>, vector<9x20000xf32>
    %eq3A_1378 = arith.constant 5 : i32
    %eq3A_1379 = vector.broadcast %eq3A_1378 : i32 to vector<1x20000xi32>
    %eq3A_1380 = arith.cmpi eq, %max3A_1331, %eq3A_1379 : vector<1x20000xi32>
    %slice3A_1381 = vector.extract_strided_slice %get3A_18 {offsets = [0, 5], sizes = [9, 1], strides = [1, 1]} : vector<9x20xf32> to vector<9x1xf32>
    %broadcast_in_dim3A_1382 = vector.shape_cast %eq3A_1380 : vector<1x20000xi1> to vector<1x20000xi1>
    %broadcast_in_dim3A_1383 = vector.broadcast %broadcast_in_dim3A_1382 : vector<1x20000xi1> to vector<9x20000xi1>
    %broadcast_in_dim3A_1384 = vector.shape_cast %slice3A_1381 : vector<9x1xf32> to vector<9x1xf32>
    %broadcast_in_dim3A_1385 = vector.broadcast %broadcast_in_dim3A_1384 : vector<9x1xf32> to vector<9x20000xf32>
    %select_n3A_1386 = arith.select %broadcast_in_dim3A_1383, %broadcast_in_dim3A_1385, %select_n3A_1377 : vector<9x20000xi1>, vector<9x20000xf32>
    %eq3A_1387 = arith.constant 6 : i32
    %eq3A_1388 = vector.broadcast %eq3A_1387 : i32 to vector<1x20000xi32>
    %eq3A_1389 = arith.cmpi eq, %max3A_1331, %eq3A_1388 : vector<1x20000xi32>
    %slice3A_1390 = vector.extract_strided_slice %get3A_18 {offsets = [0, 6], sizes = [9, 1], strides = [1, 1]} : vector<9x20xf32> to vector<9x1xf32>
    %broadcast_in_dim3A_1391 = vector.shape_cast %eq3A_1389 : vector<1x20000xi1> to vector<1x20000xi1>
    %broadcast_in_dim3A_1392 = vector.broadcast %broadcast_in_dim3A_1391 : vector<1x20000xi1> to vector<9x20000xi1>
    %broadcast_in_dim3A_1393 = vector.shape_cast %slice3A_1390 : vector<9x1xf32> to vector<9x1xf32>
    %broadcast_in_dim3A_1394 = vector.broadcast %broadcast_in_dim3A_1393 : vector<9x1xf32> to vector<9x20000xf32>
    %select_n3A_1395 = arith.select %broadcast_in_dim3A_1392, %broadcast_in_dim3A_1394, %select_n3A_1386 : vector<9x20000xi1>, vector<9x20000xf32>
    %eq3A_1396 = arith.constant 7 : i32
    %eq3A_1397 = vector.broadcast %eq3A_1396 : i32 to vector<1x20000xi32>
    %eq3A_1398 = arith.cmpi eq, %max3A_1331, %eq3A_1397 : vector<1x20000xi32>
    %slice3A_1399 = vector.extract_strided_slice %get3A_18 {offsets = [0, 7], sizes = [9, 1], strides = [1, 1]} : vector<9x20xf32> to vector<9x1xf32>
    %broadcast_in_dim3A_1400 = vector.shape_cast %eq3A_1398 : vector<1x20000xi1> to vector<1x20000xi1>
    %broadcast_in_dim3A_1401 = vector.broadcast %broadcast_in_dim3A_1400 : vector<1x20000xi1> to vector<9x20000xi1>
    %broadcast_in_dim3A_1402 = vector.shape_cast %slice3A_1399 : vector<9x1xf32> to vector<9x1xf32>
    %broadcast_in_dim3A_1403 = vector.broadcast %broadcast_in_dim3A_1402 : vector<9x1xf32> to vector<9x20000xf32>
    %select_n3A_1404 = arith.select %broadcast_in_dim3A_1401, %broadcast_in_dim3A_1403, %select_n3A_1395 : vector<9x20000xi1>, vector<9x20000xf32>
    %eq3A_1405 = arith.constant 8 : i32
    %eq3A_1406 = vector.broadcast %eq3A_1405 : i32 to vector<1x20000xi32>
    %eq3A_1407 = arith.cmpi eq, %max3A_1331, %eq3A_1406 : vector<1x20000xi32>
    %slice3A_1408 = vector.extract_strided_slice %get3A_18 {offsets = [0, 8], sizes = [9, 1], strides = [1, 1]} : vector<9x20xf32> to vector<9x1xf32>
    %broadcast_in_dim3A_1409 = vector.shape_cast %eq3A_1407 : vector<1x20000xi1> to vector<1x20000xi1>
    %broadcast_in_dim3A_1410 = vector.broadcast %broadcast_in_dim3A_1409 : vector<1x20000xi1> to vector<9x20000xi1>
    %broadcast_in_dim3A_1411 = vector.shape_cast %slice3A_1408 : vector<9x1xf32> to vector<9x1xf32>
    %broadcast_in_dim3A_1412 = vector.broadcast %broadcast_in_dim3A_1411 : vector<9x1xf32> to vector<9x20000xf32>
    %select_n3A_1413 = arith.select %broadcast_in_dim3A_1410, %broadcast_in_dim3A_1412, %select_n3A_1404 : vector<9x20000xi1>, vector<9x20000xf32>
    %eq3A_1414 = arith.constant 9 : i32
    %eq3A_1415 = vector.broadcast %eq3A_1414 : i32 to vector<1x20000xi32>
    %eq3A_1416 = arith.cmpi eq, %max3A_1331, %eq3A_1415 : vector<1x20000xi32>
    %slice3A_1417 = vector.extract_strided_slice %get3A_18 {offsets = [0, 9], sizes = [9, 1], strides = [1, 1]} : vector<9x20xf32> to vector<9x1xf32>
    %broadcast_in_dim3A_1418 = vector.shape_cast %eq3A_1416 : vector<1x20000xi1> to vector<1x20000xi1>
    %broadcast_in_dim3A_1419 = vector.broadcast %broadcast_in_dim3A_1418 : vector<1x20000xi1> to vector<9x20000xi1>
    %broadcast_in_dim3A_1420 = vector.shape_cast %slice3A_1417 : vector<9x1xf32> to vector<9x1xf32>
    %broadcast_in_dim3A_1421 = vector.broadcast %broadcast_in_dim3A_1420 : vector<9x1xf32> to vector<9x20000xf32>
    %select_n3A_1422 = arith.select %broadcast_in_dim3A_1419, %broadcast_in_dim3A_1421, %select_n3A_1413 : vector<9x20000xi1>, vector<9x20000xf32>
    %eq3A_1423 = arith.constant 10 : i32
    %eq3A_1424 = vector.broadcast %eq3A_1423 : i32 to vector<1x20000xi32>
    %eq3A_1425 = arith.cmpi eq, %max3A_1331, %eq3A_1424 : vector<1x20000xi32>
    %slice3A_1426 = vector.extract_strided_slice %get3A_18 {offsets = [0, 10], sizes = [9, 1], strides = [1, 1]} : vector<9x20xf32> to vector<9x1xf32>
    %broadcast_in_dim3A_1427 = vector.shape_cast %eq3A_1425 : vector<1x20000xi1> to vector<1x20000xi1>
    %broadcast_in_dim3A_1428 = vector.broadcast %broadcast_in_dim3A_1427 : vector<1x20000xi1> to vector<9x20000xi1>
    %broadcast_in_dim3A_1429 = vector.shape_cast %slice3A_1426 : vector<9x1xf32> to vector<9x1xf32>
    %broadcast_in_dim3A_1430 = vector.broadcast %broadcast_in_dim3A_1429 : vector<9x1xf32> to vector<9x20000xf32>
    %select_n3A_1431 = arith.select %broadcast_in_dim3A_1428, %broadcast_in_dim3A_1430, %select_n3A_1422 : vector<9x20000xi1>, vector<9x20000xf32>
    %eq3A_1432 = arith.constant 11 : i32
    %eq3A_1433 = vector.broadcast %eq3A_1432 : i32 to vector<1x20000xi32>
    %eq3A_1434 = arith.cmpi eq, %max3A_1331, %eq3A_1433 : vector<1x20000xi32>
    %slice3A_1435 = vector.extract_strided_slice %get3A_18 {offsets = [0, 11], sizes = [9, 1], strides = [1, 1]} : vector<9x20xf32> to vector<9x1xf32>
    %broadcast_in_dim3A_1436 = vector.shape_cast %eq3A_1434 : vector<1x20000xi1> to vector<1x20000xi1>
    %broadcast_in_dim3A_1437 = vector.broadcast %broadcast_in_dim3A_1436 : vector<1x20000xi1> to vector<9x20000xi1>
    %broadcast_in_dim3A_1438 = vector.shape_cast %slice3A_1435 : vector<9x1xf32> to vector<9x1xf32>
    %broadcast_in_dim3A_1439 = vector.broadcast %broadcast_in_dim3A_1438 : vector<9x1xf32> to vector<9x20000xf32>
    %select_n3A_1440 = arith.select %broadcast_in_dim3A_1437, %broadcast_in_dim3A_1439, %select_n3A_1431 : vector<9x20000xi1>, vector<9x20000xf32>
    %eq3A_1441 = arith.constant 12 : i32
    %eq3A_1442 = vector.broadcast %eq3A_1441 : i32 to vector<1x20000xi32>
    %eq3A_1443 = arith.cmpi eq, %max3A_1331, %eq3A_1442 : vector<1x20000xi32>
    %slice3A_1444 = vector.extract_strided_slice %get3A_18 {offsets = [0, 12], sizes = [9, 1], strides = [1, 1]} : vector<9x20xf32> to vector<9x1xf32>
    %broadcast_in_dim3A_1445 = vector.shape_cast %eq3A_1443 : vector<1x20000xi1> to vector<1x20000xi1>
    %broadcast_in_dim3A_1446 = vector.broadcast %broadcast_in_dim3A_1445 : vector<1x20000xi1> to vector<9x20000xi1>
    %broadcast_in_dim3A_1447 = vector.shape_cast %slice3A_1444 : vector<9x1xf32> to vector<9x1xf32>
    %broadcast_in_dim3A_1448 = vector.broadcast %broadcast_in_dim3A_1447 : vector<9x1xf32> to vector<9x20000xf32>
    %select_n3A_1449 = arith.select %broadcast_in_dim3A_1446, %broadcast_in_dim3A_1448, %select_n3A_1440 : vector<9x20000xi1>, vector<9x20000xf32>
    %eq3A_1450 = arith.constant 13 : i32
    %eq3A_1451 = vector.broadcast %eq3A_1450 : i32 to vector<1x20000xi32>
    %eq3A_1452 = arith.cmpi eq, %max3A_1331, %eq3A_1451 : vector<1x20000xi32>
    %slice3A_1453 = vector.extract_strided_slice %get3A_18 {offsets = [0, 13], sizes = [9, 1], strides = [1, 1]} : vector<9x20xf32> to vector<9x1xf32>
    %broadcast_in_dim3A_1454 = vector.shape_cast %eq3A_1452 : vector<1x20000xi1> to vector<1x20000xi1>
    %broadcast_in_dim3A_1455 = vector.broadcast %broadcast_in_dim3A_1454 : vector<1x20000xi1> to vector<9x20000xi1>
    %broadcast_in_dim3A_1456 = vector.shape_cast %slice3A_1453 : vector<9x1xf32> to vector<9x1xf32>
    %broadcast_in_dim3A_1457 = vector.broadcast %broadcast_in_dim3A_1456 : vector<9x1xf32> to vector<9x20000xf32>
    %select_n3A_1458 = arith.select %broadcast_in_dim3A_1455, %broadcast_in_dim3A_1457, %select_n3A_1449 : vector<9x20000xi1>, vector<9x20000xf32>
    %eq3A_1459 = arith.constant 14 : i32
    %eq3A_1460 = vector.broadcast %eq3A_1459 : i32 to vector<1x20000xi32>
    %eq3A_1461 = arith.cmpi eq, %max3A_1331, %eq3A_1460 : vector<1x20000xi32>
    %slice3A_1462 = vector.extract_strided_slice %get3A_18 {offsets = [0, 14], sizes = [9, 1], strides = [1, 1]} : vector<9x20xf32> to vector<9x1xf32>
    %broadcast_in_dim3A_1463 = vector.shape_cast %eq3A_1461 : vector<1x20000xi1> to vector<1x20000xi1>
    %broadcast_in_dim3A_1464 = vector.broadcast %broadcast_in_dim3A_1463 : vector<1x20000xi1> to vector<9x20000xi1>
    %broadcast_in_dim3A_1465 = vector.shape_cast %slice3A_1462 : vector<9x1xf32> to vector<9x1xf32>
    %broadcast_in_dim3A_1466 = vector.broadcast %broadcast_in_dim3A_1465 : vector<9x1xf32> to vector<9x20000xf32>
    %select_n3A_1467 = arith.select %broadcast_in_dim3A_1464, %broadcast_in_dim3A_1466, %select_n3A_1458 : vector<9x20000xi1>, vector<9x20000xf32>
    %eq3A_1468 = arith.constant 15 : i32
    %eq3A_1469 = vector.broadcast %eq3A_1468 : i32 to vector<1x20000xi32>
    %eq3A_1470 = arith.cmpi eq, %max3A_1331, %eq3A_1469 : vector<1x20000xi32>
    %slice3A_1471 = vector.extract_strided_slice %get3A_18 {offsets = [0, 15], sizes = [9, 1], strides = [1, 1]} : vector<9x20xf32> to vector<9x1xf32>
    %broadcast_in_dim3A_1472 = vector.shape_cast %eq3A_1470 : vector<1x20000xi1> to vector<1x20000xi1>
    %broadcast_in_dim3A_1473 = vector.broadcast %broadcast_in_dim3A_1472 : vector<1x20000xi1> to vector<9x20000xi1>
    %broadcast_in_dim3A_1474 = vector.shape_cast %slice3A_1471 : vector<9x1xf32> to vector<9x1xf32>
    %broadcast_in_dim3A_1475 = vector.broadcast %broadcast_in_dim3A_1474 : vector<9x1xf32> to vector<9x20000xf32>
    %select_n3A_1476 = arith.select %broadcast_in_dim3A_1473, %broadcast_in_dim3A_1475, %select_n3A_1467 : vector<9x20000xi1>, vector<9x20000xf32>
    %eq3A_1477 = arith.constant 16 : i32
    %eq3A_1478 = vector.broadcast %eq3A_1477 : i32 to vector<1x20000xi32>
    %eq3A_1479 = arith.cmpi eq, %max3A_1331, %eq3A_1478 : vector<1x20000xi32>
    %slice3A_1480 = vector.extract_strided_slice %get3A_18 {offsets = [0, 16], sizes = [9, 1], strides = [1, 1]} : vector<9x20xf32> to vector<9x1xf32>
    %broadcast_in_dim3A_1481 = vector.shape_cast %eq3A_1479 : vector<1x20000xi1> to vector<1x20000xi1>
    %broadcast_in_dim3A_1482 = vector.broadcast %broadcast_in_dim3A_1481 : vector<1x20000xi1> to vector<9x20000xi1>
    %broadcast_in_dim3A_1483 = vector.shape_cast %slice3A_1480 : vector<9x1xf32> to vector<9x1xf32>
    %broadcast_in_dim3A_1484 = vector.broadcast %broadcast_in_dim3A_1483 : vector<9x1xf32> to vector<9x20000xf32>
    %select_n3A_1485 = arith.select %broadcast_in_dim3A_1482, %broadcast_in_dim3A_1484, %select_n3A_1476 : vector<9x20000xi1>, vector<9x20000xf32>
    %eq3A_1486 = arith.constant 17 : i32
    %eq3A_1487 = vector.broadcast %eq3A_1486 : i32 to vector<1x20000xi32>
    %eq3A_1488 = arith.cmpi eq, %max3A_1331, %eq3A_1487 : vector<1x20000xi32>
    %slice3A_1489 = vector.extract_strided_slice %get3A_18 {offsets = [0, 17], sizes = [9, 1], strides = [1, 1]} : vector<9x20xf32> to vector<9x1xf32>
    %broadcast_in_dim3A_1490 = vector.shape_cast %eq3A_1488 : vector<1x20000xi1> to vector<1x20000xi1>
    %broadcast_in_dim3A_1491 = vector.broadcast %broadcast_in_dim3A_1490 : vector<1x20000xi1> to vector<9x20000xi1>
    %broadcast_in_dim3A_1492 = vector.shape_cast %slice3A_1489 : vector<9x1xf32> to vector<9x1xf32>
    %broadcast_in_dim3A_1493 = vector.broadcast %broadcast_in_dim3A_1492 : vector<9x1xf32> to vector<9x20000xf32>
    %select_n3A_1494 = arith.select %broadcast_in_dim3A_1491, %broadcast_in_dim3A_1493, %select_n3A_1485 : vector<9x20000xi1>, vector<9x20000xf32>
    %eq3A_1495 = arith.constant 18 : i32
    %eq3A_1496 = vector.broadcast %eq3A_1495 : i32 to vector<1x20000xi32>
    %eq3A_1497 = arith.cmpi eq, %max3A_1331, %eq3A_1496 : vector<1x20000xi32>
    %slice3A_1498 = vector.extract_strided_slice %get3A_18 {offsets = [0, 18], sizes = [9, 1], strides = [1, 1]} : vector<9x20xf32> to vector<9x1xf32>
    %broadcast_in_dim3A_1499 = vector.shape_cast %eq3A_1497 : vector<1x20000xi1> to vector<1x20000xi1>
    %broadcast_in_dim3A_1500 = vector.broadcast %broadcast_in_dim3A_1499 : vector<1x20000xi1> to vector<9x20000xi1>
    %broadcast_in_dim3A_1501 = vector.shape_cast %slice3A_1498 : vector<9x1xf32> to vector<9x1xf32>
    %broadcast_in_dim3A_1502 = vector.broadcast %broadcast_in_dim3A_1501 : vector<9x1xf32> to vector<9x20000xf32>
    %select_n3A_1503 = arith.select %broadcast_in_dim3A_1500, %broadcast_in_dim3A_1502, %select_n3A_1494 : vector<9x20000xi1>, vector<9x20000xf32>
    %eq3A_1504 = arith.constant 19 : i32
    %eq3A_1505 = vector.broadcast %eq3A_1504 : i32 to vector<1x20000xi32>
    %eq3A_1506 = arith.cmpi eq, %max3A_1331, %eq3A_1505 : vector<1x20000xi32>
    %slice3A_1507 = vector.extract_strided_slice %get3A_18 {offsets = [0, 19], sizes = [9, 1], strides = [1, 1]} : vector<9x20xf32> to vector<9x1xf32>
    %broadcast_in_dim3A_1508 = vector.shape_cast %eq3A_1506 : vector<1x20000xi1> to vector<1x20000xi1>
    %broadcast_in_dim3A_1509 = vector.broadcast %broadcast_in_dim3A_1508 : vector<1x20000xi1> to vector<9x20000xi1>
    %broadcast_in_dim3A_1510 = vector.shape_cast %slice3A_1507 : vector<9x1xf32> to vector<9x1xf32>
    %broadcast_in_dim3A_1511 = vector.broadcast %broadcast_in_dim3A_1510 : vector<9x1xf32> to vector<9x20000xf32>
    %select_n3A_1512 = arith.select %broadcast_in_dim3A_1509, %broadcast_in_dim3A_1511, %select_n3A_1503 : vector<9x20000xi1>, vector<9x20000xf32>
    %slice3A_1513 = vector.extract_strided_slice %select_n3A_1512 {offsets = [0, 0], sizes = [3, 20000], strides = [1, 1]} : vector<9x20000xf32> to vector<3x20000xf32>
    %slice3A_1514 = vector.extract_strided_slice %get3A_13 {offsets = [0, 0], sizes = [3, 20000], strides = [1, 1]} : vector<9x20000xf32> to vector<3x20000xf32>
    %sub3A_1515 = arith.subf %slice3A_1513, %slice3A_1514 : vector<3x20000xf32>
    %slice3A_1516 = vector.extract_strided_slice %get3A_13 {offsets = [3, 0], sizes = [3, 20000], strides = [1, 1]} : vector<9x20000xf32> to vector<3x20000xf32>
    %div3A_1517 = arith.divf %sub3A_1515, %slice3A_1516 : vector<3x20000xf32>
    %slice3A_1518 = vector.extract_strided_slice %select_n3A_1512 {offsets = [3, 0], sizes = [3, 20000], strides = [1, 1]} : vector<9x20000xf32> to vector<3x20000xf32>
    %max3A_1519 = arith.constant 9.99999974E-5 : f32
    %max3A_1520 = vector.broadcast %max3A_1519 : f32 to vector<3x20000xf32>
    %max3A_1521 = arith.maximumf %slice3A_1518, %max3A_1520 : vector<3x20000xf32>
    %slice3A_1522 = vector.extract_strided_slice %get3A_13 {offsets = [3, 0], sizes = [3, 20000], strides = [1, 1]} : vector<9x20000xf32> to vector<3x20000xf32>
    %div3A_1523 = arith.divf %max3A_1521, %slice3A_1522 : vector<3x20000xf32>
    %log3A = math.log %div3A_1523 : vector<3x20000xf32>
    %slice3A_1524 = vector.extract_strided_slice %select_n3A_1512 {offsets = [6, 0], sizes = [3, 20000], strides = [1, 1]} : vector<9x20000xf32> to vector<3x20000xf32>
    %slice3A_1525 = vector.extract_strided_slice %get3A_13 {offsets = [6, 0], sizes = [3, 20000], strides = [1, 1]} : vector<9x20000xf32> to vector<3x20000xf32>
    %sub3A_1526 = arith.subf %slice3A_1524, %slice3A_1525 : vector<3x20000xf32>
    %concatenate3A_1527 = tpu.concatenate %div3A_1517, %log3A, %sub3A_1526 in 0 : vector<3x20000xf32>, vector<3x20000xf32>, vector<3x20000xf32> -> vector<9x20000xf32>
    %sub3A_1528 = arith.subf %get3A_8, %concatenate3A_1527 : vector<9x20000xf32>
    %abs3A = math.absf %sub3A_1528 : vector<9x20000xf32>
    %lt3A_1529 = arith.constant 1.000000e+00 : f32
    %lt3A_1530 = vector.broadcast %lt3A_1529 : f32 to vector<9x20000xf32>
    %lt3A_1531 = arith.cmpf olt, %abs3A, %lt3A_1530 : vector<9x20000xf32>
    %mul3A_1532 = arith.constant 5.000000e-01 : f32
    %mul3A_1533 = vector.broadcast %mul3A_1532 : f32 to vector<9x20000xf32>
    %mul3A_1534 = arith.mulf %mul3A_1533, %sub3A_1528 : vector<9x20000xf32>
    %mul3A_1535 = arith.mulf %mul3A_1534, %sub3A_1528 : vector<9x20000xf32>
    %sub3A_1536 = arith.constant 5.000000e-01 : f32
    %sub3A_1537 = vector.broadcast %sub3A_1536 : f32 to vector<9x20000xf32>
    %sub3A_1538 = arith.subf %abs3A, %sub3A_1537 : vector<9x20000xf32>
    %select_n3A_1539 = arith.select %lt3A_1531, %mul3A_1535, %sub3A_1538 : vector<9x20000xi1>, vector<9x20000xf32>
    %reduce_sum3A = vector.shape_cast %select_n3A_1539 : vector<9x20000xf32> to vector<1x9x20000xf32>
    %reduce_sum3A_1540 = arith.constant dense<0.000000e+00> : vector<1xf32>
    %reduce_sum3A_1541 = vector.multi_reduction <add>, %reduce_sum3A, %reduce_sum3A_1540 [1, 2] : vector<1x9x20000xf32> to vector<1xf32>
    %reduce_sum3A_1542 = vector.shape_cast %reduce_sum3A_1541 : vector<1xf32> to vector<1x1x1xf32>
    %reduce_sum3A_1543 = vector.extract %reduce_sum3A_1542[0, 0, 0] : f32 from vector<1x1x1xf32>
    %ge3A_1544 = arith.constant 0 : i32
    %ge3A_1545 = vector.broadcast %ge3A_1544 : i32 to vector<1x20000xi32>
    %ge3A_1546 = arith.cmpi sge, %select_n3A_1328, %ge3A_1545 : vector<1x20000xi32>
    %convert_element_type3A = arith.extui %ge3A_1546 : vector<1x20000xi1> to vector<1x20000xi32>
    %convert_element_type3A_1547 = arith.sitofp %convert_element_type3A : vector<1x20000xi32> to vector<1x20000xf32>
    %eq3A_1548 = arith.constant -1 : i32
    %eq3A_1549 = vector.broadcast %eq3A_1548 : i32 to vector<1x20000xi32>
    %eq3A_1550 = arith.cmpi eq, %select_n3A_1328, %eq3A_1549 : vector<1x20000xi32>
    %jit3A_1551 = arith.constant 0.000000e+00 : f32
    %broadcast_in_dim3A_1552 = vector.broadcast %jit3A_1551 : f32 to vector<1x20000xf32>
    %select_n3A_1553 = arith.select %eq3A_1550, %broadcast_in_dim3A_1552, %convert_element_type3A_1547 : vector<1x20000xi1>, vector<1x20000xf32>
    %eq3A_1554 = arith.constant -2 : i32
    %eq3A_1555 = vector.broadcast %eq3A_1554 : i32 to vector<1x20000xi32>
    %eq3A_1556 = arith.cmpi eq, %select_n3A_1328, %eq3A_1555 : vector<1x20000xi32>
    %jit3A_1557 = arith.constant -1.000000e+00 : f32
    %broadcast_in_dim3A_1558 = vector.broadcast %jit3A_1557 : f32 to vector<1x20000xf32>
    %select_n3A_1559 = arith.select %eq3A_1556, %broadcast_in_dim3A_1558, %select_n3A_1553 : vector<1x20000xi1>, vector<1x20000xf32>
    %max3A_1560 = arith.constant 0.000000e+00 : f32
    %max3A_1561 = vector.broadcast %max3A_1560 : f32 to vector<1x20000xf32>
    %max3A_1562 = arith.maximumf %get3A_3, %max3A_1561 : vector<1x20000xf32>
    %mul3A_1563 = arith.mulf %get3A_3, %select_n3A_1559 : vector<1x20000xf32>
    %sub3A_1564 = arith.subf %max3A_1562, %mul3A_1563 : vector<1x20000xf32>
    %abs3A_1565 = math.absf %get3A_3 : vector<1x20000xf32>
    %neg3A = arith.constant 0.000000e+00 : f32
    %neg3A_1566 = vector.broadcast %neg3A : f32 to vector<1x20000xf32>
    %neg3A_1567 = arith.subf %neg3A_1566, %abs3A_1565 : vector<1x20000xf32>
    %exp3A_1568 = math.exp %neg3A_1567 : vector<1x20000xf32>
    %log1p3A = math.log1p %exp3A_1568 : vector<1x20000xf32>
    %add3A_1569 = arith.addf %sub3A_1564, %log1p3A : vector<1x20000xf32>
    %reduce_sum3A_1570 = vector.shape_cast %add3A_1569 : vector<1x20000xf32> to vector<1x1x20000xf32>
    %reduce_sum3A_1571 = arith.constant dense<0.000000e+00> : vector<1xf32>
    %reduce_sum3A_1572 = vector.multi_reduction <add>, %reduce_sum3A_1570, %reduce_sum3A_1571 [1, 2] : vector<1x1x20000xf32> to vector<1xf32>
    %reduce_sum3A_1573 = vector.shape_cast %reduce_sum3A_1572 : vector<1xf32> to vector<1x1x1xf32>
    %reduce_sum3A_1574 = vector.extract %reduce_sum3A_1573[0, 0, 0] : f32 from vector<1x1x1xf32>
    %broadcast_in_dim3A_1575 = vector.broadcast %reduce_sum3A_1574 : f32 to vector<1x128xf32>
    %swap3A_1576 = arith.constant 0 : index
    %swap3A_1577 = arith.constant 0 : index
    %swap3A_1578 = arith.constant 0 : index
    %swap3A_1579 = vector.load %arg7[%swap3A_1576, %swap3A_1577, %swap3A_1578] : memref<1x1x128xf32, #tpu.memory_space<vmem>>, vector<1x1x128xf32>
    %swap3A_1580 = vector.shape_cast %swap3A_1579 : vector<1x1x128xf32> to vector<1x128xf32>
    %swap3A_1581 = vector.shape_cast %broadcast_in_dim3A_1575 : vector<1x128xf32> to vector<1x1x128xf32>
    tpu.vector_store %arg7[%swap3A_1576, %swap3A_1577, %swap3A_1578], %swap3A_1581 {strides = array<i32>} : memref<1x1x128xf32, #tpu.memory_space<vmem>>, vector<1x1x128xf32>,
    %broadcast_in_dim3A_1582 = vector.broadcast %reduce_sum3A_1543 : f32 to vector<1x128xf32>
    %swap3A_1583 = arith.constant 0 : index
    %swap3A_1584 = arith.constant 0 : index
    %swap3A_1585 = arith.constant 0 : index
    %swap3A_1586 = vector.load %arg8[%swap3A_1583, %swap3A_1584, %swap3A_1585] : memref<1x1x128xf32, #tpu.memory_space<vmem>>, vector<1x1x128xf32>
    %swap3A_1587 = vector.shape_cast %swap3A_1586 : vector<1x1x128xf32> to vector<1x128xf32>
    %swap3A_1588 = vector.shape_cast %broadcast_in_dim3A_1582 : vector<1x128xf32> to vector<1x1x128xf32>
    tpu.vector_store %arg8[%swap3A_1583, %swap3A_1584, %swap3A_1585], %swap3A_1588 {strides = array<i32>} : memref<1x1x128xf32, #tpu.memory_space<vmem>>, vector<1x1x128xf32>,
    return
  }
  func.func @transform_0(%arg0: i32) -> (i32, i32, i32) {
    %c0_i32 = arith.constant 0 : i32
    %c0_i32_0 = arith.constant 0 : i32
    %c0_i32_1 = arith.constant 0 : i32
    return %arg0, %c0_i32, %c0_i32_0 : i32, i32, i32
  }
  func.func @transform_1(%arg0: i32) -> (i32, i32, i32) {
    %c0_i32 = arith.constant 0 : i32
    %c0_i32_0 = arith.constant 0 : i32
    %c0_i32_1 = arith.constant 0 : i32
    return %arg0, %c0_i32, %c0_i32_0 : i32, i32, i32
  }
  func.func @transform_2(%arg0: i32) -> (i32, i32, i32) {
    %c0_i32 = arith.constant 0 : i32
    %c0_i32_0 = arith.constant 0 : i32
    %c0_i32_1 = arith.constant 0 : i32
    %c0_i32_2 = arith.constant 0 : i32
    return %c0_i32, %c0_i32_0, %c0_i32_1 : i32, i32, i32
  }
  func.func @transform_3(%arg0: i32) -> (i32, i32, i32) {
    %c0_i32 = arith.constant 0 : i32
    %c0_i32_0 = arith.constant 0 : i32
    %c0_i32_1 = arith.constant 0 : i32
    return %arg0, %c0_i32, %c0_i32_0 : i32, i32, i32
  }
  func.func @transform_4(%arg0: i32) -> (i32, i32, i32) {
    %c0_i32 = arith.constant 0 : i32
    %c0_i32_0 = arith.constant 0 : i32
    %c0_i32_1 = arith.constant 0 : i32
    return %arg0, %c0_i32, %c0_i32_0 : i32, i32, i32
  }
  func.func @transform_5(%arg0: i32) -> (i32, i32, i32) {
    %c0_i32 = arith.constant 0 : i32
    %c0_i32_0 = arith.constant 0 : i32
    %c0_i32_1 = arith.constant 0 : i32
    return %arg0, %c0_i32, %c0_i32_0 : i32, i32, i32
  }
  func.func @transform_6(%arg0: i32) -> (i32, i32, i32) {
    %c0_i32 = arith.constant 0 : i32
    %c0_i32_0 = arith.constant 0 : i32
    %c0_i32_1 = arith.constant 0 : i32
    return %arg0, %c0_i32, %c0_i32_0 : i32, i32, i32
  }
  func.func @transform_7(%arg0: i32) -> (i32, i32, i32) {
    %c0_i32 = arith.constant 0 : i32
    %c0_i32_0 = arith.constant 0 : i32
    %c0_i32_1 = arith.constant 0 : i32
    return %arg0, %c0_i32, %c0_i32_0 : i32, i32, i32
  }
}

module attributes {stable_mosaic.version = 14 : i64} {
  func.func @_nms_body(%arg0: i32, %arg1: memref<1x1000x9xf32, #tpu.memory_space<vmem>>, %arg2: memref<1x9x1000xf32, #tpu.memory_space<vmem>>, %arg3: memref<1x1x1000xf32, #tpu.memory_space<vmem>>, %arg4: memref<1x1x1000xf32, #tpu.memory_space<vmem>>, %arg5: memref<1x1x1000xf32, #tpu.memory_space<vmem>>, %arg6: memref<1x9x1000xf32, #tpu.memory_space<vmem>>, %arg7: memref<1000x1000xf32, #tpu.memory_space<vmem>>) attributes {dimension_semantics = [#tpu.dimension_semantics<arbitrary>], iteration_bounds = array<i64: 2>, scalar_prefetch = 0 : i64, scratch_operands = 1 : i64, tpu.core_type = #tpu.core_type<tc>, window_params = [{transform_indices = @transform_0, window_bounds = array<i64: 1, 1000, 9>}, {transform_indices = @transform_1, window_bounds = array<i64: 1, 9, 1000>}, {transform_indices = @transform_2, window_bounds = array<i64: 1, 1, 1000>}, {transform_indices = @transform_3, window_bounds = array<i64: 1, 1, 1000>}, {transform_indices = @transform_4, window_bounds = array<i64: 1, 1, 1000>}, {transform_indices = @transform_5, window_bounds = array<i64: 1, 9, 1000>}]} {
    %get3A = arith.constant 0 : index
    %get3A_0 = arith.constant 0 : index
    %get3A_1 = arith.constant 0 : index
    %get3A_2 = vector.load %arg1[%get3A, %get3A_0, %get3A_1] : memref<1x1000x9xf32, #tpu.memory_space<vmem>>, vector<1x1000x9xf32>
    %get3A_3 = vector.shape_cast %get3A_2 : vector<1x1000x9xf32> to vector<1000x9xf32>
    %get3A_4 = arith.constant 0 : index
    %get3A_5 = arith.constant 0 : index
    %get3A_6 = arith.constant 0 : index
    %get3A_7 = vector.load %arg2[%get3A_4, %get3A_5, %get3A_6] : memref<1x9x1000xf32, #tpu.memory_space<vmem>>, vector<1x9x1000xf32>
    %get3A_8 = vector.shape_cast %get3A_7 : vector<1x9x1000xf32> to vector<9x1000xf32>
    %get3A_9 = arith.constant 0 : index
    %get3A_10 = arith.constant 0 : index
    %get3A_11 = arith.constant 0 : index
    %get3A_12 = vector.load %arg3[%get3A_9, %get3A_10, %get3A_11] : memref<1x1x1000xf32, #tpu.memory_space<vmem>>, vector<1x1x1000xf32>
    %get3A_13 = vector.shape_cast %get3A_12 : vector<1x1x1000xf32> to vector<1x1000xf32>
    %slice3A = vector.extract_strided_slice %get3A_3 {offsets = [0, 0], sizes = [1000, 1], strides = [1, 1]} : vector<1000x9xf32> to vector<1000x1xf32>
    %slice3A_14 = vector.extract_strided_slice %get3A_3 {offsets = [0, 3], sizes = [1000, 1], strides = [1, 1]} : vector<1000x9xf32> to vector<1000x1xf32>
    %mul3A = arith.constant 5.000000e-01 : f32
    %mul3A_15 = vector.broadcast %mul3A : f32 to vector<1000x1xf32>
    %mul3A_16 = arith.mulf %slice3A_14, %mul3A_15 : vector<1000x1xf32>
    %sub3A = arith.subf %slice3A, %mul3A_16 : vector<1000x1xf32>
    %slice3A_17 = vector.extract_strided_slice %get3A_3 {offsets = [0, 0], sizes = [1000, 1], strides = [1, 1]} : vector<1000x9xf32> to vector<1000x1xf32>
    %slice3A_18 = vector.extract_strided_slice %get3A_3 {offsets = [0, 3], sizes = [1000, 1], strides = [1, 1]} : vector<1000x9xf32> to vector<1000x1xf32>
    %mul3A_19 = arith.constant 5.000000e-01 : f32
    %mul3A_20 = vector.broadcast %mul3A_19 : f32 to vector<1000x1xf32>
    %mul3A_21 = arith.mulf %slice3A_18, %mul3A_20 : vector<1000x1xf32>
    %add3A = arith.addf %slice3A_17, %mul3A_21 : vector<1000x1xf32>
    %slice3A_22 = vector.extract_strided_slice %get3A_3 {offsets = [0, 1], sizes = [1000, 1], strides = [1, 1]} : vector<1000x9xf32> to vector<1000x1xf32>
    %slice3A_23 = vector.extract_strided_slice %get3A_3 {offsets = [0, 4], sizes = [1000, 1], strides = [1, 1]} : vector<1000x9xf32> to vector<1000x1xf32>
    %mul3A_24 = arith.constant 5.000000e-01 : f32
    %mul3A_25 = vector.broadcast %mul3A_24 : f32 to vector<1000x1xf32>
    %mul3A_26 = arith.mulf %slice3A_23, %mul3A_25 : vector<1000x1xf32>
    %sub3A_27 = arith.subf %slice3A_22, %mul3A_26 : vector<1000x1xf32>
    %slice3A_28 = vector.extract_strided_slice %get3A_3 {offsets = [0, 1], sizes = [1000, 1], strides = [1, 1]} : vector<1000x9xf32> to vector<1000x1xf32>
    %slice3A_29 = vector.extract_strided_slice %get3A_3 {offsets = [0, 4], sizes = [1000, 1], strides = [1, 1]} : vector<1000x9xf32> to vector<1000x1xf32>
    %mul3A_30 = arith.constant 5.000000e-01 : f32
    %mul3A_31 = vector.broadcast %mul3A_30 : f32 to vector<1000x1xf32>
    %mul3A_32 = arith.mulf %slice3A_29, %mul3A_31 : vector<1000x1xf32>
    %add3A_33 = arith.addf %slice3A_28, %mul3A_32 : vector<1000x1xf32>
    %slice3A_34 = vector.extract_strided_slice %get3A_8 {offsets = [0, 0], sizes = [1, 1000], strides = [1, 1]} : vector<9x1000xf32> to vector<1x1000xf32>
    %slice3A_35 = vector.extract_strided_slice %get3A_8 {offsets = [3, 0], sizes = [1, 1000], strides = [1, 1]} : vector<9x1000xf32> to vector<1x1000xf32>
    %mul3A_36 = arith.constant 5.000000e-01 : f32
    %mul3A_37 = vector.broadcast %mul3A_36 : f32 to vector<1x1000xf32>
    %mul3A_38 = arith.mulf %slice3A_35, %mul3A_37 : vector<1x1000xf32>
    %sub3A_39 = arith.subf %slice3A_34, %mul3A_38 : vector<1x1000xf32>
    %slice3A_40 = vector.extract_strided_slice %get3A_8 {offsets = [0, 0], sizes = [1, 1000], strides = [1, 1]} : vector<9x1000xf32> to vector<1x1000xf32>
    %slice3A_41 = vector.extract_strided_slice %get3A_8 {offsets = [3, 0], sizes = [1, 1000], strides = [1, 1]} : vector<9x1000xf32> to vector<1x1000xf32>
    %mul3A_42 = arith.constant 5.000000e-01 : f32
    %mul3A_43 = vector.broadcast %mul3A_42 : f32 to vector<1x1000xf32>
    %mul3A_44 = arith.mulf %slice3A_41, %mul3A_43 : vector<1x1000xf32>
    %add3A_45 = arith.addf %slice3A_40, %mul3A_44 : vector<1x1000xf32>
    %slice3A_46 = vector.extract_strided_slice %get3A_8 {offsets = [1, 0], sizes = [1, 1000], strides = [1, 1]} : vector<9x1000xf32> to vector<1x1000xf32>
    %slice3A_47 = vector.extract_strided_slice %get3A_8 {offsets = [4, 0], sizes = [1, 1000], strides = [1, 1]} : vector<9x1000xf32> to vector<1x1000xf32>
    %mul3A_48 = arith.constant 5.000000e-01 : f32
    %mul3A_49 = vector.broadcast %mul3A_48 : f32 to vector<1x1000xf32>
    %mul3A_50 = arith.mulf %slice3A_47, %mul3A_49 : vector<1x1000xf32>
    %sub3A_51 = arith.subf %slice3A_46, %mul3A_50 : vector<1x1000xf32>
    %slice3A_52 = vector.extract_strided_slice %get3A_8 {offsets = [1, 0], sizes = [1, 1000], strides = [1, 1]} : vector<9x1000xf32> to vector<1x1000xf32>
    %slice3A_53 = vector.extract_strided_slice %get3A_8 {offsets = [4, 0], sizes = [1, 1000], strides = [1, 1]} : vector<9x1000xf32> to vector<1x1000xf32>
    %mul3A_54 = arith.constant 5.000000e-01 : f32
    %mul3A_55 = vector.broadcast %mul3A_54 : f32 to vector<1x1000xf32>
    %mul3A_56 = arith.mulf %slice3A_53, %mul3A_55 : vector<1x1000xf32>
    %add3A_57 = arith.addf %slice3A_52, %mul3A_56 : vector<1x1000xf32>
    %min3A = vector.broadcast %add3A : vector<1000x1xf32> to vector<1000x1000xf32>
    %min3A_58 = vector.broadcast %add3A_45 : vector<1x1000xf32> to vector<1000x1000xf32>
    %min3A_59 = arith.minimumf %min3A, %min3A_58 : vector<1000x1000xf32>
    %max3A = vector.broadcast %sub3A : vector<1000x1xf32> to vector<1000x1000xf32>
    %max3A_60 = vector.broadcast %sub3A_39 : vector<1x1000xf32> to vector<1000x1000xf32>
    %max3A_61 = arith.maximumf %max3A, %max3A_60 : vector<1000x1000xf32>
    %sub3A_62 = arith.subf %min3A_59, %max3A_61 : vector<1000x1000xf32>
    %jit3A = arith.constant 0.000000e+00 : f32
    %max3A_63 = vector.broadcast %jit3A : f32 to vector<1000x1000xf32>
    %max3A_64 = arith.maximumf %max3A_63, %sub3A_62 : vector<1000x1000xf32>
    %min3A_65 = vector.broadcast %add3A_33 : vector<1000x1xf32> to vector<1000x1000xf32>
    %min3A_66 = vector.broadcast %add3A_57 : vector<1x1000xf32> to vector<1000x1000xf32>
    %min3A_67 = arith.minimumf %min3A_65, %min3A_66 : vector<1000x1000xf32>
    %max3A_68 = vector.broadcast %sub3A_27 : vector<1000x1xf32> to vector<1000x1000xf32>
    %max3A_69 = vector.broadcast %sub3A_51 : vector<1x1000xf32> to vector<1000x1000xf32>
    %max3A_70 = arith.maximumf %max3A_68, %max3A_69 : vector<1000x1000xf32>
    %sub3A_71 = arith.subf %min3A_67, %max3A_70 : vector<1000x1000xf32>
    %jit3A_72 = arith.constant 0.000000e+00 : f32
    %max3A_73 = vector.broadcast %jit3A_72 : f32 to vector<1000x1000xf32>
    %max3A_74 = arith.maximumf %max3A_73, %sub3A_71 : vector<1000x1000xf32>
    %mul3A_75 = arith.mulf %max3A_64, %max3A_74 : vector<1000x1000xf32>
    %sub3A_76 = arith.subf %add3A, %sub3A : vector<1000x1xf32>
    %sub3A_77 = arith.subf %add3A_33, %sub3A_27 : vector<1000x1xf32>
    %mul3A_78 = arith.mulf %sub3A_76, %sub3A_77 : vector<1000x1xf32>
    %sub3A_79 = arith.subf %add3A_45, %sub3A_39 : vector<1x1000xf32>
    %sub3A_80 = arith.subf %add3A_57, %sub3A_51 : vector<1x1000xf32>
    %mul3A_81 = arith.mulf %sub3A_79, %sub3A_80 : vector<1x1000xf32>
    %add3A_82 = vector.broadcast %mul3A_78 : vector<1000x1xf32> to vector<1000x1000xf32>
    %add3A_83 = vector.broadcast %mul3A_81 : vector<1x1000xf32> to vector<1000x1000xf32>
    %add3A_84 = arith.addf %add3A_82, %add3A_83 : vector<1000x1000xf32>
    %sub3A_85 = arith.subf %add3A_84, %mul3A_75 : vector<1000x1000xf32>
    %add3A_86 = arith.constant 9.99999993E-9 : f32
    %add3A_87 = vector.broadcast %add3A_86 : f32 to vector<1000x1000xf32>
    %add3A_88 = arith.addf %sub3A_85, %add3A_87 : vector<1000x1000xf32>
    %div3A = arith.divf %mul3A_75, %add3A_88 : vector<1000x1000xf32>
    %swap3A = arith.constant 0 : index
    %swap3A_89 = arith.constant 0 : index
    %swap3A_90 = vector.load %arg7[%swap3A, %swap3A_89] : memref<1000x1000xf32, #tpu.memory_space<vmem>>, vector<1000x1000xf32>
    tpu.vector_store %arg7[%swap3A, %swap3A_89], %div3A {strides = array<i32>} : memref<1000x1000xf32, #tpu.memory_space<vmem>>, vector<1000x1000xf32>,
    %ge3A = arith.constant 5.000000e-01 : f32
    %ge3A_91 = vector.broadcast %ge3A : f32 to vector<1x1000xf32>
    %ge3A_92 = arith.cmpf oge, %get3A_13, %ge3A_91 : vector<1x1000xf32>
    %jit3A_93 = arith.constant 1.000000e+00 : f32
    %jit3A_94 = arith.constant 0.000000e+00 : f32
    %broadcast_in_dim3A = vector.broadcast %jit3A_93 : f32 to vector<1x1000xf32>
    %broadcast_in_dim3A_95 = vector.broadcast %jit3A_94 : f32 to vector<1x1000xf32>
    %select_n3A = arith.select %ge3A_92, %broadcast_in_dim3A, %broadcast_in_dim3A_95 : vector<1x1000xi1>, vector<1x1000xf32>
    %iota3A = tpu.iota {dimensions = array<i32: 1>} : vector<8x1000xi32>
    %iota3A_96 = tpu.iota {dimensions = array<i32: 0>} : vector<8x1xi32>
    %scan3A = arith.constant 0 : i32
    %scan3A_97 = arith.constant 125 : i32
    %scan3A_98 = arith.addi %scan3A, %scan3A_97 : i32
    %scan3A_99 = arith.constant 1 : i32
    %scan3A_100 = scf.for %scan3A_130 = %scan3A to %scan3A_98 step %scan3A_99 iter_args(%scan3A_131 = %select_n3A) -> (vector<1x1000xf32>)  : i32 {
      %mul3A_132 = arith.constant 8 : i32
      %mul3A_133 = arith.muli %scan3A_130, %mul3A_132 : i32
      %get3A_134 = arith.index_cast %mul3A_133 : i32 to index
      %get3A_135 = arith.constant 0 : index
      %get3A_136 = vector.load %arg7[%get3A_134, %get3A_135] : memref<1000x1000xf32, #tpu.memory_space<vmem>>, vector<8x1000xf32>
      %add3A_137 = vector.broadcast %mul3A_133 : i32 to vector<8x1xi32>
      %add3A_138 = arith.addi %add3A_137, %iota3A_96 : vector<8x1xi32>
      %eq3A = vector.broadcast %add3A_138 : vector<8x1xi32> to vector<8x1000xi32>
      %eq3A_139 = arith.cmpi eq, %iota3A, %eq3A : vector<8x1000xi32>
      %jit3A_140 = arith.constant 0.000000e+00 : f32
      %broadcast_in_dim3A_141 = vector.shape_cast %scan3A_131 : vector<1x1000xf32> to vector<1x1000xf32>
      %broadcast_in_dim3A_142 = vector.broadcast %broadcast_in_dim3A_141 : vector<1x1000xf32> to vector<8x1000xf32>
      %broadcast_in_dim3A_143 = vector.broadcast %jit3A_140 : f32 to vector<8x1000xf32>
      %select_n3A_144 = arith.select %eq3A_139, %broadcast_in_dim3A_142, %broadcast_in_dim3A_143 : vector<8x1000xi1>, vector<8x1000xf32>
      %reduce_max3A = arith.constant dense<0xFF800000> : vector<8xf32>
      %reduce_max3A_145 = vector.multi_reduction <maximumf>, %select_n3A_144, %reduce_max3A [1] : vector<8x1000xf32> to vector<8xf32>
      %broadcast_in_dim3A_146 = vector.shape_cast %reduce_max3A_145 : vector<8xf32> to vector<8x1xf32>
      %get3A_147 = arith.constant 0 : index
      %get3A_148 = arith.index_cast %mul3A_133 : i32 to index
      %get3A_149 = arith.constant 0 : index
      %get3A_150 = vector.load %arg1[%get3A_147, %get3A_148, %get3A_149] : memref<1x1000x9xf32, #tpu.memory_space<vmem>>, vector<1x8x9xf32>
      %get3A_151 = vector.shape_cast %get3A_150 : vector<1x8x9xf32> to vector<8x9xf32>
      %transpose3A = tpu.transpose %get3A_151, [1, 0] : vector<8x9xf32> -> vector<9x8xf32>
      %slice3A_152 = vector.extract_strided_slice %get3A_151 {offsets = [0, 0], sizes = [8, 1], strides = [1, 1]} : vector<8x9xf32> to vector<8x1xf32>
      %slice3A_153 = vector.extract_strided_slice %get3A_151 {offsets = [0, 3], sizes = [8, 1], strides = [1, 1]} : vector<8x9xf32> to vector<8x1xf32>
      %mul3A_154 = arith.constant 5.000000e-01 : f32
      %mul3A_155 = vector.broadcast %mul3A_154 : f32 to vector<8x1xf32>
      %mul3A_156 = arith.mulf %slice3A_153, %mul3A_155 : vector<8x1xf32>
      %sub3A_157 = arith.subf %slice3A_152, %mul3A_156 : vector<8x1xf32>
      %slice3A_158 = vector.extract_strided_slice %get3A_151 {offsets = [0, 0], sizes = [8, 1], strides = [1, 1]} : vector<8x9xf32> to vector<8x1xf32>
      %slice3A_159 = vector.extract_strided_slice %get3A_151 {offsets = [0, 3], sizes = [8, 1], strides = [1, 1]} : vector<8x9xf32> to vector<8x1xf32>
      %mul3A_160 = arith.constant 5.000000e-01 : f32
      %mul3A_161 = vector.broadcast %mul3A_160 : f32 to vector<8x1xf32>
      %mul3A_162 = arith.mulf %slice3A_159, %mul3A_161 : vector<8x1xf32>
      %add3A_163 = arith.addf %slice3A_158, %mul3A_162 : vector<8x1xf32>
      %slice3A_164 = vector.extract_strided_slice %get3A_151 {offsets = [0, 1], sizes = [8, 1], strides = [1, 1]} : vector<8x9xf32> to vector<8x1xf32>
      %slice3A_165 = vector.extract_strided_slice %get3A_151 {offsets = [0, 4], sizes = [8, 1], strides = [1, 1]} : vector<8x9xf32> to vector<8x1xf32>
      %mul3A_166 = arith.constant 5.000000e-01 : f32
      %mul3A_167 = vector.broadcast %mul3A_166 : f32 to vector<8x1xf32>
      %mul3A_168 = arith.mulf %slice3A_165, %mul3A_167 : vector<8x1xf32>
      %sub3A_169 = arith.subf %slice3A_164, %mul3A_168 : vector<8x1xf32>
      %slice3A_170 = vector.extract_strided_slice %get3A_151 {offsets = [0, 1], sizes = [8, 1], strides = [1, 1]} : vector<8x9xf32> to vector<8x1xf32>
      %slice3A_171 = vector.extract_strided_slice %get3A_151 {offsets = [0, 4], sizes = [8, 1], strides = [1, 1]} : vector<8x9xf32> to vector<8x1xf32>
      %mul3A_172 = arith.constant 5.000000e-01 : f32
      %mul3A_173 = vector.broadcast %mul3A_172 : f32 to vector<8x1xf32>
      %mul3A_174 = arith.mulf %slice3A_171, %mul3A_173 : vector<8x1xf32>
      %add3A_175 = arith.addf %slice3A_170, %mul3A_174 : vector<8x1xf32>
      %slice3A_176 = vector.extract_strided_slice %transpose3A {offsets = [0, 0], sizes = [1, 8], strides = [1, 1]} : vector<9x8xf32> to vector<1x8xf32>
      %slice3A_177 = vector.extract_strided_slice %transpose3A {offsets = [3, 0], sizes = [1, 8], strides = [1, 1]} : vector<9x8xf32> to vector<1x8xf32>
      %mul3A_178 = arith.constant 5.000000e-01 : f32
      %mul3A_179 = vector.broadcast %mul3A_178 : f32 to vector<1x8xf32>
      %mul3A_180 = arith.mulf %slice3A_177, %mul3A_179 : vector<1x8xf32>
      %sub3A_181 = arith.subf %slice3A_176, %mul3A_180 : vector<1x8xf32>
      %slice3A_182 = vector.extract_strided_slice %transpose3A {offsets = [0, 0], sizes = [1, 8], strides = [1, 1]} : vector<9x8xf32> to vector<1x8xf32>
      %slice3A_183 = vector.extract_strided_slice %transpose3A {offsets = [3, 0], sizes = [1, 8], strides = [1, 1]} : vector<9x8xf32> to vector<1x8xf32>
      %mul3A_184 = arith.constant 5.000000e-01 : f32
      %mul3A_185 = vector.broadcast %mul3A_184 : f32 to vector<1x8xf32>
      %mul3A_186 = arith.mulf %slice3A_183, %mul3A_185 : vector<1x8xf32>
      %add3A_187 = arith.addf %slice3A_182, %mul3A_186 : vector<1x8xf32>
      %slice3A_188 = vector.extract_strided_slice %transpose3A {offsets = [1, 0], sizes = [1, 8], strides = [1, 1]} : vector<9x8xf32> to vector<1x8xf32>
      %slice3A_189 = vector.extract_strided_slice %transpose3A {offsets = [4, 0], sizes = [1, 8], strides = [1, 1]} : vector<9x8xf32> to vector<1x8xf32>
      %mul3A_190 = arith.constant 5.000000e-01 : f32
      %mul3A_191 = vector.broadcast %mul3A_190 : f32 to vector<1x8xf32>
      %mul3A_192 = arith.mulf %slice3A_189, %mul3A_191 : vector<1x8xf32>
      %sub3A_193 = arith.subf %slice3A_188, %mul3A_192 : vector<1x8xf32>
      %slice3A_194 = vector.extract_strided_slice %transpose3A {offsets = [1, 0], sizes = [1, 8], strides = [1, 1]} : vector<9x8xf32> to vector<1x8xf32>
      %slice3A_195 = vector.extract_strided_slice %transpose3A {offsets = [4, 0], sizes = [1, 8], strides = [1, 1]} : vector<9x8xf32> to vector<1x8xf32>
      %mul3A_196 = arith.constant 5.000000e-01 : f32
      %mul3A_197 = vector.broadcast %mul3A_196 : f32 to vector<1x8xf32>
      %mul3A_198 = arith.mulf %slice3A_195, %mul3A_197 : vector<1x8xf32>
      %add3A_199 = arith.addf %slice3A_194, %mul3A_198 : vector<1x8xf32>
      %min3A_200 = vector.broadcast %add3A_163 : vector<8x1xf32> to vector<8x8xf32>
      %min3A_201 = vector.broadcast %add3A_187 : vector<1x8xf32> to vector<8x8xf32>
      %min3A_202 = arith.minimumf %min3A_200, %min3A_201 : vector<8x8xf32>
      %max3A_203 = vector.broadcast %sub3A_157 : vector<8x1xf32> to vector<8x8xf32>
      %max3A_204 = vector.broadcast %sub3A_181 : vector<1x8xf32> to vector<8x8xf32>
      %max3A_205 = arith.maximumf %max3A_203, %max3A_204 : vector<8x8xf32>
      %sub3A_206 = arith.subf %min3A_202, %max3A_205 : vector<8x8xf32>
      %jit3A_207 = arith.constant 0.000000e+00 : f32
      %max3A_208 = vector.broadcast %jit3A_207 : f32 to vector<8x8xf32>
      %max3A_209 = arith.maximumf %max3A_208, %sub3A_206 : vector<8x8xf32>
      %min3A_210 = vector.broadcast %add3A_175 : vector<8x1xf32> to vector<8x8xf32>
      %min3A_211 = vector.broadcast %add3A_199 : vector<1x8xf32> to vector<8x8xf32>
      %min3A_212 = arith.minimumf %min3A_210, %min3A_211 : vector<8x8xf32>
      %max3A_213 = vector.broadcast %sub3A_169 : vector<8x1xf32> to vector<8x8xf32>
      %max3A_214 = vector.broadcast %sub3A_193 : vector<1x8xf32> to vector<8x8xf32>
      %max3A_215 = arith.maximumf %max3A_213, %max3A_214 : vector<8x8xf32>
      %sub3A_216 = arith.subf %min3A_212, %max3A_215 : vector<8x8xf32>
      %jit3A_217 = arith.constant 0.000000e+00 : f32
      %max3A_218 = vector.broadcast %jit3A_217 : f32 to vector<8x8xf32>
      %max3A_219 = arith.maximumf %max3A_218, %sub3A_216 : vector<8x8xf32>
      %mul3A_220 = arith.mulf %max3A_209, %max3A_219 : vector<8x8xf32>
      %sub3A_221 = arith.subf %add3A_163, %sub3A_157 : vector<8x1xf32>
      %sub3A_222 = arith.subf %add3A_175, %sub3A_169 : vector<8x1xf32>
      %mul3A_223 = arith.mulf %sub3A_221, %sub3A_222 : vector<8x1xf32>
      %sub3A_224 = arith.subf %add3A_187, %sub3A_181 : vector<1x8xf32>
      %sub3A_225 = arith.subf %add3A_199, %sub3A_193 : vector<1x8xf32>
      %mul3A_226 = arith.mulf %sub3A_224, %sub3A_225 : vector<1x8xf32>
      %add3A_227 = vector.broadcast %mul3A_223 : vector<8x1xf32> to vector<8x8xf32>
      %add3A_228 = vector.broadcast %mul3A_226 : vector<1x8xf32> to vector<8x8xf32>
      %add3A_229 = arith.addf %add3A_227, %add3A_228 : vector<8x8xf32>
      %sub3A_230 = arith.subf %add3A_229, %mul3A_220 : vector<8x8xf32>
      %add3A_231 = arith.constant 9.99999993E-9 : f32
      %add3A_232 = vector.broadcast %add3A_231 : f32 to vector<8x8xf32>
      %add3A_233 = arith.addf %sub3A_230, %add3A_232 : vector<8x8xf32>
      %div3A_234 = arith.divf %mul3A_220, %add3A_233 : vector<8x8xf32>
      %slice3A_235 = vector.extract_strided_slice %broadcast_in_dim3A_146 {offsets = [0, 0], sizes = [1, 1], strides = [1, 1]} : vector<8x1xf32> to vector<1x1xf32>
      %slice3A_236 = vector.extract_strided_slice %div3A_234 {offsets = [0, 0], sizes = [8, 1], strides = [1, 1]} : vector<8x8xf32> to vector<8x1xf32>
      %gt3A_237 = arith.constant 0.000000e+00 : f32
      %gt3A_238 = vector.broadcast %gt3A_237 : f32 to vector<1x1xf32>
      %gt3A_239 = arith.cmpf ogt, %slice3A_235, %gt3A_238 : vector<1x1xf32>
      %gt3A_240 = arith.constant 0.699999988 : f32
      %gt3A_241 = vector.broadcast %gt3A_240 : f32 to vector<8x1xf32>
      %gt3A_242 = arith.cmpf ogt, %slice3A_236, %gt3A_241 : vector<8x1xf32>
      %and3A = vector.broadcast %gt3A_239 : vector<1x1xi1> to vector<8x1xi1>
      %and3A_243 = arith.andi %and3A, %gt3A_242 : vector<8x1xi1>
      %gt3A_244 = arith.constant 0 : i32
      %gt3A_245 = vector.broadcast %gt3A_244 : i32 to vector<8x1xi32>
      %gt3A_246 = arith.cmpi sgt, %iota3A_96, %gt3A_245 : vector<8x1xi32>
      %and3A_247 = arith.andi %and3A_243, %gt3A_246 : vector<8x1xi1>
      %jit3A_248 = arith.constant 0.000000e+00 : f32
      %broadcast_in_dim3A_249 = vector.broadcast %jit3A_248 : f32 to vector<8x1xf32>
      %select_n3A_250 = arith.select %and3A_247, %broadcast_in_dim3A_249, %broadcast_in_dim3A_146 : vector<8x1xi1>, vector<8x1xf32>
      %slice3A_251 = vector.extract_strided_slice %select_n3A_250 {offsets = [1, 0], sizes = [1, 1], strides = [1, 1]} : vector<8x1xf32> to vector<1x1xf32>
      %slice3A_252 = vector.extract_strided_slice %div3A_234 {offsets = [0, 1], sizes = [8, 1], strides = [1, 1]} : vector<8x8xf32> to vector<8x1xf32>
      %gt3A_253 = arith.constant 0.000000e+00 : f32
      %gt3A_254 = vector.broadcast %gt3A_253 : f32 to vector<1x1xf32>
      %gt3A_255 = arith.cmpf ogt, %slice3A_251, %gt3A_254 : vector<1x1xf32>
      %gt3A_256 = arith.constant 0.699999988 : f32
      %gt3A_257 = vector.broadcast %gt3A_256 : f32 to vector<8x1xf32>
      %gt3A_258 = arith.cmpf ogt, %slice3A_252, %gt3A_257 : vector<8x1xf32>
      %and3A_259 = vector.broadcast %gt3A_255 : vector<1x1xi1> to vector<8x1xi1>
      %and3A_260 = arith.andi %and3A_259, %gt3A_258 : vector<8x1xi1>
      %gt3A_261 = arith.constant 1 : i32
      %gt3A_262 = vector.broadcast %gt3A_261 : i32 to vector<8x1xi32>
      %gt3A_263 = arith.cmpi sgt, %iota3A_96, %gt3A_262 : vector<8x1xi32>
      %and3A_264 = arith.andi %and3A_260, %gt3A_263 : vector<8x1xi1>
      %jit3A_265 = arith.constant 0.000000e+00 : f32
      %broadcast_in_dim3A_266 = vector.broadcast %jit3A_265 : f32 to vector<8x1xf32>
      %select_n3A_267 = arith.select %and3A_264, %broadcast_in_dim3A_266, %select_n3A_250 : vector<8x1xi1>, vector<8x1xf32>
      %slice3A_268 = vector.extract_strided_slice %select_n3A_267 {offsets = [2, 0], sizes = [1, 1], strides = [1, 1]} : vector<8x1xf32> to vector<1x1xf32>
      %slice3A_269 = vector.extract_strided_slice %div3A_234 {offsets = [0, 2], sizes = [8, 1], strides = [1, 1]} : vector<8x8xf32> to vector<8x1xf32>
      %gt3A_270 = arith.constant 0.000000e+00 : f32
      %gt3A_271 = vector.broadcast %gt3A_270 : f32 to vector<1x1xf32>
      %gt3A_272 = arith.cmpf ogt, %slice3A_268, %gt3A_271 : vector<1x1xf32>
      %gt3A_273 = arith.constant 0.699999988 : f32
      %gt3A_274 = vector.broadcast %gt3A_273 : f32 to vector<8x1xf32>
      %gt3A_275 = arith.cmpf ogt, %slice3A_269, %gt3A_274 : vector<8x1xf32>
      %and3A_276 = vector.broadcast %gt3A_272 : vector<1x1xi1> to vector<8x1xi1>
      %and3A_277 = arith.andi %and3A_276, %gt3A_275 : vector<8x1xi1>
      %gt3A_278 = arith.constant 2 : i32
      %gt3A_279 = vector.broadcast %gt3A_278 : i32 to vector<8x1xi32>
      %gt3A_280 = arith.cmpi sgt, %iota3A_96, %gt3A_279 : vector<8x1xi32>
      %and3A_281 = arith.andi %and3A_277, %gt3A_280 : vector<8x1xi1>
      %jit3A_282 = arith.constant 0.000000e+00 : f32
      %broadcast_in_dim3A_283 = vector.broadcast %jit3A_282 : f32 to vector<8x1xf32>
      %select_n3A_284 = arith.select %and3A_281, %broadcast_in_dim3A_283, %select_n3A_267 : vector<8x1xi1>, vector<8x1xf32>
      %slice3A_285 = vector.extract_strided_slice %select_n3A_284 {offsets = [3, 0], sizes = [1, 1], strides = [1, 1]} : vector<8x1xf32> to vector<1x1xf32>
      %slice3A_286 = vector.extract_strided_slice %div3A_234 {offsets = [0, 3], sizes = [8, 1], strides = [1, 1]} : vector<8x8xf32> to vector<8x1xf32>
      %gt3A_287 = arith.constant 0.000000e+00 : f32
      %gt3A_288 = vector.broadcast %gt3A_287 : f32 to vector<1x1xf32>
      %gt3A_289 = arith.cmpf ogt, %slice3A_285, %gt3A_288 : vector<1x1xf32>
      %gt3A_290 = arith.constant 0.699999988 : f32
      %gt3A_291 = vector.broadcast %gt3A_290 : f32 to vector<8x1xf32>
      %gt3A_292 = arith.cmpf ogt, %slice3A_286, %gt3A_291 : vector<8x1xf32>
      %and3A_293 = vector.broadcast %gt3A_289 : vector<1x1xi1> to vector<8x1xi1>
      %and3A_294 = arith.andi %and3A_293, %gt3A_292 : vector<8x1xi1>
      %gt3A_295 = arith.constant 3 : i32
      %gt3A_296 = vector.broadcast %gt3A_295 : i32 to vector<8x1xi32>
      %gt3A_297 = arith.cmpi sgt, %iota3A_96, %gt3A_296 : vector<8x1xi32>
      %and3A_298 = arith.andi %and3A_294, %gt3A_297 : vector<8x1xi1>
      %jit3A_299 = arith.constant 0.000000e+00 : f32
      %broadcast_in_dim3A_300 = vector.broadcast %jit3A_299 : f32 to vector<8x1xf32>
      %select_n3A_301 = arith.select %and3A_298, %broadcast_in_dim3A_300, %select_n3A_284 : vector<8x1xi1>, vector<8x1xf32>
      %slice3A_302 = vector.extract_strided_slice %select_n3A_301 {offsets = [4, 0], sizes = [1, 1], strides = [1, 1]} : vector<8x1xf32> to vector<1x1xf32>
      %slice3A_303 = vector.extract_strided_slice %div3A_234 {offsets = [0, 4], sizes = [8, 1], strides = [1, 1]} : vector<8x8xf32> to vector<8x1xf32>
      %gt3A_304 = arith.constant 0.000000e+00 : f32
      %gt3A_305 = vector.broadcast %gt3A_304 : f32 to vector<1x1xf32>
      %gt3A_306 = arith.cmpf ogt, %slice3A_302, %gt3A_305 : vector<1x1xf32>
      %gt3A_307 = arith.constant 0.699999988 : f32
      %gt3A_308 = vector.broadcast %gt3A_307 : f32 to vector<8x1xf32>
      %gt3A_309 = arith.cmpf ogt, %slice3A_303, %gt3A_308 : vector<8x1xf32>
      %and3A_310 = vector.broadcast %gt3A_306 : vector<1x1xi1> to vector<8x1xi1>
      %and3A_311 = arith.andi %and3A_310, %gt3A_309 : vector<8x1xi1>
      %gt3A_312 = arith.constant 4 : i32
      %gt3A_313 = vector.broadcast %gt3A_312 : i32 to vector<8x1xi32>
      %gt3A_314 = arith.cmpi sgt, %iota3A_96, %gt3A_313 : vector<8x1xi32>
      %and3A_315 = arith.andi %and3A_311, %gt3A_314 : vector<8x1xi1>
      %jit3A_316 = arith.constant 0.000000e+00 : f32
      %broadcast_in_dim3A_317 = vector.broadcast %jit3A_316 : f32 to vector<8x1xf32>
      %select_n3A_318 = arith.select %and3A_315, %broadcast_in_dim3A_317, %select_n3A_301 : vector<8x1xi1>, vector<8x1xf32>
      %slice3A_319 = vector.extract_strided_slice %select_n3A_318 {offsets = [5, 0], sizes = [1, 1], strides = [1, 1]} : vector<8x1xf32> to vector<1x1xf32>
      %slice3A_320 = vector.extract_strided_slice %div3A_234 {offsets = [0, 5], sizes = [8, 1], strides = [1, 1]} : vector<8x8xf32> to vector<8x1xf32>
      %gt3A_321 = arith.constant 0.000000e+00 : f32
      %gt3A_322 = vector.broadcast %gt3A_321 : f32 to vector<1x1xf32>
      %gt3A_323 = arith.cmpf ogt, %slice3A_319, %gt3A_322 : vector<1x1xf32>
      %gt3A_324 = arith.constant 0.699999988 : f32
      %gt3A_325 = vector.broadcast %gt3A_324 : f32 to vector<8x1xf32>
      %gt3A_326 = arith.cmpf ogt, %slice3A_320, %gt3A_325 : vector<8x1xf32>
      %and3A_327 = vector.broadcast %gt3A_323 : vector<1x1xi1> to vector<8x1xi1>
      %and3A_328 = arith.andi %and3A_327, %gt3A_326 : vector<8x1xi1>
      %gt3A_329 = arith.constant 5 : i32
      %gt3A_330 = vector.broadcast %gt3A_329 : i32 to vector<8x1xi32>
      %gt3A_331 = arith.cmpi sgt, %iota3A_96, %gt3A_330 : vector<8x1xi32>
      %and3A_332 = arith.andi %and3A_328, %gt3A_331 : vector<8x1xi1>
      %jit3A_333 = arith.constant 0.000000e+00 : f32
      %broadcast_in_dim3A_334 = vector.broadcast %jit3A_333 : f32 to vector<8x1xf32>
      %select_n3A_335 = arith.select %and3A_332, %broadcast_in_dim3A_334, %select_n3A_318 : vector<8x1xi1>, vector<8x1xf32>
      %slice3A_336 = vector.extract_strided_slice %select_n3A_335 {offsets = [6, 0], sizes = [1, 1], strides = [1, 1]} : vector<8x1xf32> to vector<1x1xf32>
      %slice3A_337 = vector.extract_strided_slice %div3A_234 {offsets = [0, 6], sizes = [8, 1], strides = [1, 1]} : vector<8x8xf32> to vector<8x1xf32>
      %gt3A_338 = arith.constant 0.000000e+00 : f32
      %gt3A_339 = vector.broadcast %gt3A_338 : f32 to vector<1x1xf32>
      %gt3A_340 = arith.cmpf ogt, %slice3A_336, %gt3A_339 : vector<1x1xf32>
      %gt3A_341 = arith.constant 0.699999988 : f32
      %gt3A_342 = vector.broadcast %gt3A_341 : f32 to vector<8x1xf32>
      %gt3A_343 = arith.cmpf ogt, %slice3A_337, %gt3A_342 : vector<8x1xf32>
      %and3A_344 = vector.broadcast %gt3A_340 : vector<1x1xi1> to vector<8x1xi1>
      %and3A_345 = arith.andi %and3A_344, %gt3A_343 : vector<8x1xi1>
      %gt3A_346 = arith.constant 6 : i32
      %gt3A_347 = vector.broadcast %gt3A_346 : i32 to vector<8x1xi32>
      %gt3A_348 = arith.cmpi sgt, %iota3A_96, %gt3A_347 : vector<8x1xi32>
      %and3A_349 = arith.andi %and3A_345, %gt3A_348 : vector<8x1xi1>
      %jit3A_350 = arith.constant 0.000000e+00 : f32
      %broadcast_in_dim3A_351 = vector.broadcast %jit3A_350 : f32 to vector<8x1xf32>
      %select_n3A_352 = arith.select %and3A_349, %broadcast_in_dim3A_351, %select_n3A_335 : vector<8x1xi1>, vector<8x1xf32>
      %slice3A_353 = vector.extract_strided_slice %select_n3A_352 {offsets = [7, 0], sizes = [1, 1], strides = [1, 1]} : vector<8x1xf32> to vector<1x1xf32>
      %slice3A_354 = vector.extract_strided_slice %div3A_234 {offsets = [0, 7], sizes = [8, 1], strides = [1, 1]} : vector<8x8xf32> to vector<8x1xf32>
      %gt3A_355 = arith.constant 0.000000e+00 : f32
      %gt3A_356 = vector.broadcast %gt3A_355 : f32 to vector<1x1xf32>
      %gt3A_357 = arith.cmpf ogt, %slice3A_353, %gt3A_356 : vector<1x1xf32>
      %gt3A_358 = arith.constant 0.699999988 : f32
      %gt3A_359 = vector.broadcast %gt3A_358 : f32 to vector<8x1xf32>
      %gt3A_360 = arith.cmpf ogt, %slice3A_354, %gt3A_359 : vector<8x1xf32>
      %and3A_361 = vector.broadcast %gt3A_357 : vector<1x1xi1> to vector<8x1xi1>
      %and3A_362 = arith.andi %and3A_361, %gt3A_360 : vector<8x1xi1>
      %gt3A_363 = arith.constant 7 : i32
      %gt3A_364 = vector.broadcast %gt3A_363 : i32 to vector<8x1xi32>
      %gt3A_365 = arith.cmpi sgt, %iota3A_96, %gt3A_364 : vector<8x1xi32>
      %and3A_366 = arith.andi %and3A_362, %gt3A_365 : vector<8x1xi1>
      %jit3A_367 = arith.constant 0.000000e+00 : f32
      %broadcast_in_dim3A_368 = vector.broadcast %jit3A_367 : f32 to vector<8x1xf32>
      %select_n3A_369 = arith.select %and3A_366, %broadcast_in_dim3A_368, %select_n3A_352 : vector<8x1xi1>, vector<8x1xf32>
      %gt3A_370 = arith.constant 0.000000e+00 : f32
      %gt3A_371 = vector.broadcast %gt3A_370 : f32 to vector<8x1xf32>
      %gt3A_372 = arith.cmpf ogt, %select_n3A_369, %gt3A_371 : vector<8x1xf32>
      %gt3A_373 = arith.constant 0.699999988 : f32
      %gt3A_374 = vector.broadcast %gt3A_373 : f32 to vector<8x1000xf32>
      %gt3A_375 = arith.cmpf ogt, %get3A_136, %gt3A_374 : vector<8x1000xf32>
      %and3A_376 = vector.broadcast %gt3A_372 : vector<8x1xi1> to vector<8x1000xi1>
      %and3A_377 = arith.andi %and3A_376, %gt3A_375 : vector<8x1000xi1>
      %add3A_378 = vector.broadcast %mul3A_133 : i32 to vector<8x1xi32>
      %add3A_379 = arith.addi %add3A_378, %iota3A_96 : vector<8x1xi32>
      %gt3A_380 = vector.broadcast %add3A_379 : vector<8x1xi32> to vector<8x1000xi32>
      %gt3A_381 = arith.cmpi sgt, %iota3A, %gt3A_380 : vector<8x1000xi32>
      %and3A_382 = arith.andi %and3A_377, %gt3A_381 : vector<8x1000xi1>
      %jit3A_383 = arith.constant 1.000000e+00 : f32
      %jit3A_384 = arith.constant 0.000000e+00 : f32
      %broadcast_in_dim3A_385 = vector.broadcast %jit3A_383 : f32 to vector<8x1000xf32>
      %broadcast_in_dim3A_386 = vector.broadcast %jit3A_384 : f32 to vector<8x1000xf32>
      %select_n3A_387 = arith.select %and3A_382, %broadcast_in_dim3A_385, %broadcast_in_dim3A_386 : vector<8x1000xi1>, vector<8x1000xf32>
      %reduce_max3A_388 = arith.constant dense<0xFF800000> : vector<1000xf32>
      %reduce_max3A_389 = vector.multi_reduction <maximumf>, %select_n3A_387, %reduce_max3A_388 [0] : vector<8x1000xf32> to vector<1000xf32>
      %broadcast_in_dim3A_390 = vector.shape_cast %reduce_max3A_389 : vector<1000xf32> to vector<1x1000xf32>
      %gt3A_391 = arith.constant 0.000000e+00 : f32
      %gt3A_392 = vector.broadcast %gt3A_391 : f32 to vector<1x1000xf32>
      %gt3A_393 = arith.cmpf ogt, %broadcast_in_dim3A_390, %gt3A_392 : vector<1x1000xf32>
      %jit3A_394 = arith.constant 0.000000e+00 : f32
      %broadcast_in_dim3A_395 = vector.broadcast %jit3A_394 : f32 to vector<1x1000xf32>
      %select_n3A_396 = arith.select %gt3A_393, %broadcast_in_dim3A_395, %scan3A_131 : vector<1x1000xi1>, vector<1x1000xf32>
      scf.yield %select_n3A_396 : vector<1x1000xf32>
    }
    %scan3A_101 = arith.constant 125 : i32
    %gt3A = arith.constant 0.000000e+00 : f32
    %gt3A_102 = vector.broadcast %gt3A : f32 to vector<1x1000xf32>
    %gt3A_103 = arith.cmpf ogt, %scan3A_100, %gt3A_102 : vector<1x1000xf32>
    %swap3A_104 = arith.constant 0 : index
    %swap3A_105 = arith.constant 0 : index
    %swap3A_106 = arith.constant 0 : index
    %swap3A_107 = vector.load %arg4[%swap3A_104, %swap3A_105, %swap3A_106] : memref<1x1x1000xf32, #tpu.memory_space<vmem>>, vector<1x1x1000xf32>
    %swap3A_108 = vector.shape_cast %swap3A_107 : vector<1x1x1000xf32> to vector<1x1000xf32>
    %swap3A_109 = vector.shape_cast %scan3A_100 : vector<1x1000xf32> to vector<1x1x1000xf32>
    tpu.vector_store %arg4[%swap3A_104, %swap3A_105, %swap3A_106], %swap3A_109 {strides = array<i32>} : memref<1x1x1000xf32, #tpu.memory_space<vmem>>, vector<1x1x1000xf32>,
    %jit3A_110 = arith.constant 0.000000e+00 : f32
    %broadcast_in_dim3A_111 = vector.broadcast %jit3A_110 : f32 to vector<1x1000xf32>
    %select_n3A_112 = arith.select %gt3A_103, %get3A_13, %broadcast_in_dim3A_111 : vector<1x1000xi1>, vector<1x1000xf32>
    %swap3A_113 = arith.constant 0 : index
    %swap3A_114 = arith.constant 0 : index
    %swap3A_115 = arith.constant 0 : index
    %swap3A_116 = vector.load %arg5[%swap3A_113, %swap3A_114, %swap3A_115] : memref<1x1x1000xf32, #tpu.memory_space<vmem>>, vector<1x1x1000xf32>
    %swap3A_117 = vector.shape_cast %swap3A_116 : vector<1x1x1000xf32> to vector<1x1000xf32>
    %swap3A_118 = vector.shape_cast %select_n3A_112 : vector<1x1000xf32> to vector<1x1x1000xf32>
    tpu.vector_store %arg5[%swap3A_113, %swap3A_114, %swap3A_115], %swap3A_118 {strides = array<i32>} : memref<1x1x1000xf32, #tpu.memory_space<vmem>>, vector<1x1x1000xf32>,
    %jit3A_119 = arith.constant 0.000000e+00 : f32
    %broadcast_in_dim3A_120 = vector.shape_cast %gt3A_103 : vector<1x1000xi1> to vector<1x1000xi1>
    %broadcast_in_dim3A_121 = vector.broadcast %broadcast_in_dim3A_120 : vector<1x1000xi1> to vector<9x1000xi1>
    %broadcast_in_dim3A_122 = vector.broadcast %jit3A_119 : f32 to vector<9x1000xf32>
    %select_n3A_123 = arith.select %broadcast_in_dim3A_121, %get3A_8, %broadcast_in_dim3A_122 : vector<9x1000xi1>, vector<9x1000xf32>
    %swap3A_124 = arith.constant 0 : index
    %swap3A_125 = arith.constant 0 : index
    %swap3A_126 = arith.constant 0 : index
    %swap3A_127 = vector.load %arg6[%swap3A_124, %swap3A_125, %swap3A_126] : memref<1x9x1000xf32, #tpu.memory_space<vmem>>, vector<1x9x1000xf32>
    %swap3A_128 = vector.shape_cast %swap3A_127 : vector<1x9x1000xf32> to vector<9x1000xf32>
    %swap3A_129 = vector.shape_cast %select_n3A_123 : vector<9x1000xf32> to vector<1x9x1000xf32>
    tpu.vector_store %arg6[%swap3A_124, %swap3A_125, %swap3A_126], %swap3A_129 {strides = array<i32>} : memref<1x9x1000xf32, #tpu.memory_space<vmem>>, vector<1x9x1000xf32>,
    return
  }
  func.func @transform_0(%arg0: i32) -> (i32, i32, i32) {
    %c0_i32 = arith.constant 0 : i32
    %c0_i32_0 = arith.constant 0 : i32
    %c0_i32_1 = arith.constant 0 : i32
    return %arg0, %c0_i32, %c0_i32_0 : i32, i32, i32
  }
  func.func @transform_1(%arg0: i32) -> (i32, i32, i32) {
    %c0_i32 = arith.constant 0 : i32
    %c0_i32_0 = arith.constant 0 : i32
    %c0_i32_1 = arith.constant 0 : i32
    return %arg0, %c0_i32, %c0_i32_0 : i32, i32, i32
  }
  func.func @transform_2(%arg0: i32) -> (i32, i32, i32) {
    %c0_i32 = arith.constant 0 : i32
    %c0_i32_0 = arith.constant 0 : i32
    %c0_i32_1 = arith.constant 0 : i32
    return %arg0, %c0_i32, %c0_i32_0 : i32, i32, i32
  }
  func.func @transform_3(%arg0: i32) -> (i32, i32, i32) {
    %c0_i32 = arith.constant 0 : i32
    %c0_i32_0 = arith.constant 0 : i32
    %c0_i32_1 = arith.constant 0 : i32
    return %arg0, %c0_i32, %c0_i32_0 : i32, i32, i32
  }
  func.func @transform_4(%arg0: i32) -> (i32, i32, i32) {
    %c0_i32 = arith.constant 0 : i32
    %c0_i32_0 = arith.constant 0 : i32
    %c0_i32_1 = arith.constant 0 : i32
    return %arg0, %c0_i32, %c0_i32_0 : i32, i32, i32
  }
  func.func @transform_5(%arg0: i32) -> (i32, i32, i32) {
    %c0_i32 = arith.constant 0 : i32
    %c0_i32_0 = arith.constant 0 : i32
    %c0_i32_1 = arith.constant 0 : i32
    return %arg0, %c0_i32, %c0_i32_0 : i32, i32, i32
  }
}

</mosaic_0001>

<sc_bundles>
// kernel: gather_offload_async_start
scs
__scs_entry_jumppad:
0x0: {  	(pc) =	sbr.rel $0x88, $3  }
0x1: {  	(tag) =	ssettag $0x0;
	lr =	simm.s32 $0x1  }
0x2: {  	[smem:$0x3F99] =	sst lr;
	_ =	strace $0xD0000000  }
0x3: {  	_ = 	snop  }
0x4: {  	_ = 	snop  }
0x5: {  	_ = 	snop  }
0x6: {  	_ = 	snop  }
0x7: {  	_ = 	snop  }
__scs_overlays_trampoline_lowered:
0x8: {  	[smem:$0x3FA8] =	sst s0  }
0x9: {  	[smem:$0x3FA9] =	sst s1  }
0xa: {  	[smem:$0x3FAA] =	sst s2  }
0xb: {  	[smem:$0x3FAB] =	sst s3  }
0xc: {  	[smem:$0x3FAC] =	sst s4  }
0xd: {  	[smem:$0x3FAD] =	sst s5  }
0xe: {  	[smem:$0x3FAE] =	sst s6  }
0xf: {  	[smem:$0x3FAF] =	sst s7  }
0x10: {  	[smem:$0x3FB0] =	sst s8  }
0x11: {  	[smem:$0x3FB1] =	sst s9;
	s0 =	simm.s32 @!p0 $0x0  }
0x12: {  	s1 =	sld [smem:$0x3F97];
	s0 =	simm.s32 @p0 $0x1  }
0x13: {  	[smem:$0x3FB2] =	sst s0;
	s0 =	simm.s32 @!p1 $0x0  }
0x14: {  	s2 =	sld [smem:$0x3F96];
	s0 =	simm.s32 @p1 $0x1  }
0x15: {  	[smem:$0x3FB3] =	sst s0;
	s0 =	simm.s32 @!p2 $0x0  }
0x16: {  	s3 =	sld [smem:$0x3FDB];
	s0 =	simm.s32 @p2 $0x1  }
0x17: {  	s4 =	simm.s32 $0x1BF5;
	[smem:$0x3FB5] =	sst s0  }
0x18: {  	s0 =	sld [smem:$0x3F98];
	_ =	swait.ge [sflag:s4], $0x0  }
0x19: {  	s7 =	sld [smem:$0x3F99]  }
0x1a: {  	s8 =	sadd.s32 $0xFFFFE003, lr  }
0x1b: {  	s9 =	sadd.s32 $0xFFFFFEF7, lr;
	s5 =	simm.s32 $0xFFFFFFFF;
	p2 =	slt.u32 s8, $0xFFFFF086  }
0x1c: {  	p1 =	slt.u32 s9, $0xF7A;
	s5 =	simm.s32 @!p2 $0x0  }
0x1d: {  	s5 =	simm.s32 @p1 $0x1;
	p0 =	seq.s32 s7, s2  }
0x1e: {  	s7 =	smul.u32 @!p0 $0xF7A, s2;
	p2 =	seq.s32 @!p0 s5, $0x0  }
0x1f: {  	s9 =	smul.u32 $0xF7A, s1;
	s8 =	simm.s32 @!p0 $0x1BF5;
	p2 =	por !p2, p0  }
0x20: {  	[sflag:s8] =	ssyncset.s32 @!p0 $0xFFFFF086;
	s6 =	sadd.s32 @!p0 s3, s7;
	s7 =	simm.s32 @!p0 $0x108  }
0x21: {  	s3 =	sadd.s32 s3, s9;
	s6 =	sadd.s32 @!p0 $0x88, s6;
	s7 =	simm.s32 @p2 $0x1082  }
0x22: {  	[simem:s7], [sflag:s8] =	dma.local @!p0 [hbm:s6], $0xF7A  }
0x23: {  	s9 =	sor.u32 $0xD0000000, s2;
	s6 =	simm.s32 $0x108;
	_ =	swait.ge @!p0 [sflag:s8], $0x0  }
0x24: {  	s3 =	sadd.s32 $0x88, s3;
	s6 =	simm.s32 @!p1 $0x1082;
	[sflag:s4] =	ssyncset.s32 $0xFFFFF086  }
0x25: {  	[simem:s6], [sflag:s4] =	dma.local [hbm:s3], $0xF7A  }
0x26: {  	[smem:$0x3F99] =	sst s1;
	(tag) =	ssettag s2;
	_ =	strace s9  }
0x27: {  	s1 =	sld [smem:$0x3FA9]  }
0x28: {  	s2 =	sld [smem:$0x3FAA]  }
0x29: {  	s4 =	sld [smem:$0x3FAC]  }
0x2a: {  	p0 =	seq.s32 s5, $0x0;
	s5 =	sld [smem:$0x3FAD]  }
0x2b: {  	s6 =	sld [smem:$0x3FAE]  }
0x2c: {  	s7 =	sld [smem:$0x3FAF]  }
0x2d: {  	s3 =	simm.s32 $0x108;
	s8 =	sld [smem:$0x3FB0]  }
0x2e: {  	s3 =	simm.s32 @!p0 $0x1082;
	s9 =	sld [smem:$0x3FB1]  }
0x2f: {  	lr =	sadd.s32 s0, s3;
	s0 =	sld [smem:$0x3FA8]  }
0x30: {  	s3 =	sld [smem:$0x3FAB]  }
0x31: {  	[smem:$0x3FB4] =	sst s10  }
0x32: {  	s10 =	sld [smem:$0x3FB2];
	_ =	sdelay $0x3  }
0x33: {  	p0 =	seq.s32 s10, $0x1;
	s10 =	sld [smem:$0x3FB4];
	_ =	sdelay $0x3  }
0x34: {  	[smem:$0x3FB4] =	sst s10  }
0x35: {  	s10 =	sld [smem:$0x3FB3];
	_ =	sdelay $0x3  }
0x36: {  	p1 =	seq.s32 s10, $0x1;
	s10 =	sld [smem:$0x3FB4];
	_ =	sdelay $0x3  }
0x37: {  	[smem:$0x3FB4] =	sst s10  }
0x38: {  	s10 =	sld [smem:$0x3FB5]  }
0x39: {  	_ = 	snop;
	(pc) =	sbr.ind lr, $3  }
0x3a: {  	_ = 	snop  }
0x3b: {  	_ = 	snop  }
0x3c: {  	p2 =	seq.s32 s10, $0x1;
	s10 =	sld [smem:$0x3FB4]  }
0x3d: {  	_ =	shalt  }
0x3e: {  	_ =	shalt  }
0x3f: {  	_ =	shalt  }
0x40: {  	_ =	shalt  }
0x41: {  	_ =	shalt  }
0x42: {  	_ =	shalt  }
0x43: {  	_ =	shalt  }
0x44: {  	_ =	shalt  }
0x45: {  	_ =	shalt  }
0x46: {  	_ =	shalt  }
0x47: {  	_ =	shalt  }
0x48: {  	_ =	shalt  }
0x49: {  	_ =	shalt  }
0x4a: {  	_ =	shalt  }
0x4b: {  	_ =	shalt  }
0x4c: {  	_ =	shalt  }
0x4d: {  	_ =	shalt  }
0x4e: {  	_ =	shalt  }
0x4f: {  	_ =	shalt  }
0x50: {  	_ =	shalt  }
0x51: {  	_ =	shalt  }
0x52: {  	_ =	shalt  }
0x53: {  	_ =	shalt  }
0x54: {  	_ =	shalt  }
0x55: {  	_ =	shalt  }
0x56: {  	_ =	shalt  }
0x57: {  	_ =	shalt  }
0x58: {  	_ =	shalt  }
0x59: {  	_ =	shalt  }
0x5a: {  	_ =	shalt  }
0x5b: {  	_ =	shalt  }
0x5c: {  	_ =	shalt  }
0x5d: {  	_ =	shalt  }
0x5e: {  	_ =	shalt  }
0x5f: {  	_ =	shalt  }
0x60: {  	_ =	shalt  }
0x61: {  	_ =	shalt  }
0x62: {  	_ =	shalt  }
0x63: {  	_ =	shalt  }
0x64: {  	_ =	shalt  }
0x65: {  	_ =	shalt  }
0x66: {  	_ =	shalt  }
0x67: {  	_ =	shalt  }
0x68: {  	_ =	shalt  }
0x69: {  	_ =	shalt  }
0x6a: {  	_ =	shalt  }
0x6b: {  	_ =	shalt  }
0x6c: {  	_ =	shalt  }
0x6d: {  	_ =	shalt  }
0x6e: {  	_ =	shalt  }
0x6f: {  	_ =	shalt  }
0x70: {  	_ =	shalt  }
0x71: {  	_ =	shalt  }
0x72: {  	_ =	shalt  }
0x73: {  	_ =	shalt  }
0x74: {  	_ =	shalt  }
0x75: {  	_ =	shalt  }
0x76: {  	_ =	shalt  }
0x77: {  	_ =	shalt  }
0x78: {  	_ =	shalt  }
0x79: {  	_ =	shalt  }
0x7a: {  	_ =	shalt  }
0x7b: {  	_ =	shalt  }
0x7c: {  	_ =	shalt  }
0x7d: {  	_ =	shalt  }
0x7e: {  	_ =	shalt  }
0x7f: {  	_ =	shalt  }
0x80: {  	_ =	shalt  }
0x81: {  	_ =	shalt  }
0x82: {  	_ =	shalt  }
0x83: {  	_ =	shalt  }
0x84: {  	_ =	shalt  }
0x85: {  	_ =	shalt  }
0x86: {  	_ =	shalt  }
0x87: {  	_ =	shalt  }
.Lfunc_end0:
.L_simem_size_0:
called_computation_lowered:
.L_overlay_start_0:
0x88: {  	s0 =	sld [smem:$0x3FD9]  }
0x89: {  	s1 =	sld [smem:$0x3FFE];
	_ =	sdelay $0x3  }
0x8a: {  	s0 =	sadd.s32 s1, s0  }
0x8b: {  	[smem:$0x3FC0] =	sst s0  }
0x8c: {  	_ = 	snop  }
0x8d: {  	s0 =	sld [smem:$0x3FD0];
	_ =	sdelay $0x2  }
0x8e: {  	s13 =	simm.s32 $0xA;
	s2 =	simm.s32 $0x10  }
0x8f: {  	[smem:s2], [sflag:s13] =	dma.local [hbm:s0], $0x1  }
0x90: {  	_ =	swait.eq [sflag:s13], $0x1  }
0x91: {  	[sflag:s13] =	ssyncset.done $0x0  }
0x92: {  	[sflag:s13] =	ssyncadd.s32 $0xFFFFFFFF  }
0x93: {  	s14 =	sld [smem:$0x11];
	(tm) =	ssettm $0x1  }
0x94: {  	s15 =	sld [smem:$0x3FFB];
	_ =	sdelay $0x3  }
0x95: {  	_ =	strace s15  }
0x96: {  	s1 =	sld [smem:$0x3FFC];
	_ =	sdelay $0x3  }
0x97: {  	_ =	strace s1  }
0x98: {  	s1 =	sld [smem:$0x3FFD];
	_ =	sdelay $0x3  }
0x99: {  	_ =	strace s1  }
0x9a: {  	_ =	strace $0x8FFFFFFF  }
0x9b: {  	s16 =	sld [smem:$0x3FDB];
	_ =	sdelay $0x1  }
0x9c: {  	s17 =	simm.s32 $_scs_section_size  }
0x9d: {  	s3 =	simm.s32 $_size__tile_overlayer_lowered;
	s4 =	simm.s32 $_tile_overlayer_lowered  }
0x9e: {  	s20 =	simm.s32 $0x1BFF;
	s19 =	sshll.u32 s4, $0x1;
	s1 =	sadd.s32 s17, s16  }
0x9f: {  	s5 =	simm.s32 $0x0;
	s18 =	sshll.u32 s3, $0x1;
	s3 =	sadd.s32 s19, s1  }
0xa0: {  	[timem:s5], [sflag:s20] =	dma.local [hbm:s3], s18  }
0xa1: {  	_ =	swait.ge [sflag:s20], s18  }
0xa2: {  	s2 =	ssub.s32 $0x0, s18;
	[sflag:s20] =	ssyncset.done $0x0  }
0xa3: {  	[sflag:s20] =	ssyncadd.s32 s2;
	_ =	sdelay $0x1  }
0xa4: {  	s21 =	simm.s32 $0x1B8B  }
0xa5: {  	_ =	swait.ge [sflag:s21], $0x1  }
0xa6: {  	[sflag:s21] =	ssyncset.done $0x0  }
0xa7: {  	s23 =	simm.s32 $0x1B8E;
	s22 =	sld [smem:$0x3FFE];
	[sflag:s21] =	ssyncadd.s32 $0xFFFFFFFF  }
0xa8: {  	s24 =	simm.s32 $execute0_lowered;
	[smem:$0x3FD2] =	sst s23  }
0xa9: {  	s3 =	sshll.u32 s24, $0x1;
	_ =	strace $0x80000046;
	[dreg:$0x1] =	wrdreg $0xFFFFFFFF  }
0xaa: {  	s25 =	simm.s32 $_size_execute0_lowered;
	s1 =	sadd.s32 s1, s3;
	[dreg:$0x0] =	wrdreg $0x0  }
0xab: {  	s3 =	sshll.u32 s25, $0x1;
	[dreg:$0x2] =	wrdreg s1  }
0xac: {  	[dreg:$0x3] =	wrdreg s3  }
0xad: {  	[dreg:$0x4] =	wrdreg $0xC0  }
0xae: {  	_ =	task [dreg:s5], $0x5FFFF  }
0xaf: {  	[dreg:$0x1] =	wrdreg $0xFFFFFFFF  }
0xb0: {  	[dreg:$0x0] =	wrdreg $0x60  }
0xb1: {  	[dreg:$0x2] =	wrdreg s22  }
0xb2: {  	[dreg:$0x3] =	wrdreg s14  }
0xb3: {  	[dreg:$0x4] =	wrdreg $0x9  }
0xb4: {  	_ =	task.clear_ibuf [dreg:s5], $0x5FFFF;
	_ =	strace $0x90000046  }
0xb5: {  	s26 =	simm.s32 $0x9;
	_ =	strace $0x80000048  }
0xb6: {  	_ =	swait.ge [sflag:s26], $0x1  }
0xb7: {  	[sflag:s26] =	ssyncadd.s32 $0xFFFFFFFF  }
0xb8: {  	_ =	strace $0x90000048  }
0xb9: {  	_ =	sfence  }
0xba: {  	s28 =	sld [smem:$0x0];
	_ =	sdelay $0x1  }
0xbb: {  	s29 =	srdreg.scid  }
0xbc: {  	s30 =	sshll.u32 s29, $0xD;
	s31 =	sshrl.u32 s29, $0x2  }
0xbd: {  	s2 =	sand.u32 $0x4000, s30;
	s1 =	sand.u32 $0x1, s29;
	s0 =	sadd.s32 s31, s28  }
0xbe: {  	s1 =	sor.u32 s2, s1;
	s0 =	sshll.u32 s0, $0x11  }
0xbf: {  	s0 =	sor.u32 s0, s1  }
0xc0: {  	s0 =	sadd.s32 $0x8F2B, s0  }
0xc1: {  	[sflag:s0] =	ssyncadd.remote.s32 $0x1  }
0xc2: {  	_ =	sfence.sel $0xFFFF  }
0xc3: {  	[dreg:$0x0] =	wrdreg $0xFFFFFFFF;
	(pc) =	sbr.abs _section_cstart, $3  }
0xc4: {  	[dreg:$0x1] =	wrdreg $0xFFFFFFFF  }
0xc5: {  	_ =	task.clear_ibuf [dreg:s5], $0x2FFFF;
	_ =	strace $0x9FFFFFFF  }
0xc6: {  	(tm) =	ssettm $0x7FFFFFFF  }
0xc7: {  	_ =	shalt  }
tec
execute0_lowered:
.L_overlay_start_1:
0x0: {  	(tag) =	ssettag $0x1  }
0x1: {  	s0 =	stileid.u32  }
0x2: {  	s1 =	smin.u32 s0, $0x9  }
0x3: {  	s1 =	sadd.s32 s0, s1  }
0x4: {  	s2 =	simm.s32 $0xA0;
	p0 =	slt.u32 s0, $0x9;
	s1 =	smul.u32 $0x50, s1  }
0x5: {  	s2 =	simm.s32 @!p0 $0x50  }
0x6: {  	s2 =	sadd.s32 s2, s1  }
0x7: {  	s3 =	smin.u32 s2, $0x7D0  }
0x8: {  	s7 =	ssub.s32 s3, s1  }
0x9: {  	p0 =	sgt.s32 s7, $0x0  }
0xa: {  	s7 =	simm.s32 @!p0 $0x0  }
0xb: {  	s4 =	rddreg [dreg:$0x0];
	s31 =	smul.u32 $0xCCCD, s7  }
0xc: {  	s5 =	rddreg [dreg:$0x1]  }
0xd: {  	s6 =	simm.s32 $0x1;
	s10 =	simm.s32 $0x3;
	s8 =	sshrl.u32 s31, $0x16  }
0xe: {  	s13 =	simm.s32 $0x0;
	s12 =	simm.s32 $0x0;
	s9 =	smul.u32 $0x50, s8  }
.Ltmp0:
0xf: {  	s11 =	smov.u32 s1;
	s2 =	rddreg [dreg:$0x2];
	(pc) =	sbr.rel .LBB2_1-.Ltmp0, $4  }
0x10: {  	_ =	strace $0x80000047;
	p0 =	sne.s32 s7, s9;
	s9 =	simm.s32 $0x1  }
0x11: {  	[sflag:s6] =	ssyncpa.u1 $0x0;
	s7 =	simm.s32 $0x2;
	s9 =	simm.s32 @!p0 $0x0  }
0x12: {  	[sflag:s7] =	ssyncpa.u1 $0x0;
	p0 =	por $0x0, $0x0;
	s8 =	sadd.s32 s8, s9  }
0x13: {  	v0 =	vimm.s32 $0x0;
	vm0 =	vmmov $0xff;
	vm1 =	vcmask $0x3F20;
	s9 =	sadd.s32 $0x9C400, s4;
	[sflag:s10] =	ssyncpa.u1 $0x0;
	s10 =	sadd.s32 $0x1, s8  }
.LBB2_6:
0x14: {  	[hbm:s17] =	stream.linear.scatter [tilespmem:s14], [sflag:$0x3], $0x400, $0x38;
	[tilespmem:$0x50A0] =	vst v63  }
.LBB2_7:
0x15: {  	s13 =	sadd.s32 $0x50, s11  }
0x16: {  	s15 =	smov.u32 s1;
	p2 =	slt.s32 s13, s3  }
0x17: {  	s15 =	smov.u32 @p2 s13;
	p2 =	sne.s32 s12, s10  }
.Ltmp1:
0x18: {  	p1 =	slt.u32 s12, $0x2;
	(pc) =	sbr.rel @!p2 .LBB2_8-.Ltmp1, $4  }
0x19: {  	s14 =	simm.s32 @!p1 $0x3  }
0x1a: {  	s16 =	sadd.s32 $0x1, s12;
	_ =	swait.ge @!p1 [sflag:s14], $0x2800  }
0x1b: {  	p0 =	por !p0, !p0;
	s13 =	smov.u32 s11;
	[sflag:s14] =	ssyncset.done @!p1 $0x0  }
0x1c: {  	s12 =	smov.u32 s16;
	s11 =	smov.u32 s15;
	[sflag:s14] =	ssyncadd.s32 @!p1 $0xFFFFD800  }
.LBB2_1:
0x1d: {  	p1 =	sge.u32 s12, s8  }
0x1e: {  	s14 =	sxor.u32 @!p1 $0xFFFFFFFF, s12  }
0x1f: {  	s14 =	sand.u32 @!p1 $0x1, s14  }
0x20: {  	s14 =	smul.u32 @!p1 $0x140, s14  }
0x21: {  	s31 =	sadd.s32 $0xFFFFFFFF, s12;
	s15 =	sshrl.u32 @!p1 s11, $0x3  }
0x22: {  	s16 =	sand.u32 @!p1 $0x7, s11;
	s15 =	sadd.s32 @!p1 s5, s15;
	s14 =	sshrl.u32 @!p1 s14, $0x2  }
0x23: {  	[tilespmem:s14], [sflag:$0x2] =	stream.linear.gather @!p1 [hbm4b:s15+s16], $0x50, $0x38;
	[tilespmem:$0x50A0] =	vst v63  }
0x24: {  	p1 =	sge.u32 s31, s8  }
.Ltmp2:
0x25: {  	_ = 	snop;
	(pc) =	sbr.rel @p1 .LBB2_7-.Ltmp2, $1  }
0x26: {  	_ =	sdelay $0x3  }
0x27: {  	s14 =	simm.s32 $0x1  }
0x28: {  	s14 =	simm.s32 @!p0 $0x0  }
0x29: {  	s15 =	smul.u32 $0x140, s14  }
0x2a: {  	_ =	swait.ge [sflag:s7], $0x50  }
0x2b: {  	[sflag:s7] =	ssyncset.done $0x0;
	s16 =	sshrl.u32 s15, $0x2  }
0x2c: {  	[sflag:s7] =	ssyncadd.s32 $0xFFFFFFB0;
	s15 =	sadd.s32 $0x0, s16  }
0x2d: {  	v1 =	vld.msk [tilespmem:s15+$0x0 ss:$0x1], $0xffff;
	_ =	sdelay $0x4  }
0x2e: {  	v2 =	vand.u32 $0x1, v1;
	v3 =	vshll.u32 v1, $0x6  }
0x2f: {  	vm2 =	veq.s32 v1, $0x80000000;
	vm3 =	veq.s32 v2, $0x1;
	v1 =	vand.u32 $0x3FFF80, v3  }
0x30: {  	v2 =	vsel vm3, $0x271000, v0;
	v1 =	vsel vm2, $0xFFFFFF80, v1  }
0x31: {  	v2 =	vsel vm2, $0xFFD8F000, v2;
	v3 =	vand.u32 $0xFFFFFC00, v1  }
0x32: {  	v1 =	vand.u32 $0x380, v1;
	v2 =	vadd.s32 v2, v3  }
0x33: {  	v1 =	vor.u32 v1, v2  }
0x34: {  	v1 =	vshrl.u32 v1, $0x3  }
0x35: {  	s14 =	smul.u32 $0xA000, s14;
	_ =	sdelay $0x1  }
0x36: {  	s14 =	sshrl.u32 s14, $0x2  }
0x37: {  	s14 =	sor.u32 $0xA0, s14  }
0x38: {  	[tilespmem:s14], [sflag:$0x1] =	stream.indirect_vreg.gather [hbm:s4], $0x80, v1, vm0, $0x38;
	[tilespmem:$0x50A0] =	vst v63  }
0x39: {  	s17 =	sadd.s32 $0x10, s16;
	s15 =	sadd.s32 $0x400, s14  }
0x3a: {  	[tilespmem:s15], [sflag:$0x1] =	stream.indirect_vreg.gather [hbm:s4], $0x80, v1, vm1, $0x38;
	[tilespmem:$0x50A0] =	vst v63  }
0x3b: {  	s18 =	simm.s32 $0x80;
	v1 =	vld.msk [tilespmem:s17+$0x0 ss:$0x1], $0xffff;
	s17 =	smov.u32 s14  }
.LBB2_3:
0x3c: {  	p1 =	sne.s32 s18, $0x100;
	_ =	sdelay $0x4  }
0x3d: {  	v2 =	vand.u32 $0x1, v1;
	v3 =	vshll.u32 v1, $0x6  }
0x3e: {  	vm2 =	veq.s32 v1, $0x80000000;
	vm3 =	veq.s32 v2, $0x1;
	v1 =	vand.u32 $0x3FFF80, v3  }
0x3f: {  	v2 =	vsel vm3, $0x271000, v0;
	v1 =	vsel vm2, $0xFFFFFF80, v1  }
0x40: {  	v2 =	vsel vm2, $0xFFD8F000, v2;
	v3 =	vand.u32 $0xFFFFFC00, v1  }
0x41: {  	v1 =	vand.u32 $0x380, v1;
	v2 =	vadd.s32 v2, v3  }
0x42: {  	v1 =	vor.u32 v1, v2  }
0x43: {  	v1 =	vshrl.u32 v1, $0x3;
	_ =	sdelay $0x3  }
.Ltmp3:
0x44: {  	s19 =	sshra.s32 s18, $0x2;
	s17 =	sadd.s32 $0x800, s17;
	(pc) =	sbr.rel @p1 .LBB2_3-.Ltmp3, $4  }
0x45: {  	[tilespmem:s17], [sflag:$0x1] =	stream.indirect_vreg.gather [hbm:s4], $0x80, v1, vm0, $0x38;
	[tilespmem:$0x50A0] =	vst v63  }
0x46: {  	s19 =	sadd.s32 s19, s16;
	s20 =	sadd.s32 $0x400, s17  }
0x47: {  	[tilespmem:s20], [sflag:$0x1] =	stream.indirect_vreg.gather [hbm:s4], $0x80, v1, vm1, $0x38;
	[tilespmem:$0x50A0] =	vst v63  }
0x48: {  	s18 =	sadd.s32 $0x40, s18;
	v1 =	vld.msk [tilespmem:s19+$0x0 ss:$0x1], $0xffff  }
0x49: {  	_ =	sdelay $0x3  }
0x4a: {  	v2 =	vand.u32 $0x1, v1;
	v3 =	vshll.u32 v1, $0x6  }
0x4b: {  	vm2 =	veq.s32 v1, $0x80000000;
	vm3 =	veq.s32 v2, $0x1;
	v1 =	vand.u32 $0x3FFF80, v3  }
0x4c: {  	v2 =	vsel vm3, $0x271000, v0;
	v1 =	vsel vm2, $0xFFFFFF80, v1  }
0x4d: {  	v2 =	vsel vm2, $0xFFD8F000, v2;
	v3 =	vand.u32 $0xFFFFFC00, v1  }
0x4e: {  	v1 =	vand.u32 $0x380, v1;
	v2 =	vadd.s32 v2, v3  }
0x4f: {  	v1 =	vor.u32 v1, v2  }
0x50: {  	v1 =	vshrl.u32 v1, $0x3;
	_ =	sdelay $0x3  }
0x51: {  	s16 =	sadd.s32 $0x800, s17  }
0x52: {  	[tilespmem:s16], [sflag:$0x1] =	stream.indirect_vreg.gather [hbm:s4], $0x80, v1, vm0, $0x38;
	[tilespmem:$0x50A0] =	vst v63  }
0x53: {  	s16 =	sadd.s32 $0x400, s16  }
0x54: {  	[tilespmem:s16], [sflag:$0x1] =	stream.indirect_vreg.gather [hbm:s4], $0x80, v1, vm1, $0x38;
	[tilespmem:$0x50A0] =	vst v63  }
0x55: {  	s13 =	sshll.u32 s13, $0x4;
	_ =	swait.ge [sflag:s6], $0x2800  }
0x56: {  	s13 =	sadd.s32 s13, s9;
	[sflag:s6] =	ssyncset.done $0x0  }
0x57: {  	s17 =	sadd.s32 $0x0, s13;
	s16 =	simm.s32 $0x80;
	[sflag:s6] =	ssyncadd.s32 $0xFFFFD800  }
.LBB2_5:
0x58: {  	[hbm:s17] =	stream.linear.scatter [tilespmem:s14], [sflag:$0x3], $0x400, $0x38;
	[tilespmem:$0x50A0] =	vst v63  }
0x59: {  	s17 =	smov.u32 s16;
	s14 =	smov.u32 s15;
	p1 =	sne.s32 s16, $0x480  }
.Ltmp4:
0x5a: {  	s16 =	sadd.s32 $0x80, s16;
	(pc) =	sbr.rel @p1 .LBB2_5-.Ltmp4, $2  }
0x5b: {  	_ =	sdelay $0x2  }
0x5c: {  	s15 =	sadd.s32 $0x400, s15;
	s17 =	sadd.s32 s17, s13  }
.Ltmp5:
0x5d: {  	_ = 	snop;
	(pc) =	sbr.rel .LBB2_6-.Ltmp5, $1  }
0x5e: {  	_ =	sdelay $0x3  }
.LBB2_8:
0x5f: {  	_ =	sfence.sel $0x180000  }
0x60: {  	s1 =	simm.s32 $0x2;
	[bflag:$0x0] =	sbarrier.arrive $0xFFFF  }
0x61: {  	s30 =	simm.s32 $0x3;
	[sflag:s1] =	ssyncpa.u1 $0x1  }
0x62: {  	s31 =	simm.s32 $0x1;
	[sflag:s30] =	ssyncpa.u1 $0x1  }
0x63: {  	[sflag:s31] =	ssyncpa.u1 $0x1  }
0x64: {  	p0 =	sne.s32 s0, $0x0;
	_ =	strace $0x90000047  }
0x65: {  	s0 =	sadd.s32 @!p0 $0x100000, s2;
	[bflag:$0x2] =	sbarrier.arrive $0xFFFF  }
0x66: {  	[sflag:s0] =	ssyncadd.tile.s32 @!p0 $0x1;
	_ =	shalt  }
.Lfunc_end2:
_tile_overlayer_lowered:
.L_overlay_start_2:
0x67: {  	(tag) =	ssettag $0x2  }
0x68: {  	s0 =	rddreg [dreg:$0x0];
	s2 =	stileid.u32  }
0x69: {  	s1 =	rddreg [dreg:$0x1];
	p0 =	sne.s32 s2, $0x0  }
0x6a: {  	s3 =	rddreg [dreg:$0x2];
	[bflag:$0x3] =	sbarrier.arrive $0xFFFF;
	s2 =	simm.s32 @!p0 $0x1C01  }
0x6b: {  	[timem:s3], [sflag:s2] =	dma.local @!p0 [hbm:s0], s1  }
0x6c: {  	s0 =	simm.s32 @!p0 $0x1  }
0x6d: {  	_ =	swait.ge @!p0 [sflag:s0], s1  }
0x6e: {  	s1 =	ssub.s32 @!p0 $0x0, s1;
	[sflag:s0] =	ssyncset.done @!p0 $0x0  }
0x6f: {  	[sflag:s0] =	ssyncadd.s32 @!p0 s1  }
0x70: {  	[bflag:$0x3] =	sbarrier.arrive $0xFFFF  }
0x71: {  	_ =	shalt  }

</sc_bundles>
